<compile_context>
chip_gen: v7x
topology: tpu7x:2x2x1
jax: 0.10.2.dev20260603
libtpu: 0.0.44.dev20260713+nightly
codegen_flags: <defaults>
</compile_context>

<pallas_src>
import functools

import jax
import jax.numpy as jnp
from jax import lax
from jax.experimental import pallas as pl
from jax.experimental.pallas import tpu as pltpu
from jax.experimental.pallas import tpu_sc as plsc

N = 10000
E = 320000
DF = 128
DG = 128
D1 = 64
D2 = 16

NC = 2
NS = 16
NW = NC * NS
EPW = E // NW
NPAD = 10240
SPW = NPAD // NS

CHUNK = 80
NCHUNK = EPW // CHUNK


def _mesh():
    return plsc.VectorSubcoreMesh(core_axis_name="c", subcore_axis_name="s")


def _zero_ref(ref, nrows, ncols16):
    def body(r, _):
        for c in range(ncols16):
            ref[r, pl.ds(c * 16, 16)] = jnp.zeros((16,), jnp.float32)
        return 0
    lax.fori_loop(0, nrows, body, 0, unroll=4)


@functools.cache
def _make_sc_degrees():
    @functools.partial(
        pl.kernel,
        mesh=_mesh(),
        compiler_params=pltpu.CompilerParams(use_tc_tiling_on_sc=False),
        out_type=(
            jax.ShapeDtypeStruct((NC, NPAD), jnp.float32),
            jax.ShapeDtypeStruct((NC, NPAD), jnp.float32),
        ),
        scratch_types=(
            pltpu.VMEM_SHARED((NPAD,), jnp.float32),
            pltpu.VMEM_SHARED((NPAD,), jnp.float32),
            pltpu.VMEM((EPW,), jnp.int32),
            pltpu.VMEM((EPW,), jnp.int32),
            pltpu.VMEM((EPW,), jnp.float32),
            pltpu.VMEM((SPW,), jnp.float32),
        ),
    )
    def sc_degrees(e_hbm, indeg_hbm, outdeg_hbm,
                   in_acc, out_acc, ridx, cidx, ones_v, zbuf):
        c = lax.axis_index("c")
        s = lax.axis_index("s")
        wid = c * NS + s
        pltpu.sync_copy(e_hbm.at[0, wid], ridx)
        pltpu.sync_copy(e_hbm.at[1, wid], cidx)

        def fill(j, _):
            ones_v[pl.ds(j * 16, 16)] = jnp.ones((16,), jnp.float32)
            return 0

        lax.fori_loop(0, EPW // 16, fill, 0, unroll=4)
        for j in range(SPW // 16):
            zbuf[pl.ds(j * 16, 16)] = jnp.zeros((16,), jnp.float32)
        pltpu.sync_copy(zbuf, in_acc.at[pl.ds(s * SPW, SPW)])
        pltpu.sync_copy(zbuf, out_acc.at[pl.ds(s * SPW, SPW)])
        plsc.subcore_barrier()

        pltpu.sync_copy(ones_v, out_acc.at[ridx], add=True)
        pltpu.sync_copy(ones_v, in_acc.at[cidx], add=True)
        plsc.subcore_barrier()
        pltpu.sync_copy(in_acc.at[pl.ds(s * SPW, SPW)],
                        indeg_hbm.at[c, pl.ds(s * SPW, SPW)])
        pltpu.sync_copy(out_acc.at[pl.ds(s * SPW, SPW)],
                        outdeg_hbm.at[c, pl.ds(s * SPW, SPW)])

    return sc_degrees


def _sc_degrees(e2):
    return _make_sc_degrees()(e2)


def _edge_pipeline(g_hbm, acc, ridx, cidx, rows_a, rows_b,
                   gsa, gsb, ssa, ssb, chunk, nchunk):
    def ri(c):
        return ridx.at[pl.ds(c * chunk, chunk)]

    def ci(c):
        return cidx.at[pl.ds(c * chunk, chunk)]

    pltpu.async_copy(g_hbm.at[ri(0)], rows_a, gsa)
    pltpu.make_async_copy(g_hbm.at[ri(0)], rows_a, gsa).wait()
    pltpu.async_copy(rows_a, acc.at[ci(0)], ssa, add=True)
    pltpu.async_copy(g_hbm.at[ri(1)], rows_b, gsb)

    def body(j, _):
        c0 = 1 + 2 * j
        pltpu.make_async_copy(g_hbm.at[ri(c0)], rows_b, gsb).wait()
        pltpu.async_copy(rows_b, acc.at[ci(c0)], ssb, add=True)
        pltpu.make_async_copy(rows_a, acc.at[ci(c0 - 1)], ssa).wait()
        pltpu.async_copy(g_hbm.at[ri(c0 + 1)], rows_a, gsa)
        c1 = c0 + 1
        pltpu.make_async_copy(g_hbm.at[ri(c1)], rows_a, gsa).wait()
        pltpu.async_copy(rows_a, acc.at[ci(c1)], ssa, add=True)
        pltpu.make_async_copy(rows_b, acc.at[ci(c1 - 1)], ssb).wait()

        @pl.when(c1 + 1 < nchunk)
        def _():
            pltpu.async_copy(g_hbm.at[ri(c1 + 1)], rows_b, gsb)

        return 0

    lax.fori_loop(0, (nchunk - 1) // 2, body, 0)
    pltpu.make_async_copy(rows_a, acc.at[ci(nchunk - 1)], ssa).wait()


@functools.cache
def _make_sc_agg():
    @functools.partial(
        pl.kernel,
        mesh=_mesh(),
        compiler_params=pltpu.CompilerParams(use_tc_tiling_on_sc=False),
        out_type=jax.ShapeDtypeStruct((NC, NPAD, DG), jnp.float32),
        scratch_types=(
            pltpu.VMEM_SHARED((NPAD, DG), jnp.float32),
            pltpu.VMEM((EPW,), jnp.int32),
            pltpu.VMEM((EPW,), jnp.int32),
            pltpu.VMEM((CHUNK, DG), jnp.float32),
            pltpu.VMEM((CHUNK, DG), jnp.float32),
            pltpu.SemaphoreType.DMA,
            pltpu.SemaphoreType.DMA,
            pltpu.SemaphoreType.DMA,
            pltpu.SemaphoreType.DMA,
        ),
    )
    def sc_agg(e_hbm, y_hbm, out_hbm,
               acc, ridx, cidx, rows_a, rows_b, gsa, gsb, ssa, ssb):
        c = lax.axis_index("c")
        s = lax.axis_index("s")
        wid = c * NS + s
        pltpu.sync_copy(e_hbm.at[0, wid], ridx)
        pltpu.sync_copy(e_hbm.at[1, wid], cidx)
        _zero_ref(rows_a, CHUNK, DG // 16)
        for j in range(SPW // CHUNK):
            pltpu.sync_copy(
                rows_a, acc.at[pl.ds(s * SPW + j * CHUNK, CHUNK), :])
        plsc.subcore_barrier()

        _edge_pipeline(y_hbm, acc, ridx, cidx, rows_a, rows_b,
                       gsa, gsb, ssa, ssb, CHUNK, NCHUNK)

        plsc.subcore_barrier()
        pltpu.sync_copy(acc.at[pl.ds(s * SPW, SPW), :],
                        out_hbm.at[c, pl.ds(s * SPW, SPW), :])

    return sc_agg


def _sc_agg(e2, Y):
    return _make_sc_agg()(e2, Y)


LCHUNK = 2000
LNCHUNK = EPW // LCHUNK


@functools.cache
def _make_sc_lap():
    @functools.partial(
        pl.kernel,
        mesh=_mesh(),
        compiler_params=pltpu.CompilerParams(use_tc_tiling_on_sc=False),
        out_type=jax.ShapeDtypeStruct((NC, NPAD, D2), jnp.float32),
        scratch_types=(
            pltpu.VMEM_SHARED((NPAD, D2), jnp.float32),
            pltpu.VMEM((EPW,), jnp.int32),
            pltpu.VMEM((EPW,), jnp.int32),
            pltpu.VMEM((LCHUNK, D2), jnp.float32),
            pltpu.VMEM((LCHUNK, D2), jnp.float32),
            pltpu.SemaphoreType.DMA,
            pltpu.SemaphoreType.DMA,
            pltpu.SemaphoreType.DMA,
            pltpu.SemaphoreType.DMA,
        ),
    )
    def sc_lap(e_hbm, u_hbm, out_hbm,
               acc, ridx, cidx, rows_a, rows_b, gsa, gsb, ssa, ssb):
        c = lax.axis_index("c")
        s = lax.axis_index("s")
        wid = c * NS + s
        pltpu.sync_copy(e_hbm.at[1, wid], ridx)
        pltpu.sync_copy(e_hbm.at[0, wid], cidx)
        _zero_ref(rows_a, SPW, D2 // 16)
        pltpu.sync_copy(rows_a.at[pl.ds(0, SPW), :],
                        acc.at[pl.ds(s * SPW, SPW), :])
        plsc.subcore_barrier()

        _edge_pipeline(u_hbm, acc, ridx, cidx, rows_a, rows_b,
                       gsa, gsb, ssa, ssb, LCHUNK, LNCHUNK)

        plsc.subcore_barrier()
        pltpu.sync_copy(acc.at[pl.ds(s * SPW, SPW), :],
                        out_hbm.at[c, pl.ds(s * SPW, SPW), :])

    return sc_lap


def _sc_lap(e2, U):
    return _make_sc_lap()(e2, U)


RB = 2000
RBA = 2000


def _tca_body(feat, w1, indeg_p, outdeg_p,
              y_o, dinv_o, dinvl_o):
    xw = jnp.dot(feat[...], w1[...], preferred_element_type=jnp.float32)
    indeg = indeg_p[0] + indeg_p[1]
    outdeg = outdeg_p[0] + outdeg_p[1]
    dinv = lax.rsqrt(indeg + 1.0)
    dinvl = jnp.where(outdeg > 0, lax.rsqrt(jnp.maximum(outdeg, 1.0)), 0.0)
    y_o[...] = dinv * xw
    dinv_o[...] = dinv
    dinvl_o[...] = dinvl


def _tc_a(features, W1, indeg_p, outdeg_p):
    g = N // RBA
    degp_spec = pl.BlockSpec((NC, RBA, 1), lambda i: (0, i, 0))
    deg_spec = pl.BlockSpec((RBA, 1), lambda i: (i, 0))
    return pl.pallas_call(
        _tca_body,
        grid=(g,),
        in_specs=[
            pl.BlockSpec((RBA, DF), lambda i: (i, 0)),
            pl.BlockSpec((DF, DG), lambda i: (0, 0)),
            degp_spec, degp_spec,
        ],
        out_specs=[
            pl.BlockSpec((RBA, DG), lambda i: (i, 0)),
            deg_spec, deg_spec,
        ],
        out_shape=[
            jax.ShapeDtypeStruct((N, DG), jnp.float32),
            jax.ShapeDtypeStruct((N, 1), jnp.float32),
            jax.ShapeDtypeStruct((N, 1), jnp.float32),
        ],
    )(features, W1, indeg_p.reshape(NC, NPAD, 1),
      outdeg_p.reshape(NC, NPAD, 1))


def _tcb_body(agg_p, y, dinv, dinvl, b1, w1, bb1, w2, bb2,
              u_o, cs_o, sts_o):
    di = dinv[...]
    agg = agg_p[0] + agg_p[1]
    nf2 = di * (agg + y[...]) + b1[...]
    h1 = jnp.tanh(jnp.dot(nf2, w1[...], preferred_element_type=jnp.float32)
                  + bb1[...])
    lg = jnp.dot(h1, w2[...], preferred_element_type=jnp.float32) + bb2[...]
    m = jnp.max(lg, axis=1, keepdims=True)
    ex = jnp.exp(lg - m)
    S = ex / jnp.sum(ex, axis=1, keepdims=True)
    u_o[...] = dinvl[...] * S

    @pl.when(pl.program_id(0) == 0)
    def _():
        cs_o[...] = jnp.zeros_like(cs_o)
        sts_o[...] = jnp.zeros_like(sts_o)

    cs_o[...] += jnp.sum(nf2, axis=0, keepdims=True)
    sts_o[...] += lax.dot_general(S, S, (((0,), (0,)), ((), ())),
                                  preferred_element_type=jnp.float32)


def _tc_b(agg_p, y, dinv, dinvl, b1, fc1_W, fc1_b, fc2_W, fc2_b):
    g = N // RB
    deg_spec = pl.BlockSpec((RB, 1), lambda i: (i, 0))
    return pl.pallas_call(
        _tcb_body,
        grid=(g,),
        in_specs=[
            pl.BlockSpec((NC, RB, DG), lambda i: (0, i, 0)),
            pl.BlockSpec((RB, DG), lambda i: (i, 0)),
            deg_spec, deg_spec,
            pl.BlockSpec((1, DG), lambda i: (0, 0)),
            pl.BlockSpec((DG, D1), lambda i: (0, 0)),
            pl.BlockSpec((1, D1), lambda i: (0, 0)),
            pl.BlockSpec((D1, D2), lambda i: (0, 0)),
            pl.BlockSpec((1, D2), lambda i: (0, 0)),
        ],
        out_specs=[
            pl.BlockSpec((RB, D2), lambda i: (i, 0)),
            pl.BlockSpec((1, DG), lambda i: (0, 0)),
            pl.BlockSpec((D2, D2), lambda i: (0, 0)),
        ],
        out_shape=[
            jax.ShapeDtypeStruct((N, D2), jnp.float32),
            jax.ShapeDtypeStruct((1, DG), jnp.float32),
            jax.ShapeDtypeStruct((D2, D2), jnp.float32),
        ],
    )(agg_p, y, dinv, dinvl, b1, fc1_W, fc1_b, fc2_W, fc2_b)


def _tcc_body(u, t_p, sts, colsum, ge_o, pp_o, utt_o):
    t = t_p[0] + t_p[1]

    @pl.when(pl.program_id(0) == 0)
    def _():
        utt_o[...] = jnp.zeros_like(utt_o)

    utt_o[...] += lax.dot_general(u[...], t, (((0,), (0,)), ((), ())),
                                  preferred_element_type=jnp.float32)

    @pl.when(pl.program_id(0) == N // RB - 1)
    def _():
        new_adj = sts[...] - utt_o[...]
        row_norm = jnp.sum(jnp.abs(new_adj), axis=1, keepdims=True)
        nrm = new_adj / jnp.maximum(row_norm, 1e-12)
        r_i = lax.broadcasted_iota(jnp.int32, (D2, D2), 0)
        c_i = lax.broadcasted_iota(jnp.int32, (D2, D2), 1)
        eye = jnp.where(r_i == c_i, 1.0, 0.0).astype(jnp.float32)
        d = jnp.sum(nrm * eye, axis=0, keepdims=True)
        pp = jnp.mean((d - eye) ** 2)
        pp_o[...] = jnp.reshape(pp, (1, 1))
        ge_o[...] = colsum[...] * jnp.float32(1.0 / D2)


def _tc_c(U, t_p, StS, colsum):
    g = N // RB
    return pl.pallas_call(
        _tcc_body,
        grid=(g,),
        in_specs=[
            pl.BlockSpec((RB, D2), lambda i: (i, 0)),
            pl.BlockSpec((NC, RB, D2), lambda i: (0, i, 0)),
            pl.BlockSpec((D2, D2), lambda i: (0, 0)),
            pl.BlockSpec((1, DG), lambda i: (0, 0)),
        ],
        out_specs=[
            pl.BlockSpec((1, DG), lambda i: (0, 0)),
            pl.BlockSpec((1, 1), lambda i: (0, 0)),
            pl.BlockSpec((D2, D2), lambda i: (0, 0)),
        ],
        out_shape=[
            jax.ShapeDtypeStruct((1, DG), jnp.float32),
            jax.ShapeDtypeStruct((1, 1), jnp.float32),
            jax.ShapeDtypeStruct((D2, D2), jnp.float32),
        ],
    )(U, t_p, StS, colsum)


def kernel(features, edges, W1, b1, fc1_W, fc1_b, fc2_W, fc2_b):
    e2 = edges.reshape(2, NW, EPW)

    indeg_p, outdeg_p = _sc_degrees(e2)

    Y, dinv, dinvl = _tc_a(features, W1, indeg_p, outdeg_p)

    agg_p = _sc_agg(e2, Y)

    U, colsum, StS = _tc_b(
        agg_p, Y, dinv, dinvl,
        b1.reshape(1, DG), fc1_W, fc1_b.reshape(1, D1),
        fc2_W, fc2_b.reshape(1, D2))

    t_p = _sc_lap(e2, U)

    graph_embedding, pp, _ = _tc_c(U, t_p, StS, colsum)
    return (graph_embedding, pp.reshape(()))

# --- scband reference (transcript-rebuilt; emitter-appended) ---
"""Pipeline reference for scband-sage-67551245631643 (READ-ONLY COPY).

The authoritative reference and input builder live on the scoring server;
editing this copy changes nothing except your own understanding.
"""

import jax, jax.numpy as jnp
import numpy as np

N_NODES = 10000
N_EDGES = 320000
D_FEAT = 128
D_GCN = 128
D_DENSE1 = 64
D_DENSE2 = 16

def setup_inputs(seed: int = 0) -> dict:
    key = jax.random.key(seed)
    ks = jax.random.split(key, 8)
    features = jax.random.normal(ks[0], (N_NODES, D_FEAT), dtype=jnp.float32)
    edges = jax.random.randint(ks[1], (2, N_EDGES), 0, N_NODES, dtype=jnp.int32)
    W1 = jax.random.normal(ks[2], (D_FEAT, D_GCN), dtype=jnp.float32) * (1.0 / np.sqrt(D_FEAT))
    b1 = jnp.zeros((D_GCN,), dtype=jnp.float32)
    fc1_W = jax.random.normal(ks[3], (D_GCN, D_DENSE1), dtype=jnp.float32) * (1.0 / np.sqrt(D_GCN))
    fc1_b = jnp.zeros((D_DENSE1,), dtype=jnp.float32)
    fc2_W = jax.random.normal(ks[4], (D_DENSE1, D_DENSE2), dtype=jnp.float32) * (1.0 / np.sqrt(D_DENSE1))
    fc2_b = jnp.zeros((D_DENSE2,), dtype=jnp.float32)
    return {"features": features, "edges": edges, "W1": W1, "b1": b1, "fc1_W": fc1_W, "fc1_b": fc1_b, "fc2_W": fc2_W, "fc2_b": fc2_b}

def reference(features, edges, W1, b1, fc1_W, fc1_b, fc2_W, fc2_b):
    N = features.shape[0]
    row, col = edges[0], edges[1]
    loop = jnp.arange(N, dtype=edges.dtype)
    # --- GCNConv with added self-loops and symmetric gcn_norm ---
    r2 = jnp.concatenate([row, loop])
    c2 = jnp.concatenate([col, loop])
    w2 = jnp.ones(r2.shape[0], dtype=features.dtype)
    deg = jnp.zeros((N,), dtype=features.dtype).at[c2].add(w2)
    dinv = jnp.where(deg > 0, 1.0 / jnp.sqrt(deg), 0.0)
    norm = dinv[r2] * w2 * dinv[c2]
    xw = features @ W1
    node_features_2 = jnp.zeros((N, xw.shape[1]), dtype=features.dtype).at[c2].add(norm[:, None] * xw[r2]) + b1
    # --- dense heads ---
    abstract_features_1 = jnp.tanh(node_features_2 @ fc1_W + fc1_b)
    assignment = jax.nn.softmax(abstract_features_1 @ fc2_W + fc2_b, axis=1)
    # --- get_laplacian(sym): L = I - D^{-1/2} A D^{-1/2} ---
    ew = jnp.ones(edges.shape[1], dtype=features.dtype)
    deg_l = jnp.zeros((N,), dtype=features.dtype).at[row].add(ew)
    dinv_l = jnp.where(deg_l > 0, 1.0 / jnp.sqrt(deg_l), 0.0)
    lw = -(dinv_l[row] * ew * dinv_l[col])
    l_row = jnp.concatenate([row, loop])
    l_col = jnp.concatenate([col, loop])
    l_w = jnp.concatenate([lw, jnp.ones((N,), dtype=features.dtype)])
    # sparse.mm(L, assignment)
    la = jnp.zeros((N, assignment.shape[1]), dtype=features.dtype).at[l_row].add(l_w[:, None] * assignment[l_col])
    new_adj = assignment.T @ la
    row_norm = jnp.sum(jnp.abs(new_adj), axis=1, keepdims=True)
    normalize_new_adj = new_adj / jnp.maximum(row_norm, 1e-12)
    norm_diag = jnp.diag(normalize_new_adj)
    EYE = jnp.eye(norm_diag.shape[0], dtype=features.dtype)
    pos_penalty = jnp.mean((norm_diag - EYE) ** 2)
    graph_embedding = assignment.T @ node_features_2
    graph_embedding = jnp.mean(graph_embedding, axis=0, keepdims=True)
    return (graph_embedding, pos_penalty)

if __name__ == "__main__":
    import jax
    _d = setup_inputs()
    print(jax.jit(kernel)(*tuple(_d.values())))

</pallas_src>

<mosaic_0001>
#map = affine_map<(d0, d1) -> (0, 0, 0)>
#map1 = affine_map<(d0, d1) -> (0, 0)>
module attributes {stable_mosaic.version = 14 : i64} {
  func.func @sc_degrees(%arg0: i32, %arg1: i32, %arg2: memref<2x32x10000xi32, #tpu.memory_space<hbm>>, %arg3: memref<2x10240xf32, #tpu.memory_space<hbm>>, %arg4: memref<2x10240xf32, #tpu.memory_space<hbm>>, %arg5: memref<10240xf32, #tpu.memory_space<vmem_shared>>, %arg6: memref<10240xf32, #tpu.memory_space<vmem_shared>>, %arg7: memref<10000xi32, #tpu.memory_space<vmem>>, %arg8: memref<10000xi32, #tpu.memory_space<vmem>>, %arg9: memref<10000xf32, #tpu.memory_space<vmem>>, %arg10: memref<640xf32, #tpu.memory_space<vmem>>) attributes {dimension_semantics = [#tpu.dimension_semantics<core_parallel>, #tpu.dimension_semantics<subcore_parallel>], iteration_bounds = array<i64: 2, 16>, scalar_prefetch = 0 : i64, scratch_operands = 6 : i64, tpu.core_type = #tpu.core_type<sc_vector_subcore>, window_params = [{transform_indices = #map}, {transform_indices = #map1}, {transform_indices = #map1}]} {
    %mul3A = arith.constant 16 : i32
    %mul3A_0 = arith.muli %arg0, %mul3A : i32
    %add3A = arith.addi %mul3A_0, %arg1 : i32
    %run_scoped3A = arith.constant 0 : i32
    "tpu.region"() ({
      %run_scoped3A_270 = tpu.sem_alloc : memref<!tpu.dma_semaphore, #tpu.memory_space<semaphore_mem>>
      %dma_start3A = arith.constant 0 : i32
      %dma_start3A_271 = tpu.memref_slice %arg2[%run_scoped3A, %add3A, %dma_start3A] : memref<2x32x10000xi32, #tpu.memory_space<hbm>> -> memref<1x1x10000xi32, #tpu.memory_space<hbm>>
      %dma_start3A_272 = tpu.memref_squeeze %dma_start3A_271 : memref<1x1x10000xi32, #tpu.memory_space<hbm>> -> memref<10000xi32, #tpu.memory_space<hbm>>
      %dma_start3A_273 = arith.constant 0 : i32
      %dma_start3A_274 = tpu.memref_slice %arg2[%run_scoped3A, %add3A, %dma_start3A_273] : memref<2x32x10000xi32, #tpu.memory_space<hbm>> -> memref<1x1x10000xi32, #tpu.memory_space<hbm>>
      %dma_start3A_275 = tpu.memref_squeeze %dma_start3A_274 : memref<1x1x10000xi32, #tpu.memory_space<hbm>> -> memref<10000xi32, #tpu.memory_space<hbm>>
      tpu.enqueue_dma source(%dma_start3A_275 : memref<10000xi32, #tpu.memory_space<hbm>>) target(%arg7 : memref<10000xi32, #tpu.memory_space<vmem>>) target_semaphore(%run_scoped3A_270 : memref<!tpu.dma_semaphore, #tpu.memory_space<semaphore_mem>>)
      %dma_wait3A = arith.constant 0 : i32
      %dma_wait3A_276 = tpu.memref_slice %arg2[%run_scoped3A, %add3A, %dma_wait3A] : memref<2x32x10000xi32, #tpu.memory_space<hbm>> -> memref<1x1x10000xi32, #tpu.memory_space<hbm>>
      %dma_wait3A_277 = tpu.memref_squeeze %dma_wait3A_276 : memref<1x1x10000xi32, #tpu.memory_space<hbm>> -> memref<10000xi32, #tpu.memory_space<hbm>>
      %dma_wait3A_278 = arith.constant 0 : i32
      %dma_wait3A_279 = tpu.memref_slice %arg2[%run_scoped3A, %add3A, %dma_wait3A_278] : memref<2x32x10000xi32, #tpu.memory_space<hbm>> -> memref<1x1x10000xi32, #tpu.memory_space<hbm>>
      %dma_wait3A_280 = tpu.memref_squeeze %dma_wait3A_279 : memref<1x1x10000xi32, #tpu.memory_space<hbm>> -> memref<10000xi32, #tpu.memory_space<hbm>>
      tpu.wait_dma2 semaphore(%run_scoped3A_270 : memref<!tpu.dma_semaphore, #tpu.memory_space<semaphore_mem>>) src(%dma_wait3A_280 : memref<10000xi32, #tpu.memory_space<hbm>>) dst(%arg7 : memref<10000xi32, #tpu.memory_space<vmem>>)
      tpu.yield
    }) : () -> ()
    %run_scoped3A_1 = arith.constant 1 : i32
    "tpu.region"() ({
      %run_scoped3A_270 = tpu.sem_alloc : memref<!tpu.dma_semaphore, #tpu.memory_space<semaphore_mem>>
      %dma_start3A = arith.constant 0 : i32
      %dma_start3A_271 = tpu.memref_slice %arg2[%run_scoped3A_1, %add3A, %dma_start3A] : memref<2x32x10000xi32, #tpu.memory_space<hbm>> -> memref<1x1x10000xi32, #tpu.memory_space<hbm>>
      %dma_start3A_272 = tpu.memref_squeeze %dma_start3A_271 : memref<1x1x10000xi32, #tpu.memory_space<hbm>> -> memref<10000xi32, #tpu.memory_space<hbm>>
      %dma_start3A_273 = arith.constant 0 : i32
      %dma_start3A_274 = tpu.memref_slice %arg2[%run_scoped3A_1, %add3A, %dma_start3A_273] : memref<2x32x10000xi32, #tpu.memory_space<hbm>> -> memref<1x1x10000xi32, #tpu.memory_space<hbm>>
      %dma_start3A_275 = tpu.memref_squeeze %dma_start3A_274 : memref<1x1x10000xi32, #tpu.memory_space<hbm>> -> memref<10000xi32, #tpu.memory_space<hbm>>
      tpu.enqueue_dma source(%dma_start3A_275 : memref<10000xi32, #tpu.memory_space<hbm>>) target(%arg8 : memref<10000xi32, #tpu.memory_space<vmem>>) target_semaphore(%run_scoped3A_270 : memref<!tpu.dma_semaphore, #tpu.memory_space<semaphore_mem>>)
      %dma_wait3A = arith.constant 0 : i32
      %dma_wait3A_276 = tpu.memref_slice %arg2[%run_scoped3A_1, %add3A, %dma_wait3A] : memref<2x32x10000xi32, #tpu.memory_space<hbm>> -> memref<1x1x10000xi32, #tpu.memory_space<hbm>>
      %dma_wait3A_277 = tpu.memref_squeeze %dma_wait3A_276 : memref<1x1x10000xi32, #tpu.memory_space<hbm>> -> memref<10000xi32, #tpu.memory_space<hbm>>
      %dma_wait3A_278 = arith.constant 0 : i32
      %dma_wait3A_279 = tpu.memref_slice %arg2[%run_scoped3A_1, %add3A, %dma_wait3A_278] : memref<2x32x10000xi32, #tpu.memory_space<hbm>> -> memref<1x1x10000xi32, #tpu.memory_space<hbm>>
      %dma_wait3A_280 = tpu.memref_squeeze %dma_wait3A_279 : memref<1x1x10000xi32, #tpu.memory_space<hbm>> -> memref<10000xi32, #tpu.memory_space<hbm>>
      tpu.wait_dma2 semaphore(%run_scoped3A_270 : memref<!tpu.dma_semaphore, #tpu.memory_space<semaphore_mem>>) src(%dma_wait3A_280 : memref<10000xi32, #tpu.memory_space<hbm>>) dst(%arg8 : memref<10000xi32, #tpu.memory_space<vmem>>)
      tpu.yield
    }) : () -> ()
    %scan3A = arith.constant 0 : i32
    %scan3A_2 = arith.constant 0 : i32
    %scan3A_3 = arith.constant 624 : i32
    %scan3A_4 = arith.addi %scan3A_2, %scan3A_3 : i32
    %scan3A_5 = arith.constant 4 : i32
    %scan3A_6 = scf.for %scan3A_270 = %scan3A_2 to %scan3A_4 step %scan3A_5 iter_args(%scan3A_271 = %scan3A) -> (i32)  : i32 {
      %broadcast_in_dim3A_272 = arith.constant 1.000000e+00 : f32
      %broadcast_in_dim3A_273 = vector.broadcast %broadcast_in_dim3A_272 : f32 to vector<16xf32>
      %mul3A_274 = arith.constant 16 : i32
      %mul3A_275 = arith.muli %scan3A_270, %mul3A_274 : i32
      %swap3A_276 = arith.index_cast %mul3A_275 : i32 to index
      %swap3A_277 = tpu.vector_load %arg9[%swap3A_276] {strides = array<i32>} : memref<10000xf32, #tpu.memory_space<vmem>>, vector<16xf32>,
      %swap3A_278 = vector.shape_cast %swap3A_277 : vector<16xf32> to vector<16xf32>
      %swap3A_279 = vector.shape_cast %broadcast_in_dim3A_273 : vector<16xf32> to vector<16xf32>
      tpu.vector_store %arg9[%swap3A_276], %swap3A_279 {strides = array<i32>} : memref<10000xf32, #tpu.memory_space<vmem>>, vector<16xf32>,
      %scan3A_280 = arith.constant 0 : i32
      %scan3A_281 = arith.constant 1 : i32
      %scan3A_282 = arith.addi %scan3A_270, %scan3A_281 : i32
      %broadcast_in_dim3A_283 = arith.constant 1.000000e+00 : f32
      %broadcast_in_dim3A_284 = vector.broadcast %broadcast_in_dim3A_283 : f32 to vector<16xf32>
      %mul3A_285 = arith.constant 16 : i32
      %mul3A_286 = arith.muli %scan3A_282, %mul3A_285 : i32
      %swap3A_287 = arith.index_cast %mul3A_286 : i32 to index
      %swap3A_288 = tpu.vector_load %arg9[%swap3A_287] {strides = array<i32>} : memref<10000xf32, #tpu.memory_space<vmem>>, vector<16xf32>,
      %swap3A_289 = vector.shape_cast %swap3A_288 : vector<16xf32> to vector<16xf32>
      %swap3A_290 = vector.shape_cast %broadcast_in_dim3A_284 : vector<16xf32> to vector<16xf32>
      tpu.vector_store %arg9[%swap3A_287], %swap3A_290 {strides = array<i32>} : memref<10000xf32, #tpu.memory_space<vmem>>, vector<16xf32>,
      %scan3A_291 = arith.constant 0 : i32
      %scan3A_292 = arith.constant 2 : i32
      %scan3A_293 = arith.addi %scan3A_270, %scan3A_292 : i32
      %broadcast_in_dim3A_294 = arith.constant 1.000000e+00 : f32
      %broadcast_in_dim3A_295 = vector.broadcast %broadcast_in_dim3A_294 : f32 to vector<16xf32>
      %mul3A_296 = arith.constant 16 : i32
      %mul3A_297 = arith.muli %scan3A_293, %mul3A_296 : i32
      %swap3A_298 = arith.index_cast %mul3A_297 : i32 to index
      %swap3A_299 = tpu.vector_load %arg9[%swap3A_298] {strides = array<i32>} : memref<10000xf32, #tpu.memory_space<vmem>>, vector<16xf32>,
      %swap3A_300 = vector.shape_cast %swap3A_299 : vector<16xf32> to vector<16xf32>
      %swap3A_301 = vector.shape_cast %broadcast_in_dim3A_295 : vector<16xf32> to vector<16xf32>
      tpu.vector_store %arg9[%swap3A_298], %swap3A_301 {strides = array<i32>} : memref<10000xf32, #tpu.memory_space<vmem>>, vector<16xf32>,
      %scan3A_302 = arith.constant 0 : i32
      %scan3A_303 = arith.constant 3 : i32
      %scan3A_304 = arith.addi %scan3A_270, %scan3A_303 : i32
      %broadcast_in_dim3A_305 = arith.constant 1.000000e+00 : f32
      %broadcast_in_dim3A_306 = vector.broadcast %broadcast_in_dim3A_305 : f32 to vector<16xf32>
      %mul3A_307 = arith.constant 16 : i32
      %mul3A_308 = arith.muli %scan3A_304, %mul3A_307 : i32
      %swap3A_309 = arith.index_cast %mul3A_308 : i32 to index
      %swap3A_310 = tpu.vector_load %arg9[%swap3A_309] {strides = array<i32>} : memref<10000xf32, #tpu.memory_space<vmem>>, vector<16xf32>,
      %swap3A_311 = vector.shape_cast %swap3A_310 : vector<16xf32> to vector<16xf32>
      %swap3A_312 = vector.shape_cast %broadcast_in_dim3A_306 : vector<16xf32> to vector<16xf32>
      tpu.vector_store %arg9[%swap3A_309], %swap3A_312 {strides = array<i32>} : memref<10000xf32, #tpu.memory_space<vmem>>, vector<16xf32>,
      %scan3A_313 = arith.constant 0 : i32
      scf.yield %scan3A_313 : i32
    }
    %scan3A_7 = arith.constant 624 : i32
    %scan3A_8 = arith.addi %scan3A_2, %scan3A_7 : i32
    %broadcast_in_dim3A = arith.constant 1.000000e+00 : f32
    %broadcast_in_dim3A_9 = vector.broadcast %broadcast_in_dim3A : f32 to vector<16xf32>
    %mul3A_10 = arith.constant 16 : i32
    %mul3A_11 = arith.muli %scan3A_8, %mul3A_10 : i32
    %swap3A = arith.index_cast %mul3A_11 : i32 to index
    %swap3A_12 = tpu.vector_load %arg9[%swap3A] {strides = array<i32>} : memref<10000xf32, #tpu.memory_space<vmem>>, vector<16xf32>,
    %swap3A_13 = vector.shape_cast %swap3A_12 : vector<16xf32> to vector<16xf32>
    %swap3A_14 = vector.shape_cast %broadcast_in_dim3A_9 : vector<16xf32> to vector<16xf32>
    tpu.vector_store %arg9[%swap3A], %swap3A_14 {strides = array<i32>} : memref<10000xf32, #tpu.memory_space<vmem>>, vector<16xf32>,
    %scan3A_15 = arith.constant 0 : i32
    %scan3A_16 = arith.constant 625 : i32
    %broadcast_in_dim3A_17 = arith.constant 0.000000e+00 : f32
    %broadcast_in_dim3A_18 = vector.broadcast %broadcast_in_dim3A_17 : f32 to vector<16xf32>
    %swap3A_19 = arith.constant 0 : index
    %swap3A_20 = tpu.vector_load %arg10[%swap3A_19] {strides = array<i32>} : memref<640xf32, #tpu.memory_space<vmem>>, vector<16xf32>,
    %swap3A_21 = vector.shape_cast %swap3A_20 : vector<16xf32> to vector<16xf32>
    %swap3A_22 = vector.shape_cast %broadcast_in_dim3A_18 : vector<16xf32> to vector<16xf32>
    tpu.vector_store %arg10[%swap3A_19], %swap3A_22 {strides = array<i32>} : memref<640xf32, #tpu.memory_space<vmem>>, vector<16xf32>,
    %broadcast_in_dim3A_23 = arith.constant 0.000000e+00 : f32
    %broadcast_in_dim3A_24 = vector.broadcast %broadcast_in_dim3A_23 : f32 to vector<16xf32>
    %swap3A_25 = arith.constant 16 : index
    %swap3A_26 = tpu.vector_load %arg10[%swap3A_25] {strides = array<i32>} : memref<640xf32, #tpu.memory_space<vmem>>, vector<16xf32>,
    %swap3A_27 = vector.shape_cast %swap3A_26 : vector<16xf32> to vector<16xf32>
    %swap3A_28 = vector.shape_cast %broadcast_in_dim3A_24 : vector<16xf32> to vector<16xf32>
    tpu.vector_store %arg10[%swap3A_25], %swap3A_28 {strides = array<i32>} : memref<640xf32, #tpu.memory_space<vmem>>, vector<16xf32>,
    %broadcast_in_dim3A_29 = arith.constant 0.000000e+00 : f32
    %broadcast_in_dim3A_30 = vector.broadcast %broadcast_in_dim3A_29 : f32 to vector<16xf32>
    %swap3A_31 = arith.constant 32 : index
    %swap3A_32 = tpu.vector_load %arg10[%swap3A_31] {strides = array<i32>} : memref<640xf32, #tpu.memory_space<vmem>>, vector<16xf32>,
    %swap3A_33 = vector.shape_cast %swap3A_32 : vector<16xf32> to vector<16xf32>
    %swap3A_34 = vector.shape_cast %broadcast_in_dim3A_30 : vector<16xf32> to vector<16xf32>
    tpu.vector_store %arg10[%swap3A_31], %swap3A_34 {strides = array<i32>} : memref<640xf32, #tpu.memory_space<vmem>>, vector<16xf32>,
    %broadcast_in_dim3A_35 = arith.constant 0.000000e+00 : f32
    %broadcast_in_dim3A_36 = vector.broadcast %broadcast_in_dim3A_35 : f32 to vector<16xf32>
    %swap3A_37 = arith.constant 48 : index
    %swap3A_38 = tpu.vector_load %arg10[%swap3A_37] {strides = array<i32>} : memref<640xf32, #tpu.memory_space<vmem>>, vector<16xf32>,
    %swap3A_39 = vector.shape_cast %swap3A_38 : vector<16xf32> to vector<16xf32>
    %swap3A_40 = vector.shape_cast %broadcast_in_dim3A_36 : vector<16xf32> to vector<16xf32>
    tpu.vector_store %arg10[%swap3A_37], %swap3A_40 {strides = array<i32>} : memref<640xf32, #tpu.memory_space<vmem>>, vector<16xf32>,
    %broadcast_in_dim3A_41 = arith.constant 0.000000e+00 : f32
    %broadcast_in_dim3A_42 = vector.broadcast %broadcast_in_dim3A_41 : f32 to vector<16xf32>
    %swap3A_43 = arith.constant 64 : index
    %swap3A_44 = tpu.vector_load %arg10[%swap3A_43] {strides = array<i32>} : memref<640xf32, #tpu.memory_space<vmem>>, vector<16xf32>,
    %swap3A_45 = vector.shape_cast %swap3A_44 : vector<16xf32> to vector<16xf32>
    %swap3A_46 = vector.shape_cast %broadcast_in_dim3A_42 : vector<16xf32> to vector<16xf32>
    tpu.vector_store %arg10[%swap3A_43], %swap3A_46 {strides = array<i32>} : memref<640xf32, #tpu.memory_space<vmem>>, vector<16xf32>,
    %broadcast_in_dim3A_47 = arith.constant 0.000000e+00 : f32
    %broadcast_in_dim3A_48 = vector.broadcast %broadcast_in_dim3A_47 : f32 to vector<16xf32>
    %swap3A_49 = arith.constant 80 : index
    %swap3A_50 = tpu.vector_load %arg10[%swap3A_49] {strides = array<i32>} : memref<640xf32, #tpu.memory_space<vmem>>, vector<16xf32>,
    %swap3A_51 = vector.shape_cast %swap3A_50 : vector<16xf32> to vector<16xf32>
    %swap3A_52 = vector.shape_cast %broadcast_in_dim3A_48 : vector<16xf32> to vector<16xf32>
    tpu.vector_store %arg10[%swap3A_49], %swap3A_52 {strides = array<i32>} : memref<640xf32, #tpu.memory_space<vmem>>, vector<16xf32>,
    %broadcast_in_dim3A_53 = arith.constant 0.000000e+00 : f32
    %broadcast_in_dim3A_54 = vector.broadcast %broadcast_in_dim3A_53 : f32 to vector<16xf32>
    %swap3A_55 = arith.constant 96 : index
    %swap3A_56 = tpu.vector_load %arg10[%swap3A_55] {strides = array<i32>} : memref<640xf32, #tpu.memory_space<vmem>>, vector<16xf32>,
    %swap3A_57 = vector.shape_cast %swap3A_56 : vector<16xf32> to vector<16xf32>
    %swap3A_58 = vector.shape_cast %broadcast_in_dim3A_54 : vector<16xf32> to vector<16xf32>
    tpu.vector_store %arg10[%swap3A_55], %swap3A_58 {strides = array<i32>} : memref<640xf32, #tpu.memory_space<vmem>>, vector<16xf32>,
    %broadcast_in_dim3A_59 = arith.constant 0.000000e+00 : f32
    %broadcast_in_dim3A_60 = vector.broadcast %broadcast_in_dim3A_59 : f32 to vector<16xf32>
    %swap3A_61 = arith.constant 112 : index
    %swap3A_62 = tpu.vector_load %arg10[%swap3A_61] {strides = array<i32>} : memref<640xf32, #tpu.memory_space<vmem>>, vector<16xf32>,
    %swap3A_63 = vector.shape_cast %swap3A_62 : vector<16xf32> to vector<16xf32>
    %swap3A_64 = vector.shape_cast %broadcast_in_dim3A_60 : vector<16xf32> to vector<16xf32>
    tpu.vector_store %arg10[%swap3A_61], %swap3A_64 {strides = array<i32>} : memref<640xf32, #tpu.memory_space<vmem>>, vector<16xf32>,
    %broadcast_in_dim3A_65 = arith.constant 0.000000e+00 : f32
    %broadcast_in_dim3A_66 = vector.broadcast %broadcast_in_dim3A_65 : f32 to vector<16xf32>
    %swap3A_67 = arith.constant 128 : index
    %swap3A_68 = tpu.vector_load %arg10[%swap3A_67] {strides = array<i32>} : memref<640xf32, #tpu.memory_space<vmem>>, vector<16xf32>,
    %swap3A_69 = vector.shape_cast %swap3A_68 : vector<16xf32> to vector<16xf32>
    %swap3A_70 = vector.shape_cast %broadcast_in_dim3A_66 : vector<16xf32> to vector<16xf32>
    tpu.vector_store %arg10[%swap3A_67], %swap3A_70 {strides = array<i32>} : memref<640xf32, #tpu.memory_space<vmem>>, vector<16xf32>,
    %broadcast_in_dim3A_71 = arith.constant 0.000000e+00 : f32
    %broadcast_in_dim3A_72 = vector.broadcast %broadcast_in_dim3A_71 : f32 to vector<16xf32>
    %swap3A_73 = arith.constant 144 : index
    %swap3A_74 = tpu.vector_load %arg10[%swap3A_73] {strides = array<i32>} : memref<640xf32, #tpu.memory_space<vmem>>, vector<16xf32>,
    %swap3A_75 = vector.shape_cast %swap3A_74 : vector<16xf32> to vector<16xf32>
    %swap3A_76 = vector.shape_cast %broadcast_in_dim3A_72 : vector<16xf32> to vector<16xf32>
    tpu.vector_store %arg10[%swap3A_73], %swap3A_76 {strides = array<i32>} : memref<640xf32, #tpu.memory_space<vmem>>, vector<16xf32>,
    %broadcast_in_dim3A_77 = arith.constant 0.000000e+00 : f32
    %broadcast_in_dim3A_78 = vector.broadcast %broadcast_in_dim3A_77 : f32 to vector<16xf32>
    %swap3A_79 = arith.constant 160 : index
    %swap3A_80 = tpu.vector_load %arg10[%swap3A_79] {strides = array<i32>} : memref<640xf32, #tpu.memory_space<vmem>>, vector<16xf32>,
    %swap3A_81 = vector.shape_cast %swap3A_80 : vector<16xf32> to vector<16xf32>
    %swap3A_82 = vector.shape_cast %broadcast_in_dim3A_78 : vector<16xf32> to vector<16xf32>
    tpu.vector_store %arg10[%swap3A_79], %swap3A_82 {strides = array<i32>} : memref<640xf32, #tpu.memory_space<vmem>>, vector<16xf32>,
    %broadcast_in_dim3A_83 = arith.constant 0.000000e+00 : f32
    %broadcast_in_dim3A_84 = vector.broadcast %broadcast_in_dim3A_83 : f32 to vector<16xf32>
    %swap3A_85 = arith.constant 176 : index
    %swap3A_86 = tpu.vector_load %arg10[%swap3A_85] {strides = array<i32>} : memref<640xf32, #tpu.memory_space<vmem>>, vector<16xf32>,
    %swap3A_87 = vector.shape_cast %swap3A_86 : vector<16xf32> to vector<16xf32>
    %swap3A_88 = vector.shape_cast %broadcast_in_dim3A_84 : vector<16xf32> to vector<16xf32>
    tpu.vector_store %arg10[%swap3A_85], %swap3A_88 {strides = array<i32>} : memref<640xf32, #tpu.memory_space<vmem>>, vector<16xf32>,
    %broadcast_in_dim3A_89 = arith.constant 0.000000e+00 : f32
    %broadcast_in_dim3A_90 = vector.broadcast %broadcast_in_dim3A_89 : f32 to vector<16xf32>
    %swap3A_91 = arith.constant 192 : index
    %swap3A_92 = tpu.vector_load %arg10[%swap3A_91] {strides = array<i32>} : memref<640xf32, #tpu.memory_space<vmem>>, vector<16xf32>,
    %swap3A_93 = vector.shape_cast %swap3A_92 : vector<16xf32> to vector<16xf32>
    %swap3A_94 = vector.shape_cast %broadcast_in_dim3A_90 : vector<16xf32> to vector<16xf32>
    tpu.vector_store %arg10[%swap3A_91], %swap3A_94 {strides = array<i32>} : memref<640xf32, #tpu.memory_space<vmem>>, vector<16xf32>,
    %broadcast_in_dim3A_95 = arith.constant 0.000000e+00 : f32
    %broadcast_in_dim3A_96 = vector.broadcast %broadcast_in_dim3A_95 : f32 to vector<16xf32>
    %swap3A_97 = arith.constant 208 : index
    %swap3A_98 = tpu.vector_load %arg10[%swap3A_97] {strides = array<i32>} : memref<640xf32, #tpu.memory_space<vmem>>, vector<16xf32>,
    %swap3A_99 = vector.shape_cast %swap3A_98 : vector<16xf32> to vector<16xf32>
    %swap3A_100 = vector.shape_cast %broadcast_in_dim3A_96 : vector<16xf32> to vector<16xf32>
    tpu.vector_store %arg10[%swap3A_97], %swap3A_100 {strides = array<i32>} : memref<640xf32, #tpu.memory_space<vmem>>, vector<16xf32>,
    %broadcast_in_dim3A_101 = arith.constant 0.000000e+00 : f32
    %broadcast_in_dim3A_102 = vector.broadcast %broadcast_in_dim3A_101 : f32 to vector<16xf32>
    %swap3A_103 = arith.constant 224 : index
    %swap3A_104 = tpu.vector_load %arg10[%swap3A_103] {strides = array<i32>} : memref<640xf32, #tpu.memory_space<vmem>>, vector<16xf32>,
    %swap3A_105 = vector.shape_cast %swap3A_104 : vector<16xf32> to vector<16xf32>
    %swap3A_106 = vector.shape_cast %broadcast_in_dim3A_102 : vector<16xf32> to vector<16xf32>
    tpu.vector_store %arg10[%swap3A_103], %swap3A_106 {strides = array<i32>} : memref<640xf32, #tpu.memory_space<vmem>>, vector<16xf32>,
    %broadcast_in_dim3A_107 = arith.constant 0.000000e+00 : f32
    %broadcast_in_dim3A_108 = vector.broadcast %broadcast_in_dim3A_107 : f32 to vector<16xf32>
    %swap3A_109 = arith.constant 240 : index
    %swap3A_110 = tpu.vector_load %arg10[%swap3A_109] {strides = array<i32>} : memref<640xf32, #tpu.memory_space<vmem>>, vector<16xf32>,
    %swap3A_111 = vector.shape_cast %swap3A_110 : vector<16xf32> to vector<16xf32>
    %swap3A_112 = vector.shape_cast %broadcast_in_dim3A_108 : vector<16xf32> to vector<16xf32>
    tpu.vector_store %arg10[%swap3A_109], %swap3A_112 {strides = array<i32>} : memref<640xf32, #tpu.memory_space<vmem>>, vector<16xf32>,
    %broadcast_in_dim3A_113 = arith.constant 0.000000e+00 : f32
    %broadcast_in_dim3A_114 = vector.broadcast %broadcast_in_dim3A_113 : f32 to vector<16xf32>
    %swap3A_115 = arith.constant 256 : index
    %swap3A_116 = tpu.vector_load %arg10[%swap3A_115] {strides = array<i32>} : memref<640xf32, #tpu.memory_space<vmem>>, vector<16xf32>,
    %swap3A_117 = vector.shape_cast %swap3A_116 : vector<16xf32> to vector<16xf32>
    %swap3A_118 = vector.shape_cast %broadcast_in_dim3A_114 : vector<16xf32> to vector<16xf32>
    tpu.vector_store %arg10[%swap3A_115], %swap3A_118 {strides = array<i32>} : memref<640xf32, #tpu.memory_space<vmem>>, vector<16xf32>,
    %broadcast_in_dim3A_119 = arith.constant 0.000000e+00 : f32
    %broadcast_in_dim3A_120 = vector.broadcast %broadcast_in_dim3A_119 : f32 to vector<16xf32>
    %swap3A_121 = arith.constant 272 : index
    %swap3A_122 = tpu.vector_load %arg10[%swap3A_121] {strides = array<i32>} : memref<640xf32, #tpu.memory_space<vmem>>, vector<16xf32>,
    %swap3A_123 = vector.shape_cast %swap3A_122 : vector<16xf32> to vector<16xf32>
    %swap3A_124 = vector.shape_cast %broadcast_in_dim3A_120 : vector<16xf32> to vector<16xf32>
    tpu.vector_store %arg10[%swap3A_121], %swap3A_124 {strides = array<i32>} : memref<640xf32, #tpu.memory_space<vmem>>, vector<16xf32>,
    %broadcast_in_dim3A_125 = arith.constant 0.000000e+00 : f32
    %broadcast_in_dim3A_126 = vector.broadcast %broadcast_in_dim3A_125 : f32 to vector<16xf32>
    %swap3A_127 = arith.constant 288 : index
    %swap3A_128 = tpu.vector_load %arg10[%swap3A_127] {strides = array<i32>} : memref<640xf32, #tpu.memory_space<vmem>>, vector<16xf32>,
    %swap3A_129 = vector.shape_cast %swap3A_128 : vector<16xf32> to vector<16xf32>
    %swap3A_130 = vector.shape_cast %broadcast_in_dim3A_126 : vector<16xf32> to vector<16xf32>
    tpu.vector_store %arg10[%swap3A_127], %swap3A_130 {strides = array<i32>} : memref<640xf32, #tpu.memory_space<vmem>>, vector<16xf32>,
    %broadcast_in_dim3A_131 = arith.constant 0.000000e+00 : f32
    %broadcast_in_dim3A_132 = vector.broadcast %broadcast_in_dim3A_131 : f32 to vector<16xf32>
    %swap3A_133 = arith.constant 304 : index
    %swap3A_134 = tpu.vector_load %arg10[%swap3A_133] {strides = array<i32>} : memref<640xf32, #tpu.memory_space<vmem>>, vector<16xf32>,
    %swap3A_135 = vector.shape_cast %swap3A_134 : vector<16xf32> to vector<16xf32>
    %swap3A_136 = vector.shape_cast %broadcast_in_dim3A_132 : vector<16xf32> to vector<16xf32>
    tpu.vector_store %arg10[%swap3A_133], %swap3A_136 {strides = array<i32>} : memref<640xf32, #tpu.memory_space<vmem>>, vector<16xf32>,
    %broadcast_in_dim3A_137 = arith.constant 0.000000e+00 : f32
    %broadcast_in_dim3A_138 = vector.broadcast %broadcast_in_dim3A_137 : f32 to vector<16xf32>
    %swap3A_139 = arith.constant 320 : index
    %swap3A_140 = tpu.vector_load %arg10[%swap3A_139] {strides = array<i32>} : memref<640xf32, #tpu.memory_space<vmem>>, vector<16xf32>,
    %swap3A_141 = vector.shape_cast %swap3A_140 : vector<16xf32> to vector<16xf32>
    %swap3A_142 = vector.shape_cast %broadcast_in_dim3A_138 : vector<16xf32> to vector<16xf32>
    tpu.vector_store %arg10[%swap3A_139], %swap3A_142 {strides = array<i32>} : memref<640xf32, #tpu.memory_space<vmem>>, vector<16xf32>,
    %broadcast_in_dim3A_143 = arith.constant 0.000000e+00 : f32
    %broadcast_in_dim3A_144 = vector.broadcast %broadcast_in_dim3A_143 : f32 to vector<16xf32>
    %swap3A_145 = arith.constant 336 : index
    %swap3A_146 = tpu.vector_load %arg10[%swap3A_145] {strides = array<i32>} : memref<640xf32, #tpu.memory_space<vmem>>, vector<16xf32>,
    %swap3A_147 = vector.shape_cast %swap3A_146 : vector<16xf32> to vector<16xf32>
    %swap3A_148 = vector.shape_cast %broadcast_in_dim3A_144 : vector<16xf32> to vector<16xf32>
    tpu.vector_store %arg10[%swap3A_145], %swap3A_148 {strides = array<i32>} : memref<640xf32, #tpu.memory_space<vmem>>, vector<16xf32>,
    %broadcast_in_dim3A_149 = arith.constant 0.000000e+00 : f32
    %broadcast_in_dim3A_150 = vector.broadcast %broadcast_in_dim3A_149 : f32 to vector<16xf32>
    %swap3A_151 = arith.constant 352 : index
    %swap3A_152 = tpu.vector_load %arg10[%swap3A_151] {strides = array<i32>} : memref<640xf32, #tpu.memory_space<vmem>>, vector<16xf32>,
    %swap3A_153 = vector.shape_cast %swap3A_152 : vector<16xf32> to vector<16xf32>
    %swap3A_154 = vector.shape_cast %broadcast_in_dim3A_150 : vector<16xf32> to vector<16xf32>
    tpu.vector_store %arg10[%swap3A_151], %swap3A_154 {strides = array<i32>} : memref<640xf32, #tpu.memory_space<vmem>>, vector<16xf32>,
    %broadcast_in_dim3A_155 = arith.constant 0.000000e+00 : f32
    %broadcast_in_dim3A_156 = vector.broadcast %broadcast_in_dim3A_155 : f32 to vector<16xf32>
    %swap3A_157 = arith.constant 368 : index
    %swap3A_158 = tpu.vector_load %arg10[%swap3A_157] {strides = array<i32>} : memref<640xf32, #tpu.memory_space<vmem>>, vector<16xf32>,
    %swap3A_159 = vector.shape_cast %swap3A_158 : vector<16xf32> to vector<16xf32>
    %swap3A_160 = vector.shape_cast %broadcast_in_dim3A_156 : vector<16xf32> to vector<16xf32>
    tpu.vector_store %arg10[%swap3A_157], %swap3A_160 {strides = array<i32>} : memref<640xf32, #tpu.memory_space<vmem>>, vector<16xf32>,
    %broadcast_in_dim3A_161 = arith.constant 0.000000e+00 : f32
    %broadcast_in_dim3A_162 = vector.broadcast %broadcast_in_dim3A_161 : f32 to vector<16xf32>
    %swap3A_163 = arith.constant 384 : index
    %swap3A_164 = tpu.vector_load %arg10[%swap3A_163] {strides = array<i32>} : memref<640xf32, #tpu.memory_space<vmem>>, vector<16xf32>,
    %swap3A_165 = vector.shape_cast %swap3A_164 : vector<16xf32> to vector<16xf32>
    %swap3A_166 = vector.shape_cast %broadcast_in_dim3A_162 : vector<16xf32> to vector<16xf32>
    tpu.vector_store %arg10[%swap3A_163], %swap3A_166 {strides = array<i32>} : memref<640xf32, #tpu.memory_space<vmem>>, vector<16xf32>,
    %broadcast_in_dim3A_167 = arith.constant 0.000000e+00 : f32
    %broadcast_in_dim3A_168 = vector.broadcast %broadcast_in_dim3A_167 : f32 to vector<16xf32>
    %swap3A_169 = arith.constant 400 : index
    %swap3A_170 = tpu.vector_load %arg10[%swap3A_169] {strides = array<i32>} : memref<640xf32, #tpu.memory_space<vmem>>, vector<16xf32>,
    %swap3A_171 = vector.shape_cast %swap3A_170 : vector<16xf32> to vector<16xf32>
    %swap3A_172 = vector.shape_cast %broadcast_in_dim3A_168 : vector<16xf32> to vector<16xf32>
    tpu.vector_store %arg10[%swap3A_169], %swap3A_172 {strides = array<i32>} : memref<640xf32, #tpu.memory_space<vmem>>, vector<16xf32>,
    %broadcast_in_dim3A_173 = arith.constant 0.000000e+00 : f32
    %broadcast_in_dim3A_174 = vector.broadcast %broadcast_in_dim3A_173 : f32 to vector<16xf32>
    %swap3A_175 = arith.constant 416 : index
    %swap3A_176 = tpu.vector_load %arg10[%swap3A_175] {strides = array<i32>} : memref<640xf32, #tpu.memory_space<vmem>>, vector<16xf32>,
    %swap3A_177 = vector.shape_cast %swap3A_176 : vector<16xf32> to vector<16xf32>
    %swap3A_178 = vector.shape_cast %broadcast_in_dim3A_174 : vector<16xf32> to vector<16xf32>
    tpu.vector_store %arg10[%swap3A_175], %swap3A_178 {strides = array<i32>} : memref<640xf32, #tpu.memory_space<vmem>>, vector<16xf32>,
    %broadcast_in_dim3A_179 = arith.constant 0.000000e+00 : f32
    %broadcast_in_dim3A_180 = vector.broadcast %broadcast_in_dim3A_179 : f32 to vector<16xf32>
    %swap3A_181 = arith.constant 432 : index
    %swap3A_182 = tpu.vector_load %arg10[%swap3A_181] {strides = array<i32>} : memref<640xf32, #tpu.memory_space<vmem>>, vector<16xf32>,
    %swap3A_183 = vector.shape_cast %swap3A_182 : vector<16xf32> to vector<16xf32>
    %swap3A_184 = vector.shape_cast %broadcast_in_dim3A_180 : vector<16xf32> to vector<16xf32>
    tpu.vector_store %arg10[%swap3A_181], %swap3A_184 {strides = array<i32>} : memref<640xf32, #tpu.memory_space<vmem>>, vector<16xf32>,
    %broadcast_in_dim3A_185 = arith.constant 0.000000e+00 : f32
    %broadcast_in_dim3A_186 = vector.broadcast %broadcast_in_dim3A_185 : f32 to vector<16xf32>
    %swap3A_187 = arith.constant 448 : index
    %swap3A_188 = tpu.vector_load %arg10[%swap3A_187] {strides = array<i32>} : memref<640xf32, #tpu.memory_space<vmem>>, vector<16xf32>,
    %swap3A_189 = vector.shape_cast %swap3A_188 : vector<16xf32> to vector<16xf32>
    %swap3A_190 = vector.shape_cast %broadcast_in_dim3A_186 : vector<16xf32> to vector<16xf32>
    tpu.vector_store %arg10[%swap3A_187], %swap3A_190 {strides = array<i32>} : memref<640xf32, #tpu.memory_space<vmem>>, vector<16xf32>,
    %broadcast_in_dim3A_191 = arith.constant 0.000000e+00 : f32
    %broadcast_in_dim3A_192 = vector.broadcast %broadcast_in_dim3A_191 : f32 to vector<16xf32>
    %swap3A_193 = arith.constant 464 : index
    %swap3A_194 = tpu.vector_load %arg10[%swap3A_193] {strides = array<i32>} : memref<640xf32, #tpu.memory_space<vmem>>, vector<16xf32>,
    %swap3A_195 = vector.shape_cast %swap3A_194 : vector<16xf32> to vector<16xf32>
    %swap3A_196 = vector.shape_cast %broadcast_in_dim3A_192 : vector<16xf32> to vector<16xf32>
    tpu.vector_store %arg10[%swap3A_193], %swap3A_196 {strides = array<i32>} : memref<640xf32, #tpu.memory_space<vmem>>, vector<16xf32>,
    %broadcast_in_dim3A_197 = arith.constant 0.000000e+00 : f32
    %broadcast_in_dim3A_198 = vector.broadcast %broadcast_in_dim3A_197 : f32 to vector<16xf32>
    %swap3A_199 = arith.constant 480 : index
    %swap3A_200 = tpu.vector_load %arg10[%swap3A_199] {strides = array<i32>} : memref<640xf32, #tpu.memory_space<vmem>>, vector<16xf32>,
    %swap3A_201 = vector.shape_cast %swap3A_200 : vector<16xf32> to vector<16xf32>
    %swap3A_202 = vector.shape_cast %broadcast_in_dim3A_198 : vector<16xf32> to vector<16xf32>
    tpu.vector_store %arg10[%swap3A_199], %swap3A_202 {strides = array<i32>} : memref<640xf32, #tpu.memory_space<vmem>>, vector<16xf32>,
    %broadcast_in_dim3A_203 = arith.constant 0.000000e+00 : f32
    %broadcast_in_dim3A_204 = vector.broadcast %broadcast_in_dim3A_203 : f32 to vector<16xf32>
    %swap3A_205 = arith.constant 496 : index
    %swap3A_206 = tpu.vector_load %arg10[%swap3A_205] {strides = array<i32>} : memref<640xf32, #tpu.memory_space<vmem>>, vector<16xf32>,
    %swap3A_207 = vector.shape_cast %swap3A_206 : vector<16xf32> to vector<16xf32>
    %swap3A_208 = vector.shape_cast %broadcast_in_dim3A_204 : vector<16xf32> to vector<16xf32>
    tpu.vector_store %arg10[%swap3A_205], %swap3A_208 {strides = array<i32>} : memref<640xf32, #tpu.memory_space<vmem>>, vector<16xf32>,
    %broadcast_in_dim3A_209 = arith.constant 0.000000e+00 : f32
    %broadcast_in_dim3A_210 = vector.broadcast %broadcast_in_dim3A_209 : f32 to vector<16xf32>
    %swap3A_211 = arith.constant 512 : index
    %swap3A_212 = tpu.vector_load %arg10[%swap3A_211] {strides = array<i32>} : memref<640xf32, #tpu.memory_space<vmem>>, vector<16xf32>,
    %swap3A_213 = vector.shape_cast %swap3A_212 : vector<16xf32> to vector<16xf32>
    %swap3A_214 = vector.shape_cast %broadcast_in_dim3A_210 : vector<16xf32> to vector<16xf32>
    tpu.vector_store %arg10[%swap3A_211], %swap3A_214 {strides = array<i32>} : memref<640xf32, #tpu.memory_space<vmem>>, vector<16xf32>,
    %broadcast_in_dim3A_215 = arith.constant 0.000000e+00 : f32
    %broadcast_in_dim3A_216 = vector.broadcast %broadcast_in_dim3A_215 : f32 to vector<16xf32>
    %swap3A_217 = arith.constant 528 : index
    %swap3A_218 = tpu.vector_load %arg10[%swap3A_217] {strides = array<i32>} : memref<640xf32, #tpu.memory_space<vmem>>, vector<16xf32>,
    %swap3A_219 = vector.shape_cast %swap3A_218 : vector<16xf32> to vector<16xf32>
    %swap3A_220 = vector.shape_cast %broadcast_in_dim3A_216 : vector<16xf32> to vector<16xf32>
    tpu.vector_store %arg10[%swap3A_217], %swap3A_220 {strides = array<i32>} : memref<640xf32, #tpu.memory_space<vmem>>, vector<16xf32>,
    %broadcast_in_dim3A_221 = arith.constant 0.000000e+00 : f32
    %broadcast_in_dim3A_222 = vector.broadcast %broadcast_in_dim3A_221 : f32 to vector<16xf32>
    %swap3A_223 = arith.constant 544 : index
    %swap3A_224 = tpu.vector_load %arg10[%swap3A_223] {strides = array<i32>} : memref<640xf32, #tpu.memory_space<vmem>>, vector<16xf32>,
    %swap3A_225 = vector.shape_cast %swap3A_224 : vector<16xf32> to vector<16xf32>
    %swap3A_226 = vector.shape_cast %broadcast_in_dim3A_222 : vector<16xf32> to vector<16xf32>
    tpu.vector_store %arg10[%swap3A_223], %swap3A_226 {strides = array<i32>} : memref<640xf32, #tpu.memory_space<vmem>>, vector<16xf32>,
    %broadcast_in_dim3A_227 = arith.constant 0.000000e+00 : f32
    %broadcast_in_dim3A_228 = vector.broadcast %broadcast_in_dim3A_227 : f32 to vector<16xf32>
    %swap3A_229 = arith.constant 560 : index
    %swap3A_230 = tpu.vector_load %arg10[%swap3A_229] {strides = array<i32>} : memref<640xf32, #tpu.memory_space<vmem>>, vector<16xf32>,
    %swap3A_231 = vector.shape_cast %swap3A_230 : vector<16xf32> to vector<16xf32>
    %swap3A_232 = vector.shape_cast %broadcast_in_dim3A_228 : vector<16xf32> to vector<16xf32>
    tpu.vector_store %arg10[%swap3A_229], %swap3A_232 {strides = array<i32>} : memref<640xf32, #tpu.memory_space<vmem>>, vector<16xf32>,
    %broadcast_in_dim3A_233 = arith.constant 0.000000e+00 : f32
    %broadcast_in_dim3A_234 = vector.broadcast %broadcast_in_dim3A_233 : f32 to vector<16xf32>
    %swap3A_235 = arith.constant 576 : index
    %swap3A_236 = tpu.vector_load %arg10[%swap3A_235] {strides = array<i32>} : memref<640xf32, #tpu.memory_space<vmem>>, vector<16xf32>,
    %swap3A_237 = vector.shape_cast %swap3A_236 : vector<16xf32> to vector<16xf32>
    %swap3A_238 = vector.shape_cast %broadcast_in_dim3A_234 : vector<16xf32> to vector<16xf32>
    tpu.vector_store %arg10[%swap3A_235], %swap3A_238 {strides = array<i32>} : memref<640xf32, #tpu.memory_space<vmem>>, vector<16xf32>,
    %broadcast_in_dim3A_239 = arith.constant 0.000000e+00 : f32
    %broadcast_in_dim3A_240 = vector.broadcast %broadcast_in_dim3A_239 : f32 to vector<16xf32>
    %swap3A_241 = arith.constant 592 : index
    %swap3A_242 = tpu.vector_load %arg10[%swap3A_241] {strides = array<i32>} : memref<640xf32, #tpu.memory_space<vmem>>, vector<16xf32>,
    %swap3A_243 = vector.shape_cast %swap3A_242 : vector<16xf32> to vector<16xf32>
    %swap3A_244 = vector.shape_cast %broadcast_in_dim3A_240 : vector<16xf32> to vector<16xf32>
    tpu.vector_store %arg10[%swap3A_241], %swap3A_244 {strides = array<i32>} : memref<640xf32, #tpu.memory_space<vmem>>, vector<16xf32>,
    %broadcast_in_dim3A_245 = arith.constant 0.000000e+00 : f32
    %broadcast_in_dim3A_246 = vector.broadcast %broadcast_in_dim3A_245 : f32 to vector<16xf32>
    %swap3A_247 = arith.constant 608 : index
    %swap3A_248 = tpu.vector_load %arg10[%swap3A_247] {strides = array<i32>} : memref<640xf32, #tpu.memory_space<vmem>>, vector<16xf32>,
    %swap3A_249 = vector.shape_cast %swap3A_248 : vector<16xf32> to vector<16xf32>
    %swap3A_250 = vector.shape_cast %broadcast_in_dim3A_246 : vector<16xf32> to vector<16xf32>
    tpu.vector_store %arg10[%swap3A_247], %swap3A_250 {strides = array<i32>} : memref<640xf32, #tpu.memory_space<vmem>>, vector<16xf32>,
    %broadcast_in_dim3A_251 = arith.constant 0.000000e+00 : f32
    %broadcast_in_dim3A_252 = vector.broadcast %broadcast_in_dim3A_251 : f32 to vector<16xf32>
    %swap3A_253 = arith.constant 624 : index
    %swap3A_254 = tpu.vector_load %arg10[%swap3A_253] {strides = array<i32>} : memref<640xf32, #tpu.memory_space<vmem>>, vector<16xf32>,
    %swap3A_255 = vector.shape_cast %swap3A_254 : vector<16xf32> to vector<16xf32>
    %swap3A_256 = vector.shape_cast %broadcast_in_dim3A_252 : vector<16xf32> to vector<16xf32>
    tpu.vector_store %arg10[%swap3A_253], %swap3A_256 {strides = array<i32>} : memref<640xf32, #tpu.memory_space<vmem>>, vector<16xf32>,
    %mul3A_257 = arith.constant 640 : i32
    %mul3A_258 = arith.muli %arg1, %mul3A_257 : i32
    "tpu.region"() ({
      %run_scoped3A_270 = tpu.sem_alloc : memref<!tpu.dma_semaphore, #tpu.memory_space<semaphore_mem>>
      %dma_start3A = tpu.memref_slice %arg5[%mul3A_258] : memref<10240xf32, #tpu.memory_space<vmem_shared>> -> memref<640xf32, #tpu.memory_space<vmem_shared>>
      %dma_start3A_271 = tpu.memref_slice %arg5[%mul3A_258] : memref<10240xf32, #tpu.memory_space<vmem_shared>> -> memref<640xf32, #tpu.memory_space<vmem_shared>>
      tpu.enqueue_dma source(%arg10 : memref<640xf32, #tpu.memory_space<vmem>>) target(%dma_start3A_271 : memref<640xf32, #tpu.memory_space<vmem_shared>>) target_semaphore(%run_scoped3A_270 : memref<!tpu.dma_semaphore, #tpu.memory_space<semaphore_mem>>)
      %dma_wait3A = tpu.memref_slice %arg5[%mul3A_258] : memref<10240xf32, #tpu.memory_space<vmem_shared>> -> memref<640xf32, #tpu.memory_space<vmem_shared>>
      %dma_wait3A_272 = tpu.memref_slice %arg5[%mul3A_258] : memref<10240xf32, #tpu.memory_space<vmem_shared>> -> memref<640xf32, #tpu.memory_space<vmem_shared>>
      tpu.wait_dma2 semaphore(%run_scoped3A_270 : memref<!tpu.dma_semaphore, #tpu.memory_space<semaphore_mem>>) src(%arg10 : memref<640xf32, #tpu.memory_space<vmem>>) dst(%dma_wait3A_272 : memref<640xf32, #tpu.memory_space<vmem_shared>>)
      tpu.yield
    }) : () -> ()
    %mul3A_259 = arith.constant 640 : i32
    %mul3A_260 = arith.muli %arg1, %mul3A_259 : i32
    "tpu.region"() ({
      %run_scoped3A_270 = tpu.sem_alloc : memref<!tpu.dma_semaphore, #tpu.memory_space<semaphore_mem>>
      %dma_start3A = tpu.memref_slice %arg6[%mul3A_260] : memref<10240xf32, #tpu.memory_space<vmem_shared>> -> memref<640xf32, #tpu.memory_space<vmem_shared>>
      %dma_start3A_271 = tpu.memref_slice %arg6[%mul3A_260] : memref<10240xf32, #tpu.memory_space<vmem_shared>> -> memref<640xf32, #tpu.memory_space<vmem_shared>>
      tpu.enqueue_dma source(%arg10 : memref<640xf32, #tpu.memory_space<vmem>>) target(%dma_start3A_271 : memref<640xf32, #tpu.memory_space<vmem_shared>>) target_semaphore(%run_scoped3A_270 : memref<!tpu.dma_semaphore, #tpu.memory_space<semaphore_mem>>)
      %dma_wait3A = tpu.memref_slice %arg6[%mul3A_260] : memref<10240xf32, #tpu.memory_space<vmem_shared>> -> memref<640xf32, #tpu.memory_space<vmem_shared>>
      %dma_wait3A_272 = tpu.memref_slice %arg6[%mul3A_260] : memref<10240xf32, #tpu.memory_space<vmem_shared>> -> memref<640xf32, #tpu.memory_space<vmem_shared>>
      tpu.wait_dma2 semaphore(%run_scoped3A_270 : memref<!tpu.dma_semaphore, #tpu.memory_space<semaphore_mem>>) src(%arg10 : memref<640xf32, #tpu.memory_space<vmem>>) dst(%dma_wait3A_272 : memref<640xf32, #tpu.memory_space<vmem_shared>>)
      tpu.yield
    }) : () -> ()
    %barrier3A = arith.constant 0 : index
    tpu.barrier barrier_id(%barrier3A)
    "tpu.region"() ({
      %run_scoped3A_270 = tpu.sem_alloc : memref<!tpu.dma_semaphore, #tpu.memory_space<semaphore_mem>>
      %dma_start3A = arith.constant 0 : i32
      %dma_start3A_271 = tpu.memref_slice %arg6[%dma_start3A] : memref<10240xf32, #tpu.memory_space<vmem_shared>> -> memref<10240xf32, #tpu.memory_space<vmem_shared>>
      tpu.enqueue_indirect_dma source(%arg9 : memref<10000xf32, #tpu.memory_space<vmem>>) target(%dma_start3A_271 : memref<10240xf32, #tpu.memory_space<vmem_shared>>) offsets(%arg7 : memref<10000xi32, #tpu.memory_space<vmem>>) semaphore(%run_scoped3A_270 : memref<!tpu.dma_semaphore, #tpu.memory_space<semaphore_mem>>) {add = true}
      %dma_wait3A = arith.constant 0 : i32
      %dma_wait3A_272 = tpu.memref_slice %arg6[%dma_wait3A] : memref<10240xf32, #tpu.memory_space<vmem_shared>> -> memref<10240xf32, #tpu.memory_space<vmem_shared>>
      tpu.wait_indirect_dma semaphore(%run_scoped3A_270 : memref<!tpu.dma_semaphore, #tpu.memory_space<semaphore_mem>>) src(%arg9 : memref<10000xf32, #tpu.memory_space<vmem>>) dst(%dma_wait3A_272 : memref<10240xf32, #tpu.memory_space<vmem_shared>>)
      tpu.yield
    }) : () -> ()
    "tpu.region"() ({
      %run_scoped3A_270 = tpu.sem_alloc : memref<!tpu.dma_semaphore, #tpu.memory_space<semaphore_mem>>
      %dma_start3A = arith.constant 0 : i32
      %dma_start3A_271 = tpu.memref_slice %arg5[%dma_start3A] : memref<10240xf32, #tpu.memory_space<vmem_shared>> -> memref<10240xf32, #tpu.memory_space<vmem_shared>>
      tpu.enqueue_indirect_dma source(%arg9 : memref<10000xf32, #tpu.memory_space<vmem>>) target(%dma_start3A_271 : memref<10240xf32, #tpu.memory_space<vmem_shared>>) offsets(%arg8 : memref<10000xi32, #tpu.memory_space<vmem>>) semaphore(%run_scoped3A_270 : memref<!tpu.dma_semaphore, #tpu.memory_space<semaphore_mem>>) {add = true}
      %dma_wait3A = arith.constant 0 : i32
      %dma_wait3A_272 = tpu.memref_slice %arg5[%dma_wait3A] : memref<10240xf32, #tpu.memory_space<vmem_shared>> -> memref<10240xf32, #tpu.memory_space<vmem_shared>>
      tpu.wait_indirect_dma semaphore(%run_scoped3A_270 : memref<!tpu.dma_semaphore, #tpu.memory_space<semaphore_mem>>) src(%arg9 : memref<10000xf32, #tpu.memory_space<vmem>>) dst(%dma_wait3A_272 : memref<10240xf32, #tpu.memory_space<vmem_shared>>)
      tpu.yield
    }) : () -> ()
    %barrier3A_261 = arith.constant 0 : index
    tpu.barrier barrier_id(%barrier3A_261)
    %mul3A_262 = arith.constant 640 : i32
    %mul3A_263 = arith.muli %arg1, %mul3A_262 : i32
    %mul3A_264 = arith.constant 640 : i32
    %mul3A_265 = arith.muli %arg1, %mul3A_264 : i32
    "tpu.region"() ({
      %run_scoped3A_270 = tpu.sem_alloc : memref<!tpu.dma_semaphore, #tpu.memory_space<semaphore_mem>>
      %dma_start3A = tpu.memref_slice %arg3[%arg0, %mul3A_265] : memref<2x10240xf32, #tpu.memory_space<hbm>> -> memref<1x640xf32, #tpu.memory_space<hbm>>
      %dma_start3A_271 = tpu.memref_squeeze %dma_start3A : memref<1x640xf32, #tpu.memory_space<hbm>> -> memref<640xf32, #tpu.memory_space<hbm>>
      %dma_start3A_272 = tpu.memref_slice %arg5[%mul3A_263] : memref<10240xf32, #tpu.memory_space<vmem_shared>> -> memref<640xf32, #tpu.memory_space<vmem_shared>>
      tpu.enqueue_dma source(%dma_start3A_272 : memref<640xf32, #tpu.memory_space<vmem_shared>>) target(%dma_start3A_271 : memref<640xf32, #tpu.memory_space<hbm>>) target_semaphore(%run_scoped3A_270 : memref<!tpu.dma_semaphore, #tpu.memory_space<semaphore_mem>>)
      %dma_wait3A = tpu.memref_slice %arg3[%arg0, %mul3A_265] : memref<2x10240xf32, #tpu.memory_space<hbm>> -> memref<1x640xf32, #tpu.memory_space<hbm>>
      %dma_wait3A_273 = tpu.memref_squeeze %dma_wait3A : memref<1x640xf32, #tpu.memory_space<hbm>> -> memref<640xf32, #tpu.memory_space<hbm>>
      %dma_wait3A_274 = tpu.memref_slice %arg5[%mul3A_263] : memref<10240xf32, #tpu.memory_space<vmem_shared>> -> memref<640xf32, #tpu.memory_space<vmem_shared>>
      tpu.wait_dma2 semaphore(%run_scoped3A_270 : memref<!tpu.dma_semaphore, #tpu.memory_space<semaphore_mem>>) src(%dma_wait3A_274 : memref<640xf32, #tpu.memory_space<vmem_shared>>) dst(%dma_wait3A_273 : memref<640xf32, #tpu.memory_space<hbm>>)
      tpu.yield
    }) : () -> ()
    %mul3A_266 = arith.constant 640 : i32
    %mul3A_267 = arith.muli %arg1, %mul3A_266 : i32
    %mul3A_268 = arith.constant 640 : i32
    %mul3A_269 = arith.muli %arg1, %mul3A_268 : i32
    "tpu.region"() ({
      %run_scoped3A_270 = tpu.sem_alloc : memref<!tpu.dma_semaphore, #tpu.memory_space<semaphore_mem>>
      %dma_start3A = tpu.memref_slice %arg4[%arg0, %mul3A_269] : memref<2x10240xf32, #tpu.memory_space<hbm>> -> memref<1x640xf32, #tpu.memory_space<hbm>>
      %dma_start3A_271 = tpu.memref_squeeze %dma_start3A : memref<1x640xf32, #tpu.memory_space<hbm>> -> memref<640xf32, #tpu.memory_space<hbm>>
      %dma_start3A_272 = tpu.memref_slice %arg6[%mul3A_267] : memref<10240xf32, #tpu.memory_space<vmem_shared>> -> memref<640xf32, #tpu.memory_space<vmem_shared>>
      tpu.enqueue_dma source(%dma_start3A_272 : memref<640xf32, #tpu.memory_space<vmem_shared>>) target(%dma_start3A_271 : memref<640xf32, #tpu.memory_space<hbm>>) target_semaphore(%run_scoped3A_270 : memref<!tpu.dma_semaphore, #tpu.memory_space<semaphore_mem>>)
      %dma_wait3A = tpu.memref_slice %arg4[%arg0, %mul3A_269] : memref<2x10240xf32, #tpu.memory_space<hbm>> -> memref<1x640xf32, #tpu.memory_space<hbm>>
      %dma_wait3A_273 = tpu.memref_squeeze %dma_wait3A : memref<1x640xf32, #tpu.memory_space<hbm>> -> memref<640xf32, #tpu.memory_space<hbm>>
      %dma_wait3A_274 = tpu.memref_slice %arg6[%mul3A_267] : memref<10240xf32, #tpu.memory_space<vmem_shared>> -> memref<640xf32, #tpu.memory_space<vmem_shared>>
      tpu.wait_dma2 semaphore(%run_scoped3A_270 : memref<!tpu.dma_semaphore, #tpu.memory_space<semaphore_mem>>) src(%dma_wait3A_274 : memref<640xf32, #tpu.memory_space<vmem_shared>>) dst(%dma_wait3A_273 : memref<640xf32, #tpu.memory_space<hbm>>)
      tpu.yield
    }) : () -> ()
    return
  }
}

#map = affine_map<(d0, d1) -> (0, 0, 0)>
#map1 = affine_map<(d0, d1) -> (0, 0)>
module attributes {stable_mosaic.version = 14 : i64} {
  func.func @sc_lap(%arg0: i32, %arg1: i32, %arg2: memref<2x32x10000xi32, #tpu.memory_space<hbm>>, %arg3: memref<10000x16xf32, #tpu.memory_space<hbm>>, %arg4: memref<2x10240x16xf32, #tpu.memory_space<hbm>>, %arg5: memref<10240x16xf32, #tpu.memory_space<vmem_shared>>, %arg6: memref<10000xi32, #tpu.memory_space<vmem>>, %arg7: memref<10000xi32, #tpu.memory_space<vmem>>, %arg8: memref<2000x16xf32, #tpu.memory_space<vmem>>, %arg9: memref<2000x16xf32, #tpu.memory_space<vmem>>, %arg10: memref<!tpu.dma_semaphore, #tpu.memory_space<semaphore_mem>>, %arg11: memref<!tpu.dma_semaphore, #tpu.memory_space<semaphore_mem>>, %arg12: memref<!tpu.dma_semaphore, #tpu.memory_space<semaphore_mem>>, %arg13: memref<!tpu.dma_semaphore, #tpu.memory_space<semaphore_mem>>) attributes {dimension_semantics = [#tpu.dimension_semantics<core_parallel>, #tpu.dimension_semantics<subcore_parallel>], iteration_bounds = array<i64: 2, 16>, scalar_prefetch = 0 : i64, scratch_operands = 9 : i64, tpu.core_type = #tpu.core_type<sc_vector_subcore>, window_params = [{transform_indices = #map}, {transform_indices = #map1}, {transform_indices = #map}]} {
    %mul3A = arith.constant 16 : i32
    %mul3A_0 = arith.muli %arg0, %mul3A : i32
    %add3A = arith.addi %mul3A_0, %arg1 : i32
    %run_scoped3A = arith.constant 1 : i32
    "tpu.region"() ({
      %run_scoped3A_45 = tpu.sem_alloc : memref<!tpu.dma_semaphore, #tpu.memory_space<semaphore_mem>>
      %dma_start3A_46 = arith.constant 0 : i32
      %dma_start3A_47 = tpu.memref_slice %arg2[%run_scoped3A, %add3A, %dma_start3A_46] : memref<2x32x10000xi32, #tpu.memory_space<hbm>> -> memref<1x1x10000xi32, #tpu.memory_space<hbm>>
      %dma_start3A_48 = tpu.memref_squeeze %dma_start3A_47 : memref<1x1x10000xi32, #tpu.memory_space<hbm>> -> memref<10000xi32, #tpu.memory_space<hbm>>
      %dma_start3A_49 = arith.constant 0 : i32
      %dma_start3A_50 = tpu.memref_slice %arg2[%run_scoped3A, %add3A, %dma_start3A_49] : memref<2x32x10000xi32, #tpu.memory_space<hbm>> -> memref<1x1x10000xi32, #tpu.memory_space<hbm>>
      %dma_start3A_51 = tpu.memref_squeeze %dma_start3A_50 : memref<1x1x10000xi32, #tpu.memory_space<hbm>> -> memref<10000xi32, #tpu.memory_space<hbm>>
      tpu.enqueue_dma source(%dma_start3A_51 : memref<10000xi32, #tpu.memory_space<hbm>>) target(%arg6 : memref<10000xi32, #tpu.memory_space<vmem>>) target_semaphore(%run_scoped3A_45 : memref<!tpu.dma_semaphore, #tpu.memory_space<semaphore_mem>>)
      %dma_wait3A_52 = arith.constant 0 : i32
      %dma_wait3A_53 = tpu.memref_slice %arg2[%run_scoped3A, %add3A, %dma_wait3A_52] : memref<2x32x10000xi32, #tpu.memory_space<hbm>> -> memref<1x1x10000xi32, #tpu.memory_space<hbm>>
      %dma_wait3A_54 = tpu.memref_squeeze %dma_wait3A_53 : memref<1x1x10000xi32, #tpu.memory_space<hbm>> -> memref<10000xi32, #tpu.memory_space<hbm>>
      %dma_wait3A_55 = arith.constant 0 : i32
      %dma_wait3A_56 = tpu.memref_slice %arg2[%run_scoped3A, %add3A, %dma_wait3A_55] : memref<2x32x10000xi32, #tpu.memory_space<hbm>> -> memref<1x1x10000xi32, #tpu.memory_space<hbm>>
      %dma_wait3A_57 = tpu.memref_squeeze %dma_wait3A_56 : memref<1x1x10000xi32, #tpu.memory_space<hbm>> -> memref<10000xi32, #tpu.memory_space<hbm>>
      tpu.wait_dma2 semaphore(%run_scoped3A_45 : memref<!tpu.dma_semaphore, #tpu.memory_space<semaphore_mem>>) src(%dma_wait3A_57 : memref<10000xi32, #tpu.memory_space<hbm>>) dst(%arg6 : memref<10000xi32, #tpu.memory_space<vmem>>)
      tpu.yield
    }) : () -> ()
    %run_scoped3A_1 = arith.constant 0 : i32
    "tpu.region"() ({
      %run_scoped3A_45 = tpu.sem_alloc : memref<!tpu.dma_semaphore, #tpu.memory_space<semaphore_mem>>
      %dma_start3A_46 = arith.constant 0 : i32
      %dma_start3A_47 = tpu.memref_slice %arg2[%run_scoped3A_1, %add3A, %dma_start3A_46] : memref<2x32x10000xi32, #tpu.memory_space<hbm>> -> memref<1x1x10000xi32, #tpu.memory_space<hbm>>
      %dma_start3A_48 = tpu.memref_squeeze %dma_start3A_47 : memref<1x1x10000xi32, #tpu.memory_space<hbm>> -> memref<10000xi32, #tpu.memory_space<hbm>>
      %dma_start3A_49 = arith.constant 0 : i32
      %dma_start3A_50 = tpu.memref_slice %arg2[%run_scoped3A_1, %add3A, %dma_start3A_49] : memref<2x32x10000xi32, #tpu.memory_space<hbm>> -> memref<1x1x10000xi32, #tpu.memory_space<hbm>>
      %dma_start3A_51 = tpu.memref_squeeze %dma_start3A_50 : memref<1x1x10000xi32, #tpu.memory_space<hbm>> -> memref<10000xi32, #tpu.memory_space<hbm>>
      tpu.enqueue_dma source(%dma_start3A_51 : memref<10000xi32, #tpu.memory_space<hbm>>) target(%arg7 : memref<10000xi32, #tpu.memory_space<vmem>>) target_semaphore(%run_scoped3A_45 : memref<!tpu.dma_semaphore, #tpu.memory_space<semaphore_mem>>)
      %dma_wait3A_52 = arith.constant 0 : i32
      %dma_wait3A_53 = tpu.memref_slice %arg2[%run_scoped3A_1, %add3A, %dma_wait3A_52] : memref<2x32x10000xi32, #tpu.memory_space<hbm>> -> memref<1x1x10000xi32, #tpu.memory_space<hbm>>
      %dma_wait3A_54 = tpu.memref_squeeze %dma_wait3A_53 : memref<1x1x10000xi32, #tpu.memory_space<hbm>> -> memref<10000xi32, #tpu.memory_space<hbm>>
      %dma_wait3A_55 = arith.constant 0 : i32
      %dma_wait3A_56 = tpu.memref_slice %arg2[%run_scoped3A_1, %add3A, %dma_wait3A_55] : memref<2x32x10000xi32, #tpu.memory_space<hbm>> -> memref<1x1x10000xi32, #tpu.memory_space<hbm>>
      %dma_wait3A_57 = tpu.memref_squeeze %dma_wait3A_56 : memref<1x1x10000xi32, #tpu.memory_space<hbm>> -> memref<10000xi32, #tpu.memory_space<hbm>>
      tpu.wait_dma2 semaphore(%run_scoped3A_45 : memref<!tpu.dma_semaphore, #tpu.memory_space<semaphore_mem>>) src(%dma_wait3A_57 : memref<10000xi32, #tpu.memory_space<hbm>>) dst(%arg7 : memref<10000xi32, #tpu.memory_space<vmem>>)
      tpu.yield
    }) : () -> ()
    %scan3A = arith.constant 0 : i32
    %scan3A_2 = arith.constant 0 : i32
    %scan3A_3 = arith.constant 640 : i32
    %scan3A_4 = arith.addi %scan3A_2, %scan3A_3 : i32
    %scan3A_5 = arith.constant 4 : i32
    %scan3A_6 = scf.for %scan3A_45 = %scan3A_2 to %scan3A_4 step %scan3A_5 iter_args(%scan3A_46 = %scan3A) -> (i32)  : i32 {
      %broadcast_in_dim3A = arith.constant 0.000000e+00 : f32
      %broadcast_in_dim3A_47 = vector.broadcast %broadcast_in_dim3A : f32 to vector<16xf32>
      %swap3A = arith.index_cast %scan3A_45 : i32 to index
      %swap3A_48 = arith.constant 0 : index
      %swap3A_49 = tpu.vector_load %arg8[%swap3A, %swap3A_48] {strides = array<i32>} : memref<2000x16xf32, #tpu.memory_space<vmem>>, vector<1x16xf32>,
      %swap3A_50 = vector.shape_cast %swap3A_49 : vector<1x16xf32> to vector<16xf32>
      %swap3A_51 = vector.shape_cast %broadcast_in_dim3A_47 : vector<16xf32> to vector<1x16xf32>
      tpu.vector_store %arg8[%swap3A, %swap3A_48], %swap3A_51 {strides = array<i32>} : memref<2000x16xf32, #tpu.memory_space<vmem>>, vector<1x16xf32>,
      %scan3A_52 = arith.constant 0 : i32
      %scan3A_53 = arith.constant 1 : i32
      %scan3A_54 = arith.addi %scan3A_45, %scan3A_53 : i32
      %broadcast_in_dim3A_55 = arith.constant 0.000000e+00 : f32
      %broadcast_in_dim3A_56 = vector.broadcast %broadcast_in_dim3A_55 : f32 to vector<16xf32>
      %swap3A_57 = arith.index_cast %scan3A_54 : i32 to index
      %swap3A_58 = arith.constant 0 : index
      %swap3A_59 = tpu.vector_load %arg8[%swap3A_57, %swap3A_58] {strides = array<i32>} : memref<2000x16xf32, #tpu.memory_space<vmem>>, vector<1x16xf32>,
      %swap3A_60 = vector.shape_cast %swap3A_59 : vector<1x16xf32> to vector<16xf32>
      %swap3A_61 = vector.shape_cast %broadcast_in_dim3A_56 : vector<16xf32> to vector<1x16xf32>
      tpu.vector_store %arg8[%swap3A_57, %swap3A_58], %swap3A_61 {strides = array<i32>} : memref<2000x16xf32, #tpu.memory_space<vmem>>, vector<1x16xf32>,
      %scan3A_62 = arith.constant 0 : i32
      %scan3A_63 = arith.constant 2 : i32
      %scan3A_64 = arith.addi %scan3A_45, %scan3A_63 : i32
      %broadcast_in_dim3A_65 = arith.constant 0.000000e+00 : f32
      %broadcast_in_dim3A_66 = vector.broadcast %broadcast_in_dim3A_65 : f32 to vector<16xf32>
      %swap3A_67 = arith.index_cast %scan3A_64 : i32 to index
      %swap3A_68 = arith.constant 0 : index
      %swap3A_69 = tpu.vector_load %arg8[%swap3A_67, %swap3A_68] {strides = array<i32>} : memref<2000x16xf32, #tpu.memory_space<vmem>>, vector<1x16xf32>,
      %swap3A_70 = vector.shape_cast %swap3A_69 : vector<1x16xf32> to vector<16xf32>
      %swap3A_71 = vector.shape_cast %broadcast_in_dim3A_66 : vector<16xf32> to vector<1x16xf32>
      tpu.vector_store %arg8[%swap3A_67, %swap3A_68], %swap3A_71 {strides = array<i32>} : memref<2000x16xf32, #tpu.memory_space<vmem>>, vector<1x16xf32>,
      %scan3A_72 = arith.constant 0 : i32
      %scan3A_73 = arith.constant 3 : i32
      %scan3A_74 = arith.addi %scan3A_45, %scan3A_73 : i32
      %broadcast_in_dim3A_75 = arith.constant 0.000000e+00 : f32
      %broadcast_in_dim3A_76 = vector.broadcast %broadcast_in_dim3A_75 : f32 to vector<16xf32>
      %swap3A_77 = arith.index_cast %scan3A_74 : i32 to index
      %swap3A_78 = arith.constant 0 : index
      %swap3A_79 = tpu.vector_load %arg8[%swap3A_77, %swap3A_78] {strides = array<i32>} : memref<2000x16xf32, #tpu.memory_space<vmem>>, vector<1x16xf32>,
      %swap3A_80 = vector.shape_cast %swap3A_79 : vector<1x16xf32> to vector<16xf32>
      %swap3A_81 = vector.shape_cast %broadcast_in_dim3A_76 : vector<16xf32> to vector<1x16xf32>
      tpu.vector_store %arg8[%swap3A_77, %swap3A_78], %swap3A_81 {strides = array<i32>} : memref<2000x16xf32, #tpu.memory_space<vmem>>, vector<1x16xf32>,
      %scan3A_82 = arith.constant 0 : i32
      scf.yield %scan3A_82 : i32
    }
    %scan3A_7 = arith.constant 640 : i32
    %mul3A_8 = arith.constant 640 : i32
    %mul3A_9 = arith.muli %arg1, %mul3A_8 : i32
    "tpu.region"() ({
      %run_scoped3A_45 = tpu.sem_alloc : memref<!tpu.dma_semaphore, #tpu.memory_space<semaphore_mem>>
      %dma_start3A_46 = arith.constant 0 : i32
      %dma_start3A_47 = arith.constant 0 : i32
      %dma_start3A_48 = tpu.memref_slice %arg8[%dma_start3A_46, %dma_start3A_47] : memref<2000x16xf32, #tpu.memory_space<vmem>> -> memref<640x16xf32, #tpu.memory_space<vmem>>
      %dma_start3A_49 = arith.constant 0 : i32
      %dma_start3A_50 = tpu.memref_slice %arg5[%mul3A_9, %dma_start3A_49] : memref<10240x16xf32, #tpu.memory_space<vmem_shared>> -> memref<640x16xf32, #tpu.memory_space<vmem_shared>>
      %dma_start3A_51 = arith.constant 0 : i32
      %dma_start3A_52 = tpu.memref_slice %arg5[%mul3A_9, %dma_start3A_51] : memref<10240x16xf32, #tpu.memory_space<vmem_shared>> -> memref<640x16xf32, #tpu.memory_space<vmem_shared>>
      %dma_start3A_53 = arith.constant 0 : i32
      %dma_start3A_54 = arith.constant 0 : i32
      %dma_start3A_55 = tpu.memref_slice %arg8[%dma_start3A_53, %dma_start3A_54] : memref<2000x16xf32, #tpu.memory_space<vmem>> -> memref<640x16xf32, #tpu.memory_space<vmem>>
      tpu.enqueue_dma source(%dma_start3A_55 : memref<640x16xf32, #tpu.memory_space<vmem>>) target(%dma_start3A_52 : memref<640x16xf32, #tpu.memory_space<vmem_shared>>) target_semaphore(%run_scoped3A_45 : memref<!tpu.dma_semaphore, #tpu.memory_space<semaphore_mem>>)
      %dma_wait3A_56 = arith.constant 0 : i32
      %dma_wait3A_57 = arith.constant 0 : i32
      %dma_wait3A_58 = tpu.memref_slice %arg8[%dma_wait3A_56, %dma_wait3A_57] : memref<2000x16xf32, #tpu.memory_space<vmem>> -> memref<640x16xf32, #tpu.memory_space<vmem>>
      %dma_wait3A_59 = arith.constant 0 : i32
      %dma_wait3A_60 = tpu.memref_slice %arg5[%mul3A_9, %dma_wait3A_59] : memref<10240x16xf32, #tpu.memory_space<vmem_shared>> -> memref<640x16xf32, #tpu.memory_space<vmem_shared>>
      %dma_wait3A_61 = arith.constant 0 : i32
      %dma_wait3A_62 = tpu.memref_slice %arg5[%mul3A_9, %dma_wait3A_61] : memref<10240x16xf32, #tpu.memory_space<vmem_shared>> -> memref<640x16xf32, #tpu.memory_space<vmem_shared>>
      %dma_wait3A_63 = arith.constant 0 : i32
      %dma_wait3A_64 = arith.constant 0 : i32
      %dma_wait3A_65 = tpu.memref_slice %arg8[%dma_wait3A_63, %dma_wait3A_64] : memref<2000x16xf32, #tpu.memory_space<vmem>> -> memref<640x16xf32, #tpu.memory_space<vmem>>
      tpu.wait_dma2 semaphore(%run_scoped3A_45 : memref<!tpu.dma_semaphore, #tpu.memory_space<semaphore_mem>>) src(%dma_wait3A_65 : memref<640x16xf32, #tpu.memory_space<vmem>>) dst(%dma_wait3A_62 : memref<640x16xf32, #tpu.memory_space<vmem_shared>>)
      tpu.yield
    }) : () -> ()
    %barrier3A = arith.constant 0 : index
    tpu.barrier barrier_id(%barrier3A)
    %dma_start3A = arith.constant 0 : i32
    %dma_start3A_10 = tpu.memref_slice %arg6[%dma_start3A] : memref<10000xi32, #tpu.memory_space<vmem>> -> memref<2000xi32, #tpu.memory_space<vmem>>
    %dma_start3A_11 = arith.constant 0 : i32
    %dma_start3A_12 = arith.constant 0 : i32
    %dma_start3A_13 = tpu.memref_slice %arg3[%dma_start3A_11, %dma_start3A_12] : memref<10000x16xf32, #tpu.memory_space<hbm>> -> memref<10000x16xf32, #tpu.memory_space<hbm>>
    tpu.enqueue_indirect_dma source(%dma_start3A_13 : memref<10000x16xf32, #tpu.memory_space<hbm>>) target(%arg8 : memref<2000x16xf32, #tpu.memory_space<vmem>>) offsets(%dma_start3A_10 : memref<2000xi32, #tpu.memory_space<vmem>>) semaphore(%arg10 : memref<!tpu.dma_semaphore, #tpu.memory_space<semaphore_mem>>)
    %dma_wait3A = arith.constant 0 : i32
    %dma_wait3A_14 = tpu.memref_slice %arg6[%dma_wait3A] : memref<10000xi32, #tpu.memory_space<vmem>> -> memref<2000xi32, #tpu.memory_space<vmem>>
    %dma_wait3A_15 = arith.constant 0 : i32
    %dma_wait3A_16 = arith.constant 0 : i32
    %dma_wait3A_17 = tpu.memref_slice %arg3[%dma_wait3A_15, %dma_wait3A_16] : memref<10000x16xf32, #tpu.memory_space<hbm>> -> memref<10000x16xf32, #tpu.memory_space<hbm>>
    tpu.wait_indirect_dma semaphore(%arg10 : memref<!tpu.dma_semaphore, #tpu.memory_space<semaphore_mem>>) src(%dma_wait3A_17 : memref<10000x16xf32, #tpu.memory_space<hbm>>) dst(%arg8 : memref<2000x16xf32, #tpu.memory_space<vmem>>)
    %dma_start3A_18 = arith.constant 0 : i32
    %dma_start3A_19 = tpu.memref_slice %arg7[%dma_start3A_18] : memref<10000xi32, #tpu.memory_space<vmem>> -> memref<2000xi32, #tpu.memory_space<vmem>>
    %dma_start3A_20 = arith.constant 0 : i32
    %dma_start3A_21 = arith.constant 0 : i32
    %dma_start3A_22 = tpu.memref_slice %arg5[%dma_start3A_20, %dma_start3A_21] : memref<10240x16xf32, #tpu.memory_space<vmem_shared>> -> memref<10240x16xf32, #tpu.memory_space<vmem_shared>>
    tpu.enqueue_indirect_dma source(%arg8 : memref<2000x16xf32, #tpu.memory_space<vmem>>) target(%dma_start3A_22 : memref<10240x16xf32, #tpu.memory_space<vmem_shared>>) offsets(%dma_start3A_19 : memref<2000xi32, #tpu.memory_space<vmem>>) semaphore(%arg12 : memref<!tpu.dma_semaphore, #tpu.memory_space<semaphore_mem>>) {add = true}
    %dma_start3A_23 = arith.constant 2000 : i32
    %dma_start3A_24 = tpu.memref_slice %arg6[%dma_start3A_23] : memref<10000xi32, #tpu.memory_space<vmem>> -> memref<2000xi32, #tpu.memory_space<vmem>>
    %dma_start3A_25 = arith.constant 0 : i32
    %dma_start3A_26 = arith.constant 0 : i32
    %dma_start3A_27 = tpu.memref_slice %arg3[%dma_start3A_25, %dma_start3A_26] : memref<10000x16xf32, #tpu.memory_space<hbm>> -> memref<10000x16xf32, #tpu.memory_space<hbm>>
    tpu.enqueue_indirect_dma source(%dma_start3A_27 : memref<10000x16xf32, #tpu.memory_space<hbm>>) target(%arg9 : memref<2000x16xf32, #tpu.memory_space<vmem>>) offsets(%dma_start3A_24 : memref<2000xi32, #tpu.memory_space<vmem>>) semaphore(%arg11 : memref<!tpu.dma_semaphore, #tpu.memory_space<semaphore_mem>>)
    %scan3A_28 = arith.constant 0 : i32
    %scan3A_29 = arith.constant 0 : i32
    %scan3A_30 = arith.constant 2 : i32
    %scan3A_31 = arith.addi %scan3A_29, %scan3A_30 : i32
    %scan3A_32 = arith.constant 1 : i32
    %scan3A_33 = scf.for %scan3A_45 = %scan3A_29 to %scan3A_31 step %scan3A_32 iter_args(%scan3A_46 = %scan3A_28) -> (i32)  : i32 {
      %mul3A_47 = arith.constant 2 : i32
      %mul3A_48 = arith.muli %mul3A_47, %scan3A_45 : i32
      %add3A_49 = arith.constant 1 : i32
      %add3A_50 = arith.addi %add3A_49, %mul3A_48 : i32
      %mul3A_51 = arith.constant 2000 : i32
      %mul3A_52 = arith.muli %add3A_50, %mul3A_51 : i32
      %dma_wait3A_53 = tpu.memref_slice %arg6[%mul3A_52] : memref<10000xi32, #tpu.memory_space<vmem>> -> memref<2000xi32, #tpu.memory_space<vmem>>
      %dma_wait3A_54 = arith.constant 0 : i32
      %dma_wait3A_55 = arith.constant 0 : i32
      %dma_wait3A_56 = tpu.memref_slice %arg3[%dma_wait3A_54, %dma_wait3A_55] : memref<10000x16xf32, #tpu.memory_space<hbm>> -> memref<10000x16xf32, #tpu.memory_space<hbm>>
      tpu.wait_indirect_dma semaphore(%arg11 : memref<!tpu.dma_semaphore, #tpu.memory_space<semaphore_mem>>) src(%dma_wait3A_56 : memref<10000x16xf32, #tpu.memory_space<hbm>>) dst(%arg9 : memref<2000x16xf32, #tpu.memory_space<vmem>>)
      %mul3A_57 = arith.constant 2000 : i32
      %mul3A_58 = arith.muli %add3A_50, %mul3A_57 : i32
      %dma_start3A_59 = tpu.memref_slice %arg7[%mul3A_58] : memref<10000xi32, #tpu.memory_space<vmem>> -> memref<2000xi32, #tpu.memory_space<vmem>>
      %dma_start3A_60 = arith.constant 0 : i32
      %dma_start3A_61 = arith.constant 0 : i32
      %dma_start3A_62 = tpu.memref_slice %arg5[%dma_start3A_60, %dma_start3A_61] : memref<10240x16xf32, #tpu.memory_space<vmem_shared>> -> memref<10240x16xf32, #tpu.memory_space<vmem_shared>>
      tpu.enqueue_indirect_dma source(%arg9 : memref<2000x16xf32, #tpu.memory_space<vmem>>) target(%dma_start3A_62 : memref<10240x16xf32, #tpu.memory_space<vmem_shared>>) offsets(%dma_start3A_59 : memref<2000xi32, #tpu.memory_space<vmem>>) semaphore(%arg13 : memref<!tpu.dma_semaphore, #tpu.memory_space<semaphore_mem>>) {add = true}
      %sub3A = arith.constant 1 : i32
      %sub3A_63 = arith.subi %add3A_50, %sub3A : i32
      %mul3A_64 = arith.constant 2000 : i32
      %mul3A_65 = arith.muli %sub3A_63, %mul3A_64 : i32
      %dma_wait3A_66 = tpu.memref_slice %arg7[%mul3A_65] : memref<10000xi32, #tpu.memory_space<vmem>> -> memref<2000xi32, #tpu.memory_space<vmem>>
      %dma_wait3A_67 = arith.constant 0 : i32
      %dma_wait3A_68 = arith.constant 0 : i32
      %dma_wait3A_69 = tpu.memref_slice %arg5[%dma_wait3A_67, %dma_wait3A_68] : memref<10240x16xf32, #tpu.memory_space<vmem_shared>> -> memref<10240x16xf32, #tpu.memory_space<vmem_shared>>
      tpu.wait_indirect_dma semaphore(%arg12 : memref<!tpu.dma_semaphore, #tpu.memory_space<semaphore_mem>>) src(%arg8 : memref<2000x16xf32, #tpu.memory_space<vmem>>) dst(%dma_wait3A_69 : memref<10240x16xf32, #tpu.memory_space<vmem_shared>>)
      %add3A_70 = arith.constant 1 : i32
      %add3A_71 = arith.addi %add3A_50, %add3A_70 : i32
      %mul3A_72 = arith.constant 2000 : i32
      %mul3A_73 = arith.muli %add3A_71, %mul3A_72 : i32
      %dma_start3A_74 = tpu.memref_slice %arg6[%mul3A_73] : memref<10000xi32, #tpu.memory_space<vmem>> -> memref<2000xi32, #tpu.memory_space<vmem>>
      %dma_start3A_75 = arith.constant 0 : i32
      %dma_start3A_76 = arith.constant 0 : i32
      %dma_start3A_77 = tpu.memref_slice %arg3[%dma_start3A_75, %dma_start3A_76] : memref<10000x16xf32, #tpu.memory_space<hbm>> -> memref<10000x16xf32, #tpu.memory_space<hbm>>
      tpu.enqueue_indirect_dma source(%dma_start3A_77 : memref<10000x16xf32, #tpu.memory_space<hbm>>) target(%arg8 : memref<2000x16xf32, #tpu.memory_space<vmem>>) offsets(%dma_start3A_74 : memref<2000xi32, #tpu.memory_space<vmem>>) semaphore(%arg10 : memref<!tpu.dma_semaphore, #tpu.memory_space<semaphore_mem>>)
      %add3A_78 = arith.constant 1 : i32
      %add3A_79 = arith.addi %add3A_50, %add3A_78 : i32
      %mul3A_80 = arith.constant 2000 : i32
      %mul3A_81 = arith.muli %add3A_79, %mul3A_80 : i32
      %dma_wait3A_82 = tpu.memref_slice %arg6[%mul3A_81] : memref<10000xi32, #tpu.memory_space<vmem>> -> memref<2000xi32, #tpu.memory_space<vmem>>
      %dma_wait3A_83 = arith.constant 0 : i32
      %dma_wait3A_84 = arith.constant 0 : i32
      %dma_wait3A_85 = tpu.memref_slice %arg3[%dma_wait3A_83, %dma_wait3A_84] : memref<10000x16xf32, #tpu.memory_space<hbm>> -> memref<10000x16xf32, #tpu.memory_space<hbm>>
      tpu.wait_indirect_dma semaphore(%arg10 : memref<!tpu.dma_semaphore, #tpu.memory_space<semaphore_mem>>) src(%dma_wait3A_85 : memref<10000x16xf32, #tpu.memory_space<hbm>>) dst(%arg8 : memref<2000x16xf32, #tpu.memory_space<vmem>>)
      %mul3A_86 = arith.constant 2000 : i32
      %mul3A_87 = arith.muli %add3A_79, %mul3A_86 : i32
      %dma_start3A_88 = tpu.memref_slice %arg7[%mul3A_87] : memref<10000xi32, #tpu.memory_space<vmem>> -> memref<2000xi32, #tpu.memory_space<vmem>>
      %dma_start3A_89 = arith.constant 0 : i32
      %dma_start3A_90 = arith.constant 0 : i32
      %dma_start3A_91 = tpu.memref_slice %arg5[%dma_start3A_89, %dma_start3A_90] : memref<10240x16xf32, #tpu.memory_space<vmem_shared>> -> memref<10240x16xf32, #tpu.memory_space<vmem_shared>>
      tpu.enqueue_indirect_dma source(%arg8 : memref<2000x16xf32, #tpu.memory_space<vmem>>) target(%dma_start3A_91 : memref<10240x16xf32, #tpu.memory_space<vmem_shared>>) offsets(%dma_start3A_88 : memref<2000xi32, #tpu.memory_space<vmem>>) semaphore(%arg12 : memref<!tpu.dma_semaphore, #tpu.memory_space<semaphore_mem>>) {add = true}
      %sub3A_92 = arith.constant 1 : i32
      %sub3A_93 = arith.subi %add3A_79, %sub3A_92 : i32
      %mul3A_94 = arith.constant 2000 : i32
      %mul3A_95 = arith.muli %sub3A_93, %mul3A_94 : i32
      %dma_wait3A_96 = tpu.memref_slice %arg7[%mul3A_95] : memref<10000xi32, #tpu.memory_space<vmem>> -> memref<2000xi32, #tpu.memory_space<vmem>>
      %dma_wait3A_97 = arith.constant 0 : i32
      %dma_wait3A_98 = arith.constant 0 : i32
      %dma_wait3A_99 = tpu.memref_slice %arg5[%dma_wait3A_97, %dma_wait3A_98] : memref<10240x16xf32, #tpu.memory_space<vmem_shared>> -> memref<10240x16xf32, #tpu.memory_space<vmem_shared>>
      tpu.wait_indirect_dma semaphore(%arg13 : memref<!tpu.dma_semaphore, #tpu.memory_space<semaphore_mem>>) src(%arg9 : memref<2000x16xf32, #tpu.memory_space<vmem>>) dst(%dma_wait3A_99 : memref<10240x16xf32, #tpu.memory_space<vmem_shared>>)
      %add3A_100 = arith.constant 1 : i32
      %add3A_101 = arith.addi %add3A_79, %add3A_100 : i32
      %lt3A = arith.constant 5 : i32
      %lt3A_102 = arith.cmpi slt, %add3A_101, %lt3A : i32
      %convert_element_type3A = arith.extui %lt3A_102 : i1 to i32
      %cond3A = arith.constant 0 : i32
      %cond3A_103 = arith.cmpi ne, %convert_element_type3A, %cond3A : i32
      scf.if %cond3A_103 {
        %add3A_105 = arith.constant 1 : i32
        %add3A_106 = arith.addi %add3A_79, %add3A_105 : i32
        %mul3A_107 = arith.constant 2000 : i32
        %mul3A_108 = arith.muli %add3A_106, %mul3A_107 : i32
        %dma_start3A_109 = tpu.memref_slice %arg6[%mul3A_108] : memref<10000xi32, #tpu.memory_space<vmem>> -> memref<2000xi32, #tpu.memory_space<vmem>>
        %dma_start3A_110 = arith.constant 0 : i32
        %dma_start3A_111 = arith.constant 0 : i32
        %dma_start3A_112 = tpu.memref_slice %arg3[%dma_start3A_110, %dma_start3A_111] : memref<10000x16xf32, #tpu.memory_space<hbm>> -> memref<10000x16xf32, #tpu.memory_space<hbm>>
        tpu.enqueue_indirect_dma source(%dma_start3A_112 : memref<10000x16xf32, #tpu.memory_space<hbm>>) target(%arg9 : memref<2000x16xf32, #tpu.memory_space<vmem>>) offsets(%dma_start3A_109 : memref<2000xi32, #tpu.memory_space<vmem>>) semaphore(%arg11 : memref<!tpu.dma_semaphore, #tpu.memory_space<semaphore_mem>>)
      } else {
      }
      %scan3A_104 = arith.constant 0 : i32
      scf.yield %scan3A_104 : i32
    }
    %scan3A_34 = arith.constant 2 : i32
    %dma_wait3A_35 = arith.constant 8000 : i32
    %dma_wait3A_36 = tpu.memref_slice %arg7[%dma_wait3A_35] : memref<10000xi32, #tpu.memory_space<vmem>> -> memref<2000xi32, #tpu.memory_space<vmem>>
    %dma_wait3A_37 = arith.constant 0 : i32
    %dma_wait3A_38 = arith.constant 0 : i32
    %dma_wait3A_39 = tpu.memref_slice %arg5[%dma_wait3A_37, %dma_wait3A_38] : memref<10240x16xf32, #tpu.memory_space<vmem_shared>> -> memref<10240x16xf32, #tpu.memory_space<vmem_shared>>
    tpu.wait_indirect_dma semaphore(%arg12 : memref<!tpu.dma_semaphore, #tpu.memory_space<semaphore_mem>>) src(%arg8 : memref<2000x16xf32, #tpu.memory_space<vmem>>) dst(%dma_wait3A_39 : memref<10240x16xf32, #tpu.memory_space<vmem_shared>>)
    %barrier3A_40 = arith.constant 0 : index
    tpu.barrier barrier_id(%barrier3A_40)
    %mul3A_41 = arith.constant 640 : i32
    %mul3A_42 = arith.muli %arg1, %mul3A_41 : i32
    %mul3A_43 = arith.constant 640 : i32
    %mul3A_44 = arith.muli %arg1, %mul3A_43 : i32
    "tpu.region"() ({
      %run_scoped3A_45 = tpu.sem_alloc : memref<!tpu.dma_semaphore, #tpu.memory_space<semaphore_mem>>
      %dma_start3A_46 = arith.constant 0 : i32
      %dma_start3A_47 = tpu.memref_slice %arg4[%arg0, %mul3A_44, %dma_start3A_46] : memref<2x10240x16xf32, #tpu.memory_space<hbm>> -> memref<1x640x16xf32, #tpu.memory_space<hbm>>
      %dma_start3A_48 = tpu.memref_squeeze %dma_start3A_47 : memref<1x640x16xf32, #tpu.memory_space<hbm>> -> memref<640x16xf32, #tpu.memory_space<hbm>>
      %dma_start3A_49 = arith.constant 0 : i32
      %dma_start3A_50 = tpu.memref_slice %arg5[%mul3A_42, %dma_start3A_49] : memref<10240x16xf32, #tpu.memory_space<vmem_shared>> -> memref<640x16xf32, #tpu.memory_space<vmem_shared>>
      tpu.enqueue_dma source(%dma_start3A_50 : memref<640x16xf32, #tpu.memory_space<vmem_shared>>) target(%dma_start3A_48 : memref<640x16xf32, #tpu.memory_space<hbm>>) target_semaphore(%run_scoped3A_45 : memref<!tpu.dma_semaphore, #tpu.memory_space<semaphore_mem>>)
      %dma_wait3A_51 = arith.constant 0 : i32
      %dma_wait3A_52 = tpu.memref_slice %arg4[%arg0, %mul3A_44, %dma_wait3A_51] : memref<2x10240x16xf32, #tpu.memory_space<hbm>> -> memref<1x640x16xf32, #tpu.memory_space<hbm>>
      %dma_wait3A_53 = tpu.memref_squeeze %dma_wait3A_52 : memref<1x640x16xf32, #tpu.memory_space<hbm>> -> memref<640x16xf32, #tpu.memory_space<hbm>>
      %dma_wait3A_54 = arith.constant 0 : i32
      %dma_wait3A_55 = tpu.memref_slice %arg5[%mul3A_42, %dma_wait3A_54] : memref<10240x16xf32, #tpu.memory_space<vmem_shared>> -> memref<640x16xf32, #tpu.memory_space<vmem_shared>>
      tpu.wait_dma2 semaphore(%run_scoped3A_45 : memref<!tpu.dma_semaphore, #tpu.memory_space<semaphore_mem>>) src(%dma_wait3A_55 : memref<640x16xf32, #tpu.memory_space<vmem_shared>>) dst(%dma_wait3A_53 : memref<640x16xf32, #tpu.memory_space<hbm>>)
      tpu.yield
    }) : () -> ()
    return
  }
}

#map = affine_map<(d0, d1) -> (0, 0, 0)>
#map1 = affine_map<(d0, d1) -> (0, 0)>
module attributes {stable_mosaic.version = 14 : i64} {
  func.func @sc_agg(%arg0: i32, %arg1: i32, %arg2: memref<2x32x10000xi32, #tpu.memory_space<hbm>>, %arg3: memref<10000x128xf32, #tpu.memory_space<hbm>>, %arg4: memref<2x10240x128xf32, #tpu.memory_space<hbm>>, %arg5: memref<10240x128xf32, #tpu.memory_space<vmem_shared>>, %arg6: memref<10000xi32, #tpu.memory_space<vmem>>, %arg7: memref<10000xi32, #tpu.memory_space<vmem>>, %arg8: memref<80x128xf32, #tpu.memory_space<vmem>>, %arg9: memref<80x128xf32, #tpu.memory_space<vmem>>, %arg10: memref<!tpu.dma_semaphore, #tpu.memory_space<semaphore_mem>>, %arg11: memref<!tpu.dma_semaphore, #tpu.memory_space<semaphore_mem>>, %arg12: memref<!tpu.dma_semaphore, #tpu.memory_space<semaphore_mem>>, %arg13: memref<!tpu.dma_semaphore, #tpu.memory_space<semaphore_mem>>) attributes {dimension_semantics = [#tpu.dimension_semantics<core_parallel>, #tpu.dimension_semantics<subcore_parallel>], iteration_bounds = array<i64: 2, 16>, scalar_prefetch = 0 : i64, scratch_operands = 9 : i64, tpu.core_type = #tpu.core_type<sc_vector_subcore>, window_params = [{transform_indices = #map}, {transform_indices = #map1}, {transform_indices = #map}]} {
    %mul3A = arith.constant 16 : i32
    %mul3A_0 = arith.muli %arg0, %mul3A : i32
    %add3A = arith.addi %mul3A_0, %arg1 : i32
    %run_scoped3A = arith.constant 0 : i32
    "tpu.region"() ({
      %run_scoped3A_75 = tpu.sem_alloc : memref<!tpu.dma_semaphore, #tpu.memory_space<semaphore_mem>>
      %dma_start3A_76 = arith.constant 0 : i32
      %dma_start3A_77 = tpu.memref_slice %arg2[%run_scoped3A, %add3A, %dma_start3A_76] : memref<2x32x10000xi32, #tpu.memory_space<hbm>> -> memref<1x1x10000xi32, #tpu.memory_space<hbm>>
      %dma_start3A_78 = tpu.memref_squeeze %dma_start3A_77 : memref<1x1x10000xi32, #tpu.memory_space<hbm>> -> memref<10000xi32, #tpu.memory_space<hbm>>
      %dma_start3A_79 = arith.constant 0 : i32
      %dma_start3A_80 = tpu.memref_slice %arg2[%run_scoped3A, %add3A, %dma_start3A_79] : memref<2x32x10000xi32, #tpu.memory_space<hbm>> -> memref<1x1x10000xi32, #tpu.memory_space<hbm>>
      %dma_start3A_81 = tpu.memref_squeeze %dma_start3A_80 : memref<1x1x10000xi32, #tpu.memory_space<hbm>> -> memref<10000xi32, #tpu.memory_space<hbm>>
      tpu.enqueue_dma source(%dma_start3A_81 : memref<10000xi32, #tpu.memory_space<hbm>>) target(%arg6 : memref<10000xi32, #tpu.memory_space<vmem>>) target_semaphore(%run_scoped3A_75 : memref<!tpu.dma_semaphore, #tpu.memory_space<semaphore_mem>>)
      %dma_wait3A_82 = arith.constant 0 : i32
      %dma_wait3A_83 = tpu.memref_slice %arg2[%run_scoped3A, %add3A, %dma_wait3A_82] : memref<2x32x10000xi32, #tpu.memory_space<hbm>> -> memref<1x1x10000xi32, #tpu.memory_space<hbm>>
      %dma_wait3A_84 = tpu.memref_squeeze %dma_wait3A_83 : memref<1x1x10000xi32, #tpu.memory_space<hbm>> -> memref<10000xi32, #tpu.memory_space<hbm>>
      %dma_wait3A_85 = arith.constant 0 : i32
      %dma_wait3A_86 = tpu.memref_slice %arg2[%run_scoped3A, %add3A, %dma_wait3A_85] : memref<2x32x10000xi32, #tpu.memory_space<hbm>> -> memref<1x1x10000xi32, #tpu.memory_space<hbm>>
      %dma_wait3A_87 = tpu.memref_squeeze %dma_wait3A_86 : memref<1x1x10000xi32, #tpu.memory_space<hbm>> -> memref<10000xi32, #tpu.memory_space<hbm>>
      tpu.wait_dma2 semaphore(%run_scoped3A_75 : memref<!tpu.dma_semaphore, #tpu.memory_space<semaphore_mem>>) src(%dma_wait3A_87 : memref<10000xi32, #tpu.memory_space<hbm>>) dst(%arg6 : memref<10000xi32, #tpu.memory_space<vmem>>)
      tpu.yield
    }) : () -> ()
    %run_scoped3A_1 = arith.constant 1 : i32
    "tpu.region"() ({
      %run_scoped3A_75 = tpu.sem_alloc : memref<!tpu.dma_semaphore, #tpu.memory_space<semaphore_mem>>
      %dma_start3A_76 = arith.constant 0 : i32
      %dma_start3A_77 = tpu.memref_slice %arg2[%run_scoped3A_1, %add3A, %dma_start3A_76] : memref<2x32x10000xi32, #tpu.memory_space<hbm>> -> memref<1x1x10000xi32, #tpu.memory_space<hbm>>
      %dma_start3A_78 = tpu.memref_squeeze %dma_start3A_77 : memref<1x1x10000xi32, #tpu.memory_space<hbm>> -> memref<10000xi32, #tpu.memory_space<hbm>>
      %dma_start3A_79 = arith.constant 0 : i32
      %dma_start3A_80 = tpu.memref_slice %arg2[%run_scoped3A_1, %add3A, %dma_start3A_79] : memref<2x32x10000xi32, #tpu.memory_space<hbm>> -> memref<1x1x10000xi32, #tpu.memory_space<hbm>>
      %dma_start3A_81 = tpu.memref_squeeze %dma_start3A_80 : memref<1x1x10000xi32, #tpu.memory_space<hbm>> -> memref<10000xi32, #tpu.memory_space<hbm>>
      tpu.enqueue_dma source(%dma_start3A_81 : memref<10000xi32, #tpu.memory_space<hbm>>) target(%arg7 : memref<10000xi32, #tpu.memory_space<vmem>>) target_semaphore(%run_scoped3A_75 : memref<!tpu.dma_semaphore, #tpu.memory_space<semaphore_mem>>)
      %dma_wait3A_82 = arith.constant 0 : i32
      %dma_wait3A_83 = tpu.memref_slice %arg2[%run_scoped3A_1, %add3A, %dma_wait3A_82] : memref<2x32x10000xi32, #tpu.memory_space<hbm>> -> memref<1x1x10000xi32, #tpu.memory_space<hbm>>
      %dma_wait3A_84 = tpu.memref_squeeze %dma_wait3A_83 : memref<1x1x10000xi32, #tpu.memory_space<hbm>> -> memref<10000xi32, #tpu.memory_space<hbm>>
      %dma_wait3A_85 = arith.constant 0 : i32
      %dma_wait3A_86 = tpu.memref_slice %arg2[%run_scoped3A_1, %add3A, %dma_wait3A_85] : memref<2x32x10000xi32, #tpu.memory_space<hbm>> -> memref<1x1x10000xi32, #tpu.memory_space<hbm>>
      %dma_wait3A_87 = tpu.memref_squeeze %dma_wait3A_86 : memref<1x1x10000xi32, #tpu.memory_space<hbm>> -> memref<10000xi32, #tpu.memory_space<hbm>>
      tpu.wait_dma2 semaphore(%run_scoped3A_75 : memref<!tpu.dma_semaphore, #tpu.memory_space<semaphore_mem>>) src(%dma_wait3A_87 : memref<10000xi32, #tpu.memory_space<hbm>>) dst(%arg7 : memref<10000xi32, #tpu.memory_space<vmem>>)
      tpu.yield
    }) : () -> ()
    %scan3A = arith.constant 0 : i32
    %scan3A_2 = arith.constant 0 : i32
    %scan3A_3 = arith.constant 80 : i32
    %scan3A_4 = arith.addi %scan3A_2, %scan3A_3 : i32
    %scan3A_5 = arith.constant 4 : i32
    %scan3A_6 = scf.for %scan3A_75 = %scan3A_2 to %scan3A_4 step %scan3A_5 iter_args(%scan3A_76 = %scan3A) -> (i32)  : i32 {
      %broadcast_in_dim3A = arith.constant 0.000000e+00 : f32
      %broadcast_in_dim3A_77 = vector.broadcast %broadcast_in_dim3A : f32 to vector<16xf32>
      %swap3A = arith.index_cast %scan3A_75 : i32 to index
      %swap3A_78 = arith.constant 0 : index
      %swap3A_79 = tpu.vector_load %arg8[%swap3A, %swap3A_78] {strides = array<i32>} : memref<80x128xf32, #tpu.memory_space<vmem>>, vector<1x16xf32>,
      %swap3A_80 = vector.shape_cast %swap3A_79 : vector<1x16xf32> to vector<16xf32>
      %swap3A_81 = vector.shape_cast %broadcast_in_dim3A_77 : vector<16xf32> to vector<1x16xf32>
      tpu.vector_store %arg8[%swap3A, %swap3A_78], %swap3A_81 {strides = array<i32>} : memref<80x128xf32, #tpu.memory_space<vmem>>, vector<1x16xf32>,
      %broadcast_in_dim3A_82 = arith.constant 0.000000e+00 : f32
      %broadcast_in_dim3A_83 = vector.broadcast %broadcast_in_dim3A_82 : f32 to vector<16xf32>
      %swap3A_84 = arith.index_cast %scan3A_75 : i32 to index
      %swap3A_85 = arith.constant 16 : index
      %swap3A_86 = tpu.vector_load %arg8[%swap3A_84, %swap3A_85] {strides = array<i32>} : memref<80x128xf32, #tpu.memory_space<vmem>>, vector<1x16xf32>,
      %swap3A_87 = vector.shape_cast %swap3A_86 : vector<1x16xf32> to vector<16xf32>
      %swap3A_88 = vector.shape_cast %broadcast_in_dim3A_83 : vector<16xf32> to vector<1x16xf32>
      tpu.vector_store %arg8[%swap3A_84, %swap3A_85], %swap3A_88 {strides = array<i32>} : memref<80x128xf32, #tpu.memory_space<vmem>>, vector<1x16xf32>,
      %broadcast_in_dim3A_89 = arith.constant 0.000000e+00 : f32
      %broadcast_in_dim3A_90 = vector.broadcast %broadcast_in_dim3A_89 : f32 to vector<16xf32>
      %swap3A_91 = arith.index_cast %scan3A_75 : i32 to index
      %swap3A_92 = arith.constant 32 : index
      %swap3A_93 = tpu.vector_load %arg8[%swap3A_91, %swap3A_92] {strides = array<i32>} : memref<80x128xf32, #tpu.memory_space<vmem>>, vector<1x16xf32>,
      %swap3A_94 = vector.shape_cast %swap3A_93 : vector<1x16xf32> to vector<16xf32>
      %swap3A_95 = vector.shape_cast %broadcast_in_dim3A_90 : vector<16xf32> to vector<1x16xf32>
      tpu.vector_store %arg8[%swap3A_91, %swap3A_92], %swap3A_95 {strides = array<i32>} : memref<80x128xf32, #tpu.memory_space<vmem>>, vector<1x16xf32>,
      %broadcast_in_dim3A_96 = arith.constant 0.000000e+00 : f32
      %broadcast_in_dim3A_97 = vector.broadcast %broadcast_in_dim3A_96 : f32 to vector<16xf32>
      %swap3A_98 = arith.index_cast %scan3A_75 : i32 to index
      %swap3A_99 = arith.constant 48 : index
      %swap3A_100 = tpu.vector_load %arg8[%swap3A_98, %swap3A_99] {strides = array<i32>} : memref<80x128xf32, #tpu.memory_space<vmem>>, vector<1x16xf32>,
      %swap3A_101 = vector.shape_cast %swap3A_100 : vector<1x16xf32> to vector<16xf32>
      %swap3A_102 = vector.shape_cast %broadcast_in_dim3A_97 : vector<16xf32> to vector<1x16xf32>
      tpu.vector_store %arg8[%swap3A_98, %swap3A_99], %swap3A_102 {strides = array<i32>} : memref<80x128xf32, #tpu.memory_space<vmem>>, vector<1x16xf32>,
      %broadcast_in_dim3A_103 = arith.constant 0.000000e+00 : f32
      %broadcast_in_dim3A_104 = vector.broadcast %broadcast_in_dim3A_103 : f32 to vector<16xf32>
      %swap3A_105 = arith.index_cast %scan3A_75 : i32 to index
      %swap3A_106 = arith.constant 64 : index
      %swap3A_107 = tpu.vector_load %arg8[%swap3A_105, %swap3A_106] {strides = array<i32>} : memref<80x128xf32, #tpu.memory_space<vmem>>, vector<1x16xf32>,
      %swap3A_108 = vector.shape_cast %swap3A_107 : vector<1x16xf32> to vector<16xf32>
      %swap3A_109 = vector.shape_cast %broadcast_in_dim3A_104 : vector<16xf32> to vector<1x16xf32>
      tpu.vector_store %arg8[%swap3A_105, %swap3A_106], %swap3A_109 {strides = array<i32>} : memref<80x128xf32, #tpu.memory_space<vmem>>, vector<1x16xf32>,
      %broadcast_in_dim3A_110 = arith.constant 0.000000e+00 : f32
      %broadcast_in_dim3A_111 = vector.broadcast %broadcast_in_dim3A_110 : f32 to vector<16xf32>
      %swap3A_112 = arith.index_cast %scan3A_75 : i32 to index
      %swap3A_113 = arith.constant 80 : index
      %swap3A_114 = tpu.vector_load %arg8[%swap3A_112, %swap3A_113] {strides = array<i32>} : memref<80x128xf32, #tpu.memory_space<vmem>>, vector<1x16xf32>,
      %swap3A_115 = vector.shape_cast %swap3A_114 : vector<1x16xf32> to vector<16xf32>
      %swap3A_116 = vector.shape_cast %broadcast_in_dim3A_111 : vector<16xf32> to vector<1x16xf32>
      tpu.vector_store %arg8[%swap3A_112, %swap3A_113], %swap3A_116 {strides = array<i32>} : memref<80x128xf32, #tpu.memory_space<vmem>>, vector<1x16xf32>,
      %broadcast_in_dim3A_117 = arith.constant 0.000000e+00 : f32
      %broadcast_in_dim3A_118 = vector.broadcast %broadcast_in_dim3A_117 : f32 to vector<16xf32>
      %swap3A_119 = arith.index_cast %scan3A_75 : i32 to index
      %swap3A_120 = arith.constant 96 : index
      %swap3A_121 = tpu.vector_load %arg8[%swap3A_119, %swap3A_120] {strides = array<i32>} : memref<80x128xf32, #tpu.memory_space<vmem>>, vector<1x16xf32>,
      %swap3A_122 = vector.shape_cast %swap3A_121 : vector<1x16xf32> to vector<16xf32>
      %swap3A_123 = vector.shape_cast %broadcast_in_dim3A_118 : vector<16xf32> to vector<1x16xf32>
      tpu.vector_store %arg8[%swap3A_119, %swap3A_120], %swap3A_123 {strides = array<i32>} : memref<80x128xf32, #tpu.memory_space<vmem>>, vector<1x16xf32>,
      %broadcast_in_dim3A_124 = arith.constant 0.000000e+00 : f32
      %broadcast_in_dim3A_125 = vector.broadcast %broadcast_in_dim3A_124 : f32 to vector<16xf32>
      %swap3A_126 = arith.index_cast %scan3A_75 : i32 to index
      %swap3A_127 = arith.constant 112 : index
      %swap3A_128 = tpu.vector_load %arg8[%swap3A_126, %swap3A_127] {strides = array<i32>} : memref<80x128xf32, #tpu.memory_space<vmem>>, vector<1x16xf32>,
      %swap3A_129 = vector.shape_cast %swap3A_128 : vector<1x16xf32> to vector<16xf32>
      %swap3A_130 = vector.shape_cast %broadcast_in_dim3A_125 : vector<16xf32> to vector<1x16xf32>
      tpu.vector_store %arg8[%swap3A_126, %swap3A_127], %swap3A_130 {strides = array<i32>} : memref<80x128xf32, #tpu.memory_space<vmem>>, vector<1x16xf32>,
      %scan3A_131 = arith.constant 0 : i32
      %scan3A_132 = arith.constant 1 : i32
      %scan3A_133 = arith.addi %scan3A_75, %scan3A_132 : i32
      %broadcast_in_dim3A_134 = arith.constant 0.000000e+00 : f32
      %broadcast_in_dim3A_135 = vector.broadcast %broadcast_in_dim3A_134 : f32 to vector<16xf32>
      %swap3A_136 = arith.index_cast %scan3A_133 : i32 to index
      %swap3A_137 = arith.constant 0 : index
      %swap3A_138 = tpu.vector_load %arg8[%swap3A_136, %swap3A_137] {strides = array<i32>} : memref<80x128xf32, #tpu.memory_space<vmem>>, vector<1x16xf32>,
      %swap3A_139 = vector.shape_cast %swap3A_138 : vector<1x16xf32> to vector<16xf32>
      %swap3A_140 = vector.shape_cast %broadcast_in_dim3A_135 : vector<16xf32> to vector<1x16xf32>
      tpu.vector_store %arg8[%swap3A_136, %swap3A_137], %swap3A_140 {strides = array<i32>} : memref<80x128xf32, #tpu.memory_space<vmem>>, vector<1x16xf32>,
      %broadcast_in_dim3A_141 = arith.constant 0.000000e+00 : f32
      %broadcast_in_dim3A_142 = vector.broadcast %broadcast_in_dim3A_141 : f32 to vector<16xf32>
      %swap3A_143 = arith.index_cast %scan3A_133 : i32 to index
      %swap3A_144 = arith.constant 16 : index
      %swap3A_145 = tpu.vector_load %arg8[%swap3A_143, %swap3A_144] {strides = array<i32>} : memref<80x128xf32, #tpu.memory_space<vmem>>, vector<1x16xf32>,
      %swap3A_146 = vector.shape_cast %swap3A_145 : vector<1x16xf32> to vector<16xf32>
      %swap3A_147 = vector.shape_cast %broadcast_in_dim3A_142 : vector<16xf32> to vector<1x16xf32>
      tpu.vector_store %arg8[%swap3A_143, %swap3A_144], %swap3A_147 {strides = array<i32>} : memref<80x128xf32, #tpu.memory_space<vmem>>, vector<1x16xf32>,
      %broadcast_in_dim3A_148 = arith.constant 0.000000e+00 : f32
      %broadcast_in_dim3A_149 = vector.broadcast %broadcast_in_dim3A_148 : f32 to vector<16xf32>
      %swap3A_150 = arith.index_cast %scan3A_133 : i32 to index
      %swap3A_151 = arith.constant 32 : index
      %swap3A_152 = tpu.vector_load %arg8[%swap3A_150, %swap3A_151] {strides = array<i32>} : memref<80x128xf32, #tpu.memory_space<vmem>>, vector<1x16xf32>,
      %swap3A_153 = vector.shape_cast %swap3A_152 : vector<1x16xf32> to vector<16xf32>
      %swap3A_154 = vector.shape_cast %broadcast_in_dim3A_149 : vector<16xf32> to vector<1x16xf32>
      tpu.vector_store %arg8[%swap3A_150, %swap3A_151], %swap3A_154 {strides = array<i32>} : memref<80x128xf32, #tpu.memory_space<vmem>>, vector<1x16xf32>,
      %broadcast_in_dim3A_155 = arith.constant 0.000000e+00 : f32
      %broadcast_in_dim3A_156 = vector.broadcast %broadcast_in_dim3A_155 : f32 to vector<16xf32>
      %swap3A_157 = arith.index_cast %scan3A_133 : i32 to index
      %swap3A_158 = arith.constant 48 : index
      %swap3A_159 = tpu.vector_load %arg8[%swap3A_157, %swap3A_158] {strides = array<i32>} : memref<80x128xf32, #tpu.memory_space<vmem>>, vector<1x16xf32>,
      %swap3A_160 = vector.shape_cast %swap3A_159 : vector<1x16xf32> to vector<16xf32>
      %swap3A_161 = vector.shape_cast %broadcast_in_dim3A_156 : vector<16xf32> to vector<1x16xf32>
      tpu.vector_store %arg8[%swap3A_157, %swap3A_158], %swap3A_161 {strides = array<i32>} : memref<80x128xf32, #tpu.memory_space<vmem>>, vector<1x16xf32>,
      %broadcast_in_dim3A_162 = arith.constant 0.000000e+00 : f32
      %broadcast_in_dim3A_163 = vector.broadcast %broadcast_in_dim3A_162 : f32 to vector<16xf32>
      %swap3A_164 = arith.index_cast %scan3A_133 : i32 to index
      %swap3A_165 = arith.constant 64 : index
      %swap3A_166 = tpu.vector_load %arg8[%swap3A_164, %swap3A_165] {strides = array<i32>} : memref<80x128xf32, #tpu.memory_space<vmem>>, vector<1x16xf32>,
      %swap3A_167 = vector.shape_cast %swap3A_166 : vector<1x16xf32> to vector<16xf32>
      %swap3A_168 = vector.shape_cast %broadcast_in_dim3A_163 : vector<16xf32> to vector<1x16xf32>
      tpu.vector_store %arg8[%swap3A_164, %swap3A_165], %swap3A_168 {strides = array<i32>} : memref<80x128xf32, #tpu.memory_space<vmem>>, vector<1x16xf32>,
      %broadcast_in_dim3A_169 = arith.constant 0.000000e+00 : f32
      %broadcast_in_dim3A_170 = vector.broadcast %broadcast_in_dim3A_169 : f32 to vector<16xf32>
      %swap3A_171 = arith.index_cast %scan3A_133 : i32 to index
      %swap3A_172 = arith.constant 80 : index
      %swap3A_173 = tpu.vector_load %arg8[%swap3A_171, %swap3A_172] {strides = array<i32>} : memref<80x128xf32, #tpu.memory_space<vmem>>, vector<1x16xf32>,
      %swap3A_174 = vector.shape_cast %swap3A_173 : vector<1x16xf32> to vector<16xf32>
      %swap3A_175 = vector.shape_cast %broadcast_in_dim3A_170 : vector<16xf32> to vector<1x16xf32>
      tpu.vector_store %arg8[%swap3A_171, %swap3A_172], %swap3A_175 {strides = array<i32>} : memref<80x128xf32, #tpu.memory_space<vmem>>, vector<1x16xf32>,
      %broadcast_in_dim3A_176 = arith.constant 0.000000e+00 : f32
      %broadcast_in_dim3A_177 = vector.broadcast %broadcast_in_dim3A_176 : f32 to vector<16xf32>
      %swap3A_178 = arith.index_cast %scan3A_133 : i32 to index
      %swap3A_179 = arith.constant 96 : index
      %swap3A_180 = tpu.vector_load %arg8[%swap3A_178, %swap3A_179] {strides = array<i32>} : memref<80x128xf32, #tpu.memory_space<vmem>>, vector<1x16xf32>,
      %swap3A_181 = vector.shape_cast %swap3A_180 : vector<1x16xf32> to vector<16xf32>
      %swap3A_182 = vector.shape_cast %broadcast_in_dim3A_177 : vector<16xf32> to vector<1x16xf32>
      tpu.vector_store %arg8[%swap3A_178, %swap3A_179], %swap3A_182 {strides = array<i32>} : memref<80x128xf32, #tpu.memory_space<vmem>>, vector<1x16xf32>,
      %broadcast_in_dim3A_183 = arith.constant 0.000000e+00 : f32
      %broadcast_in_dim3A_184 = vector.broadcast %broadcast_in_dim3A_183 : f32 to vector<16xf32>
      %swap3A_185 = arith.index_cast %scan3A_133 : i32 to index
      %swap3A_186 = arith.constant 112 : index
      %swap3A_187 = tpu.vector_load %arg8[%swap3A_185, %swap3A_186] {strides = array<i32>} : memref<80x128xf32, #tpu.memory_space<vmem>>, vector<1x16xf32>,
      %swap3A_188 = vector.shape_cast %swap3A_187 : vector<1x16xf32> to vector<16xf32>
      %swap3A_189 = vector.shape_cast %broadcast_in_dim3A_184 : vector<16xf32> to vector<1x16xf32>
      tpu.vector_store %arg8[%swap3A_185, %swap3A_186], %swap3A_189 {strides = array<i32>} : memref<80x128xf32, #tpu.memory_space<vmem>>, vector<1x16xf32>,
      %scan3A_190 = arith.constant 0 : i32
      %scan3A_191 = arith.constant 2 : i32
      %scan3A_192 = arith.addi %scan3A_75, %scan3A_191 : i32
      %broadcast_in_dim3A_193 = arith.constant 0.000000e+00 : f32
      %broadcast_in_dim3A_194 = vector.broadcast %broadcast_in_dim3A_193 : f32 to vector<16xf32>
      %swap3A_195 = arith.index_cast %scan3A_192 : i32 to index
      %swap3A_196 = arith.constant 0 : index
      %swap3A_197 = tpu.vector_load %arg8[%swap3A_195, %swap3A_196] {strides = array<i32>} : memref<80x128xf32, #tpu.memory_space<vmem>>, vector<1x16xf32>,
      %swap3A_198 = vector.shape_cast %swap3A_197 : vector<1x16xf32> to vector<16xf32>
      %swap3A_199 = vector.shape_cast %broadcast_in_dim3A_194 : vector<16xf32> to vector<1x16xf32>
      tpu.vector_store %arg8[%swap3A_195, %swap3A_196], %swap3A_199 {strides = array<i32>} : memref<80x128xf32, #tpu.memory_space<vmem>>, vector<1x16xf32>,
      %broadcast_in_dim3A_200 = arith.constant 0.000000e+00 : f32
      %broadcast_in_dim3A_201 = vector.broadcast %broadcast_in_dim3A_200 : f32 to vector<16xf32>
      %swap3A_202 = arith.index_cast %scan3A_192 : i32 to index
      %swap3A_203 = arith.constant 16 : index
      %swap3A_204 = tpu.vector_load %arg8[%swap3A_202, %swap3A_203] {strides = array<i32>} : memref<80x128xf32, #tpu.memory_space<vmem>>, vector<1x16xf32>,
      %swap3A_205 = vector.shape_cast %swap3A_204 : vector<1x16xf32> to vector<16xf32>
      %swap3A_206 = vector.shape_cast %broadcast_in_dim3A_201 : vector<16xf32> to vector<1x16xf32>
      tpu.vector_store %arg8[%swap3A_202, %swap3A_203], %swap3A_206 {strides = array<i32>} : memref<80x128xf32, #tpu.memory_space<vmem>>, vector<1x16xf32>,
      %broadcast_in_dim3A_207 = arith.constant 0.000000e+00 : f32
      %broadcast_in_dim3A_208 = vector.broadcast %broadcast_in_dim3A_207 : f32 to vector<16xf32>
      %swap3A_209 = arith.index_cast %scan3A_192 : i32 to index
      %swap3A_210 = arith.constant 32 : index
      %swap3A_211 = tpu.vector_load %arg8[%swap3A_209, %swap3A_210] {strides = array<i32>} : memref<80x128xf32, #tpu.memory_space<vmem>>, vector<1x16xf32>,
      %swap3A_212 = vector.shape_cast %swap3A_211 : vector<1x16xf32> to vector<16xf32>
      %swap3A_213 = vector.shape_cast %broadcast_in_dim3A_208 : vector<16xf32> to vector<1x16xf32>
      tpu.vector_store %arg8[%swap3A_209, %swap3A_210], %swap3A_213 {strides = array<i32>} : memref<80x128xf32, #tpu.memory_space<vmem>>, vector<1x16xf32>,
      %broadcast_in_dim3A_214 = arith.constant 0.000000e+00 : f32
      %broadcast_in_dim3A_215 = vector.broadcast %broadcast_in_dim3A_214 : f32 to vector<16xf32>
      %swap3A_216 = arith.index_cast %scan3A_192 : i32 to index
      %swap3A_217 = arith.constant 48 : index
      %swap3A_218 = tpu.vector_load %arg8[%swap3A_216, %swap3A_217] {strides = array<i32>} : memref<80x128xf32, #tpu.memory_space<vmem>>, vector<1x16xf32>,
      %swap3A_219 = vector.shape_cast %swap3A_218 : vector<1x16xf32> to vector<16xf32>
      %swap3A_220 = vector.shape_cast %broadcast_in_dim3A_215 : vector<16xf32> to vector<1x16xf32>
      tpu.vector_store %arg8[%swap3A_216, %swap3A_217], %swap3A_220 {strides = array<i32>} : memref<80x128xf32, #tpu.memory_space<vmem>>, vector<1x16xf32>,
      %broadcast_in_dim3A_221 = arith.constant 0.000000e+00 : f32
      %broadcast_in_dim3A_222 = vector.broadcast %broadcast_in_dim3A_221 : f32 to vector<16xf32>
      %swap3A_223 = arith.index_cast %scan3A_192 : i32 to index
      %swap3A_224 = arith.constant 64 : index
      %swap3A_225 = tpu.vector_load %arg8[%swap3A_223, %swap3A_224] {strides = array<i32>} : memref<80x128xf32, #tpu.memory_space<vmem>>, vector<1x16xf32>,
      %swap3A_226 = vector.shape_cast %swap3A_225 : vector<1x16xf32> to vector<16xf32>
      %swap3A_227 = vector.shape_cast %broadcast_in_dim3A_222 : vector<16xf32> to vector<1x16xf32>
      tpu.vector_store %arg8[%swap3A_223, %swap3A_224], %swap3A_227 {strides = array<i32>} : memref<80x128xf32, #tpu.memory_space<vmem>>, vector<1x16xf32>,
      %broadcast_in_dim3A_228 = arith.constant 0.000000e+00 : f32
      %broadcast_in_dim3A_229 = vector.broadcast %broadcast_in_dim3A_228 : f32 to vector<16xf32>
      %swap3A_230 = arith.index_cast %scan3A_192 : i32 to index
      %swap3A_231 = arith.constant 80 : index
      %swap3A_232 = tpu.vector_load %arg8[%swap3A_230, %swap3A_231] {strides = array<i32>} : memref<80x128xf32, #tpu.memory_space<vmem>>, vector<1x16xf32>,
      %swap3A_233 = vector.shape_cast %swap3A_232 : vector<1x16xf32> to vector<16xf32>
      %swap3A_234 = vector.shape_cast %broadcast_in_dim3A_229 : vector<16xf32> to vector<1x16xf32>
      tpu.vector_store %arg8[%swap3A_230, %swap3A_231], %swap3A_234 {strides = array<i32>} : memref<80x128xf32, #tpu.memory_space<vmem>>, vector<1x16xf32>,
      %broadcast_in_dim3A_235 = arith.constant 0.000000e+00 : f32
      %broadcast_in_dim3A_236 = vector.broadcast %broadcast_in_dim3A_235 : f32 to vector<16xf32>
      %swap3A_237 = arith.index_cast %scan3A_192 : i32 to index
      %swap3A_238 = arith.constant 96 : index
      %swap3A_239 = tpu.vector_load %arg8[%swap3A_237, %swap3A_238] {strides = array<i32>} : memref<80x128xf32, #tpu.memory_space<vmem>>, vector<1x16xf32>,
      %swap3A_240 = vector.shape_cast %swap3A_239 : vector<1x16xf32> to vector<16xf32>
      %swap3A_241 = vector.shape_cast %broadcast_in_dim3A_236 : vector<16xf32> to vector<1x16xf32>
      tpu.vector_store %arg8[%swap3A_237, %swap3A_238], %swap3A_241 {strides = array<i32>} : memref<80x128xf32, #tpu.memory_space<vmem>>, vector<1x16xf32>,
      %broadcast_in_dim3A_242 = arith.constant 0.000000e+00 : f32
      %broadcast_in_dim3A_243 = vector.broadcast %broadcast_in_dim3A_242 : f32 to vector<16xf32>
      %swap3A_244 = arith.index_cast %scan3A_192 : i32 to index
      %swap3A_245 = arith.constant 112 : index
      %swap3A_246 = tpu.vector_load %arg8[%swap3A_244, %swap3A_245] {strides = array<i32>} : memref<80x128xf32, #tpu.memory_space<vmem>>, vector<1x16xf32>,
      %swap3A_247 = vector.shape_cast %swap3A_246 : vector<1x16xf32> to vector<16xf32>
      %swap3A_248 = vector.shape_cast %broadcast_in_dim3A_243 : vector<16xf32> to vector<1x16xf32>
      tpu.vector_store %arg8[%swap3A_244, %swap3A_245], %swap3A_248 {strides = array<i32>} : memref<80x128xf32, #tpu.memory_space<vmem>>, vector<1x16xf32>,
      %scan3A_249 = arith.constant 0 : i32
      %scan3A_250 = arith.constant 3 : i32
      %scan3A_251 = arith.addi %scan3A_75, %scan3A_250 : i32
      %broadcast_in_dim3A_252 = arith.constant 0.000000e+00 : f32
      %broadcast_in_dim3A_253 = vector.broadcast %broadcast_in_dim3A_252 : f32 to vector<16xf32>
      %swap3A_254 = arith.index_cast %scan3A_251 : i32 to index
      %swap3A_255 = arith.constant 0 : index
      %swap3A_256 = tpu.vector_load %arg8[%swap3A_254, %swap3A_255] {strides = array<i32>} : memref<80x128xf32, #tpu.memory_space<vmem>>, vector<1x16xf32>,
      %swap3A_257 = vector.shape_cast %swap3A_256 : vector<1x16xf32> to vector<16xf32>
      %swap3A_258 = vector.shape_cast %broadcast_in_dim3A_253 : vector<16xf32> to vector<1x16xf32>
      tpu.vector_store %arg8[%swap3A_254, %swap3A_255], %swap3A_258 {strides = array<i32>} : memref<80x128xf32, #tpu.memory_space<vmem>>, vector<1x16xf32>,
      %broadcast_in_dim3A_259 = arith.constant 0.000000e+00 : f32
      %broadcast_in_dim3A_260 = vector.broadcast %broadcast_in_dim3A_259 : f32 to vector<16xf32>
      %swap3A_261 = arith.index_cast %scan3A_251 : i32 to index
      %swap3A_262 = arith.constant 16 : index
      %swap3A_263 = tpu.vector_load %arg8[%swap3A_261, %swap3A_262] {strides = array<i32>} : memref<80x128xf32, #tpu.memory_space<vmem>>, vector<1x16xf32>,
      %swap3A_264 = vector.shape_cast %swap3A_263 : vector<1x16xf32> to vector<16xf32>
      %swap3A_265 = vector.shape_cast %broadcast_in_dim3A_260 : vector<16xf32> to vector<1x16xf32>
      tpu.vector_store %arg8[%swap3A_261, %swap3A_262], %swap3A_265 {strides = array<i32>} : memref<80x128xf32, #tpu.memory_space<vmem>>, vector<1x16xf32>,
      %broadcast_in_dim3A_266 = arith.constant 0.000000e+00 : f32
      %broadcast_in_dim3A_267 = vector.broadcast %broadcast_in_dim3A_266 : f32 to vector<16xf32>
      %swap3A_268 = arith.index_cast %scan3A_251 : i32 to index
      %swap3A_269 = arith.constant 32 : index
      %swap3A_270 = tpu.vector_load %arg8[%swap3A_268, %swap3A_269] {strides = array<i32>} : memref<80x128xf32, #tpu.memory_space<vmem>>, vector<1x16xf32>,
      %swap3A_271 = vector.shape_cast %swap3A_270 : vector<1x16xf32> to vector<16xf32>
      %swap3A_272 = vector.shape_cast %broadcast_in_dim3A_267 : vector<16xf32> to vector<1x16xf32>
      tpu.vector_store %arg8[%swap3A_268, %swap3A_269], %swap3A_272 {strides = array<i32>} : memref<80x128xf32, #tpu.memory_space<vmem>>, vector<1x16xf32>,
      %broadcast_in_dim3A_273 = arith.constant 0.000000e+00 : f32
      %broadcast_in_dim3A_274 = vector.broadcast %broadcast_in_dim3A_273 : f32 to vector<16xf32>
      %swap3A_275 = arith.index_cast %scan3A_251 : i32 to index
      %swap3A_276 = arith.constant 48 : index
      %swap3A_277 = tpu.vector_load %arg8[%swap3A_275, %swap3A_276] {strides = array<i32>} : memref<80x128xf32, #tpu.memory_space<vmem>>, vector<1x16xf32>,
      %swap3A_278 = vector.shape_cast %swap3A_277 : vector<1x16xf32> to vector<16xf32>
      %swap3A_279 = vector.shape_cast %broadcast_in_dim3A_274 : vector<16xf32> to vector<1x16xf32>
      tpu.vector_store %arg8[%swap3A_275, %swap3A_276], %swap3A_279 {strides = array<i32>} : memref<80x128xf32, #tpu.memory_space<vmem>>, vector<1x16xf32>,
      %broadcast_in_dim3A_280 = arith.constant 0.000000e+00 : f32
      %broadcast_in_dim3A_281 = vector.broadcast %broadcast_in_dim3A_280 : f32 to vector<16xf32>
      %swap3A_282 = arith.index_cast %scan3A_251 : i32 to index
      %swap3A_283 = arith.constant 64 : index
      %swap3A_284 = tpu.vector_load %arg8[%swap3A_282, %swap3A_283] {strides = array<i32>} : memref<80x128xf32, #tpu.memory_space<vmem>>, vector<1x16xf32>,
      %swap3A_285 = vector.shape_cast %swap3A_284 : vector<1x16xf32> to vector<16xf32>
      %swap3A_286 = vector.shape_cast %broadcast_in_dim3A_281 : vector<16xf32> to vector<1x16xf32>
      tpu.vector_store %arg8[%swap3A_282, %swap3A_283], %swap3A_286 {strides = array<i32>} : memref<80x128xf32, #tpu.memory_space<vmem>>, vector<1x16xf32>,
      %broadcast_in_dim3A_287 = arith.constant 0.000000e+00 : f32
      %broadcast_in_dim3A_288 = vector.broadcast %broadcast_in_dim3A_287 : f32 to vector<16xf32>
      %swap3A_289 = arith.index_cast %scan3A_251 : i32 to index
      %swap3A_290 = arith.constant 80 : index
      %swap3A_291 = tpu.vector_load %arg8[%swap3A_289, %swap3A_290] {strides = array<i32>} : memref<80x128xf32, #tpu.memory_space<vmem>>, vector<1x16xf32>,
      %swap3A_292 = vector.shape_cast %swap3A_291 : vector<1x16xf32> to vector<16xf32>
      %swap3A_293 = vector.shape_cast %broadcast_in_dim3A_288 : vector<16xf32> to vector<1x16xf32>
      tpu.vector_store %arg8[%swap3A_289, %swap3A_290], %swap3A_293 {strides = array<i32>} : memref<80x128xf32, #tpu.memory_space<vmem>>, vector<1x16xf32>,
      %broadcast_in_dim3A_294 = arith.constant 0.000000e+00 : f32
      %broadcast_in_dim3A_295 = vector.broadcast %broadcast_in_dim3A_294 : f32 to vector<16xf32>
      %swap3A_296 = arith.index_cast %scan3A_251 : i32 to index
      %swap3A_297 = arith.constant 96 : index
      %swap3A_298 = tpu.vector_load %arg8[%swap3A_296, %swap3A_297] {strides = array<i32>} : memref<80x128xf32, #tpu.memory_space<vmem>>, vector<1x16xf32>,
      %swap3A_299 = vector.shape_cast %swap3A_298 : vector<1x16xf32> to vector<16xf32>
      %swap3A_300 = vector.shape_cast %broadcast_in_dim3A_295 : vector<16xf32> to vector<1x16xf32>
      tpu.vector_store %arg8[%swap3A_296, %swap3A_297], %swap3A_300 {strides = array<i32>} : memref<80x128xf32, #tpu.memory_space<vmem>>, vector<1x16xf32>,
      %broadcast_in_dim3A_301 = arith.constant 0.000000e+00 : f32
      %broadcast_in_dim3A_302 = vector.broadcast %broadcast_in_dim3A_301 : f32 to vector<16xf32>
      %swap3A_303 = arith.index_cast %scan3A_251 : i32 to index
      %swap3A_304 = arith.constant 112 : index
      %swap3A_305 = tpu.vector_load %arg8[%swap3A_303, %swap3A_304] {strides = array<i32>} : memref<80x128xf32, #tpu.memory_space<vmem>>, vector<1x16xf32>,
      %swap3A_306 = vector.shape_cast %swap3A_305 : vector<1x16xf32> to vector<16xf32>
      %swap3A_307 = vector.shape_cast %broadcast_in_dim3A_302 : vector<16xf32> to vector<1x16xf32>
      tpu.vector_store %arg8[%swap3A_303, %swap3A_304], %swap3A_307 {strides = array<i32>} : memref<80x128xf32, #tpu.memory_space<vmem>>, vector<1x16xf32>,
      %scan3A_308 = arith.constant 0 : i32
      scf.yield %scan3A_308 : i32
    }
    %scan3A_7 = arith.constant 80 : i32
    %mul3A_8 = arith.constant 640 : i32
    %mul3A_9 = arith.muli %arg1, %mul3A_8 : i32
    %add3A_10 = arith.constant 0 : i32
    %add3A_11 = arith.addi %mul3A_9, %add3A_10 : i32
    "tpu.region"() ({
      %run_scoped3A_75 = tpu.sem_alloc : memref<!tpu.dma_semaphore, #tpu.memory_space<semaphore_mem>>
      %dma_start3A_76 = arith.constant 0 : i32
      %dma_start3A_77 = tpu.memref_slice %arg5[%add3A_11, %dma_start3A_76] : memref<10240x128xf32, #tpu.memory_space<vmem_shared>> -> memref<80x128xf32, #tpu.memory_space<vmem_shared>>
      %dma_start3A_78 = arith.constant 0 : i32
      %dma_start3A_79 = tpu.memref_slice %arg5[%add3A_11, %dma_start3A_78] : memref<10240x128xf32, #tpu.memory_space<vmem_shared>> -> memref<80x128xf32, #tpu.memory_space<vmem_shared>>
      tpu.enqueue_dma source(%arg8 : memref<80x128xf32, #tpu.memory_space<vmem>>) target(%dma_start3A_79 : memref<80x128xf32, #tpu.memory_space<vmem_shared>>) target_semaphore(%run_scoped3A_75 : memref<!tpu.dma_semaphore, #tpu.memory_space<semaphore_mem>>)
      %dma_wait3A_80 = arith.constant 0 : i32
      %dma_wait3A_81 = tpu.memref_slice %arg5[%add3A_11, %dma_wait3A_80] : memref<10240x128xf32, #tpu.memory_space<vmem_shared>> -> memref<80x128xf32, #tpu.memory_space<vmem_shared>>
      %dma_wait3A_82 = arith.constant 0 : i32
      %dma_wait3A_83 = tpu.memref_slice %arg5[%add3A_11, %dma_wait3A_82] : memref<10240x128xf32, #tpu.memory_space<vmem_shared>> -> memref<80x128xf32, #tpu.memory_space<vmem_shared>>
      tpu.wait_dma2 semaphore(%run_scoped3A_75 : memref<!tpu.dma_semaphore, #tpu.memory_space<semaphore_mem>>) src(%arg8 : memref<80x128xf32, #tpu.memory_space<vmem>>) dst(%dma_wait3A_83 : memref<80x128xf32, #tpu.memory_space<vmem_shared>>)
      tpu.yield
    }) : () -> ()
    %mul3A_12 = arith.constant 640 : i32
    %mul3A_13 = arith.muli %arg1, %mul3A_12 : i32
    %add3A_14 = arith.constant 80 : i32
    %add3A_15 = arith.addi %mul3A_13, %add3A_14 : i32
    "tpu.region"() ({
      %run_scoped3A_75 = tpu.sem_alloc : memref<!tpu.dma_semaphore, #tpu.memory_space<semaphore_mem>>
      %dma_start3A_76 = arith.constant 0 : i32
      %dma_start3A_77 = tpu.memref_slice %arg5[%add3A_15, %dma_start3A_76] : memref<10240x128xf32, #tpu.memory_space<vmem_shared>> -> memref<80x128xf32, #tpu.memory_space<vmem_shared>>
      %dma_start3A_78 = arith.constant 0 : i32
      %dma_start3A_79 = tpu.memref_slice %arg5[%add3A_15, %dma_start3A_78] : memref<10240x128xf32, #tpu.memory_space<vmem_shared>> -> memref<80x128xf32, #tpu.memory_space<vmem_shared>>
      tpu.enqueue_dma source(%arg8 : memref<80x128xf32, #tpu.memory_space<vmem>>) target(%dma_start3A_79 : memref<80x128xf32, #tpu.memory_space<vmem_shared>>) target_semaphore(%run_scoped3A_75 : memref<!tpu.dma_semaphore, #tpu.memory_space<semaphore_mem>>)
      %dma_wait3A_80 = arith.constant 0 : i32
      %dma_wait3A_81 = tpu.memref_slice %arg5[%add3A_15, %dma_wait3A_80] : memref<10240x128xf32, #tpu.memory_space<vmem_shared>> -> memref<80x128xf32, #tpu.memory_space<vmem_shared>>
      %dma_wait3A_82 = arith.constant 0 : i32
      %dma_wait3A_83 = tpu.memref_slice %arg5[%add3A_15, %dma_wait3A_82] : memref<10240x128xf32, #tpu.memory_space<vmem_shared>> -> memref<80x128xf32, #tpu.memory_space<vmem_shared>>
      tpu.wait_dma2 semaphore(%run_scoped3A_75 : memref<!tpu.dma_semaphore, #tpu.memory_space<semaphore_mem>>) src(%arg8 : memref<80x128xf32, #tpu.memory_space<vmem>>) dst(%dma_wait3A_83 : memref<80x128xf32, #tpu.memory_space<vmem_shared>>)
      tpu.yield
    }) : () -> ()
    %mul3A_16 = arith.constant 640 : i32
    %mul3A_17 = arith.muli %arg1, %mul3A_16 : i32
    %add3A_18 = arith.constant 160 : i32
    %add3A_19 = arith.addi %mul3A_17, %add3A_18 : i32
    "tpu.region"() ({
      %run_scoped3A_75 = tpu.sem_alloc : memref<!tpu.dma_semaphore, #tpu.memory_space<semaphore_mem>>
      %dma_start3A_76 = arith.constant 0 : i32
      %dma_start3A_77 = tpu.memref_slice %arg5[%add3A_19, %dma_start3A_76] : memref<10240x128xf32, #tpu.memory_space<vmem_shared>> -> memref<80x128xf32, #tpu.memory_space<vmem_shared>>
      %dma_start3A_78 = arith.constant 0 : i32
      %dma_start3A_79 = tpu.memref_slice %arg5[%add3A_19, %dma_start3A_78] : memref<10240x128xf32, #tpu.memory_space<vmem_shared>> -> memref<80x128xf32, #tpu.memory_space<vmem_shared>>
      tpu.enqueue_dma source(%arg8 : memref<80x128xf32, #tpu.memory_space<vmem>>) target(%dma_start3A_79 : memref<80x128xf32, #tpu.memory_space<vmem_shared>>) target_semaphore(%run_scoped3A_75 : memref<!tpu.dma_semaphore, #tpu.memory_space<semaphore_mem>>)
      %dma_wait3A_80 = arith.constant 0 : i32
      %dma_wait3A_81 = tpu.memref_slice %arg5[%add3A_19, %dma_wait3A_80] : memref<10240x128xf32, #tpu.memory_space<vmem_shared>> -> memref<80x128xf32, #tpu.memory_space<vmem_shared>>
      %dma_wait3A_82 = arith.constant 0 : i32
      %dma_wait3A_83 = tpu.memref_slice %arg5[%add3A_19, %dma_wait3A_82] : memref<10240x128xf32, #tpu.memory_space<vmem_shared>> -> memref<80x128xf32, #tpu.memory_space<vmem_shared>>
      tpu.wait_dma2 semaphore(%run_scoped3A_75 : memref<!tpu.dma_semaphore, #tpu.memory_space<semaphore_mem>>) src(%arg8 : memref<80x128xf32, #tpu.memory_space<vmem>>) dst(%dma_wait3A_83 : memref<80x128xf32, #tpu.memory_space<vmem_shared>>)
      tpu.yield
    }) : () -> ()
    %mul3A_20 = arith.constant 640 : i32
    %mul3A_21 = arith.muli %arg1, %mul3A_20 : i32
    %add3A_22 = arith.constant 240 : i32
    %add3A_23 = arith.addi %mul3A_21, %add3A_22 : i32
    "tpu.region"() ({
      %run_scoped3A_75 = tpu.sem_alloc : memref<!tpu.dma_semaphore, #tpu.memory_space<semaphore_mem>>
      %dma_start3A_76 = arith.constant 0 : i32
      %dma_start3A_77 = tpu.memref_slice %arg5[%add3A_23, %dma_start3A_76] : memref<10240x128xf32, #tpu.memory_space<vmem_shared>> -> memref<80x128xf32, #tpu.memory_space<vmem_shared>>
      %dma_start3A_78 = arith.constant 0 : i32
      %dma_start3A_79 = tpu.memref_slice %arg5[%add3A_23, %dma_start3A_78] : memref<10240x128xf32, #tpu.memory_space<vmem_shared>> -> memref<80x128xf32, #tpu.memory_space<vmem_shared>>
      tpu.enqueue_dma source(%arg8 : memref<80x128xf32, #tpu.memory_space<vmem>>) target(%dma_start3A_79 : memref<80x128xf32, #tpu.memory_space<vmem_shared>>) target_semaphore(%run_scoped3A_75 : memref<!tpu.dma_semaphore, #tpu.memory_space<semaphore_mem>>)
      %dma_wait3A_80 = arith.constant 0 : i32
      %dma_wait3A_81 = tpu.memref_slice %arg5[%add3A_23, %dma_wait3A_80] : memref<10240x128xf32, #tpu.memory_space<vmem_shared>> -> memref<80x128xf32, #tpu.memory_space<vmem_shared>>
      %dma_wait3A_82 = arith.constant 0 : i32
      %dma_wait3A_83 = tpu.memref_slice %arg5[%add3A_23, %dma_wait3A_82] : memref<10240x128xf32, #tpu.memory_space<vmem_shared>> -> memref<80x128xf32, #tpu.memory_space<vmem_shared>>
      tpu.wait_dma2 semaphore(%run_scoped3A_75 : memref<!tpu.dma_semaphore, #tpu.memory_space<semaphore_mem>>) src(%arg8 : memref<80x128xf32, #tpu.memory_space<vmem>>) dst(%dma_wait3A_83 : memref<80x128xf32, #tpu.memory_space<vmem_shared>>)
      tpu.yield
    }) : () -> ()
    %mul3A_24 = arith.constant 640 : i32
    %mul3A_25 = arith.muli %arg1, %mul3A_24 : i32
    %add3A_26 = arith.constant 320 : i32
    %add3A_27 = arith.addi %mul3A_25, %add3A_26 : i32
    "tpu.region"() ({
      %run_scoped3A_75 = tpu.sem_alloc : memref<!tpu.dma_semaphore, #tpu.memory_space<semaphore_mem>>
      %dma_start3A_76 = arith.constant 0 : i32
      %dma_start3A_77 = tpu.memref_slice %arg5[%add3A_27, %dma_start3A_76] : memref<10240x128xf32, #tpu.memory_space<vmem_shared>> -> memref<80x128xf32, #tpu.memory_space<vmem_shared>>
      %dma_start3A_78 = arith.constant 0 : i32
      %dma_start3A_79 = tpu.memref_slice %arg5[%add3A_27, %dma_start3A_78] : memref<10240x128xf32, #tpu.memory_space<vmem_shared>> -> memref<80x128xf32, #tpu.memory_space<vmem_shared>>
      tpu.enqueue_dma source(%arg8 : memref<80x128xf32, #tpu.memory_space<vmem>>) target(%dma_start3A_79 : memref<80x128xf32, #tpu.memory_space<vmem_shared>>) target_semaphore(%run_scoped3A_75 : memref<!tpu.dma_semaphore, #tpu.memory_space<semaphore_mem>>)
      %dma_wait3A_80 = arith.constant 0 : i32
      %dma_wait3A_81 = tpu.memref_slice %arg5[%add3A_27, %dma_wait3A_80] : memref<10240x128xf32, #tpu.memory_space<vmem_shared>> -> memref<80x128xf32, #tpu.memory_space<vmem_shared>>
      %dma_wait3A_82 = arith.constant 0 : i32
      %dma_wait3A_83 = tpu.memref_slice %arg5[%add3A_27, %dma_wait3A_82] : memref<10240x128xf32, #tpu.memory_space<vmem_shared>> -> memref<80x128xf32, #tpu.memory_space<vmem_shared>>
      tpu.wait_dma2 semaphore(%run_scoped3A_75 : memref<!tpu.dma_semaphore, #tpu.memory_space<semaphore_mem>>) src(%arg8 : memref<80x128xf32, #tpu.memory_space<vmem>>) dst(%dma_wait3A_83 : memref<80x128xf32, #tpu.memory_space<vmem_shared>>)
      tpu.yield
    }) : () -> ()
    %mul3A_28 = arith.constant 640 : i32
    %mul3A_29 = arith.muli %arg1, %mul3A_28 : i32
    %add3A_30 = arith.constant 400 : i32
    %add3A_31 = arith.addi %mul3A_29, %add3A_30 : i32
    "tpu.region"() ({
      %run_scoped3A_75 = tpu.sem_alloc : memref<!tpu.dma_semaphore, #tpu.memory_space<semaphore_mem>>
      %dma_start3A_76 = arith.constant 0 : i32
      %dma_start3A_77 = tpu.memref_slice %arg5[%add3A_31, %dma_start3A_76] : memref<10240x128xf32, #tpu.memory_space<vmem_shared>> -> memref<80x128xf32, #tpu.memory_space<vmem_shared>>
      %dma_start3A_78 = arith.constant 0 : i32
      %dma_start3A_79 = tpu.memref_slice %arg5[%add3A_31, %dma_start3A_78] : memref<10240x128xf32, #tpu.memory_space<vmem_shared>> -> memref<80x128xf32, #tpu.memory_space<vmem_shared>>
      tpu.enqueue_dma source(%arg8 : memref<80x128xf32, #tpu.memory_space<vmem>>) target(%dma_start3A_79 : memref<80x128xf32, #tpu.memory_space<vmem_shared>>) target_semaphore(%run_scoped3A_75 : memref<!tpu.dma_semaphore, #tpu.memory_space<semaphore_mem>>)
      %dma_wait3A_80 = arith.constant 0 : i32
      %dma_wait3A_81 = tpu.memref_slice %arg5[%add3A_31, %dma_wait3A_80] : memref<10240x128xf32, #tpu.memory_space<vmem_shared>> -> memref<80x128xf32, #tpu.memory_space<vmem_shared>>
      %dma_wait3A_82 = arith.constant 0 : i32
      %dma_wait3A_83 = tpu.memref_slice %arg5[%add3A_31, %dma_wait3A_82] : memref<10240x128xf32, #tpu.memory_space<vmem_shared>> -> memref<80x128xf32, #tpu.memory_space<vmem_shared>>
      tpu.wait_dma2 semaphore(%run_scoped3A_75 : memref<!tpu.dma_semaphore, #tpu.memory_space<semaphore_mem>>) src(%arg8 : memref<80x128xf32, #tpu.memory_space<vmem>>) dst(%dma_wait3A_83 : memref<80x128xf32, #tpu.memory_space<vmem_shared>>)
      tpu.yield
    }) : () -> ()
    %mul3A_32 = arith.constant 640 : i32
    %mul3A_33 = arith.muli %arg1, %mul3A_32 : i32
    %add3A_34 = arith.constant 480 : i32
    %add3A_35 = arith.addi %mul3A_33, %add3A_34 : i32
    "tpu.region"() ({
      %run_scoped3A_75 = tpu.sem_alloc : memref<!tpu.dma_semaphore, #tpu.memory_space<semaphore_mem>>
      %dma_start3A_76 = arith.constant 0 : i32
      %dma_start3A_77 = tpu.memref_slice %arg5[%add3A_35, %dma_start3A_76] : memref<10240x128xf32, #tpu.memory_space<vmem_shared>> -> memref<80x128xf32, #tpu.memory_space<vmem_shared>>
      %dma_start3A_78 = arith.constant 0 : i32
      %dma_start3A_79 = tpu.memref_slice %arg5[%add3A_35, %dma_start3A_78] : memref<10240x128xf32, #tpu.memory_space<vmem_shared>> -> memref<80x128xf32, #tpu.memory_space<vmem_shared>>
      tpu.enqueue_dma source(%arg8 : memref<80x128xf32, #tpu.memory_space<vmem>>) target(%dma_start3A_79 : memref<80x128xf32, #tpu.memory_space<vmem_shared>>) target_semaphore(%run_scoped3A_75 : memref<!tpu.dma_semaphore, #tpu.memory_space<semaphore_mem>>)
      %dma_wait3A_80 = arith.constant 0 : i32
      %dma_wait3A_81 = tpu.memref_slice %arg5[%add3A_35, %dma_wait3A_80] : memref<10240x128xf32, #tpu.memory_space<vmem_shared>> -> memref<80x128xf32, #tpu.memory_space<vmem_shared>>
      %dma_wait3A_82 = arith.constant 0 : i32
      %dma_wait3A_83 = tpu.memref_slice %arg5[%add3A_35, %dma_wait3A_82] : memref<10240x128xf32, #tpu.memory_space<vmem_shared>> -> memref<80x128xf32, #tpu.memory_space<vmem_shared>>
      tpu.wait_dma2 semaphore(%run_scoped3A_75 : memref<!tpu.dma_semaphore, #tpu.memory_space<semaphore_mem>>) src(%arg8 : memref<80x128xf32, #tpu.memory_space<vmem>>) dst(%dma_wait3A_83 : memref<80x128xf32, #tpu.memory_space<vmem_shared>>)
      tpu.yield
    }) : () -> ()
    %mul3A_36 = arith.constant 640 : i32
    %mul3A_37 = arith.muli %arg1, %mul3A_36 : i32
    %add3A_38 = arith.constant 560 : i32
    %add3A_39 = arith.addi %mul3A_37, %add3A_38 : i32
    "tpu.region"() ({
      %run_scoped3A_75 = tpu.sem_alloc : memref<!tpu.dma_semaphore, #tpu.memory_space<semaphore_mem>>
      %dma_start3A_76 = arith.constant 0 : i32
      %dma_start3A_77 = tpu.memref_slice %arg5[%add3A_39, %dma_start3A_76] : memref<10240x128xf32, #tpu.memory_space<vmem_shared>> -> memref<80x128xf32, #tpu.memory_space<vmem_shared>>
      %dma_start3A_78 = arith.constant 0 : i32
      %dma_start3A_79 = tpu.memref_slice %arg5[%add3A_39, %dma_start3A_78] : memref<10240x128xf32, #tpu.memory_space<vmem_shared>> -> memref<80x128xf32, #tpu.memory_space<vmem_shared>>
      tpu.enqueue_dma source(%arg8 : memref<80x128xf32, #tpu.memory_space<vmem>>) target(%dma_start3A_79 : memref<80x128xf32, #tpu.memory_space<vmem_shared>>) target_semaphore(%run_scoped3A_75 : memref<!tpu.dma_semaphore, #tpu.memory_space<semaphore_mem>>)
      %dma_wait3A_80 = arith.constant 0 : i32
      %dma_wait3A_81 = tpu.memref_slice %arg5[%add3A_39, %dma_wait3A_80] : memref<10240x128xf32, #tpu.memory_space<vmem_shared>> -> memref<80x128xf32, #tpu.memory_space<vmem_shared>>
      %dma_wait3A_82 = arith.constant 0 : i32
      %dma_wait3A_83 = tpu.memref_slice %arg5[%add3A_39, %dma_wait3A_82] : memref<10240x128xf32, #tpu.memory_space<vmem_shared>> -> memref<80x128xf32, #tpu.memory_space<vmem_shared>>
      tpu.wait_dma2 semaphore(%run_scoped3A_75 : memref<!tpu.dma_semaphore, #tpu.memory_space<semaphore_mem>>) src(%arg8 : memref<80x128xf32, #tpu.memory_space<vmem>>) dst(%dma_wait3A_83 : memref<80x128xf32, #tpu.memory_space<vmem_shared>>)
      tpu.yield
    }) : () -> ()
    %barrier3A = arith.constant 0 : index
    tpu.barrier barrier_id(%barrier3A)
    %dma_start3A = arith.constant 0 : i32
    %dma_start3A_40 = tpu.memref_slice %arg6[%dma_start3A] : memref<10000xi32, #tpu.memory_space<vmem>> -> memref<80xi32, #tpu.memory_space<vmem>>
    %dma_start3A_41 = arith.constant 0 : i32
    %dma_start3A_42 = arith.constant 0 : i32
    %dma_start3A_43 = tpu.memref_slice %arg3[%dma_start3A_41, %dma_start3A_42] : memref<10000x128xf32, #tpu.memory_space<hbm>> -> memref<10000x128xf32, #tpu.memory_space<hbm>>
    tpu.enqueue_indirect_dma source(%dma_start3A_43 : memref<10000x128xf32, #tpu.memory_space<hbm>>) target(%arg8 : memref<80x128xf32, #tpu.memory_space<vmem>>) offsets(%dma_start3A_40 : memref<80xi32, #tpu.memory_space<vmem>>) semaphore(%arg10 : memref<!tpu.dma_semaphore, #tpu.memory_space<semaphore_mem>>)
    %dma_wait3A = arith.constant 0 : i32
    %dma_wait3A_44 = tpu.memref_slice %arg6[%dma_wait3A] : memref<10000xi32, #tpu.memory_space<vmem>> -> memref<80xi32, #tpu.memory_space<vmem>>
    %dma_wait3A_45 = arith.constant 0 : i32
    %dma_wait3A_46 = arith.constant 0 : i32
    %dma_wait3A_47 = tpu.memref_slice %arg3[%dma_wait3A_45, %dma_wait3A_46] : memref<10000x128xf32, #tpu.memory_space<hbm>> -> memref<10000x128xf32, #tpu.memory_space<hbm>>
    tpu.wait_indirect_dma semaphore(%arg10 : memref<!tpu.dma_semaphore, #tpu.memory_space<semaphore_mem>>) src(%dma_wait3A_47 : memref<10000x128xf32, #tpu.memory_space<hbm>>) dst(%arg8 : memref<80x128xf32, #tpu.memory_space<vmem>>)
    %dma_start3A_48 = arith.constant 0 : i32
    %dma_start3A_49 = tpu.memref_slice %arg7[%dma_start3A_48] : memref<10000xi32, #tpu.memory_space<vmem>> -> memref<80xi32, #tpu.memory_space<vmem>>
    %dma_start3A_50 = arith.constant 0 : i32
    %dma_start3A_51 = arith.constant 0 : i32
    %dma_start3A_52 = tpu.memref_slice %arg5[%dma_start3A_50, %dma_start3A_51] : memref<10240x128xf32, #tpu.memory_space<vmem_shared>> -> memref<10240x128xf32, #tpu.memory_space<vmem_shared>>
    tpu.enqueue_indirect_dma source(%arg8 : memref<80x128xf32, #tpu.memory_space<vmem>>) target(%dma_start3A_52 : memref<10240x128xf32, #tpu.memory_space<vmem_shared>>) offsets(%dma_start3A_49 : memref<80xi32, #tpu.memory_space<vmem>>) semaphore(%arg12 : memref<!tpu.dma_semaphore, #tpu.memory_space<semaphore_mem>>) {add = true}
    %dma_start3A_53 = arith.constant 80 : i32
    %dma_start3A_54 = tpu.memref_slice %arg6[%dma_start3A_53] : memref<10000xi32, #tpu.memory_space<vmem>> -> memref<80xi32, #tpu.memory_space<vmem>>
    %dma_start3A_55 = arith.constant 0 : i32
    %dma_start3A_56 = arith.constant 0 : i32
    %dma_start3A_57 = tpu.memref_slice %arg3[%dma_start3A_55, %dma_start3A_56] : memref<10000x128xf32, #tpu.memory_space<hbm>> -> memref<10000x128xf32, #tpu.memory_space<hbm>>
    tpu.enqueue_indirect_dma source(%dma_start3A_57 : memref<10000x128xf32, #tpu.memory_space<hbm>>) target(%arg9 : memref<80x128xf32, #tpu.memory_space<vmem>>) offsets(%dma_start3A_54 : memref<80xi32, #tpu.memory_space<vmem>>) semaphore(%arg11 : memref<!tpu.dma_semaphore, #tpu.memory_space<semaphore_mem>>)
    %scan3A_58 = arith.constant 0 : i32
    %scan3A_59 = arith.constant 0 : i32
    %scan3A_60 = arith.constant 62 : i32
    %scan3A_61 = arith.addi %scan3A_59, %scan3A_60 : i32
    %scan3A_62 = arith.constant 1 : i32
    %scan3A_63 = scf.for %scan3A_75 = %scan3A_59 to %scan3A_61 step %scan3A_62 iter_args(%scan3A_76 = %scan3A_58) -> (i32)  : i32 {
      %mul3A_77 = arith.constant 2 : i32
      %mul3A_78 = arith.muli %mul3A_77, %scan3A_75 : i32
      %add3A_79 = arith.constant 1 : i32
      %add3A_80 = arith.addi %add3A_79, %mul3A_78 : i32
      %mul3A_81 = arith.constant 80 : i32
      %mul3A_82 = arith.muli %add3A_80, %mul3A_81 : i32
      %dma_wait3A_83 = tpu.memref_slice %arg6[%mul3A_82] : memref<10000xi32, #tpu.memory_space<vmem>> -> memref<80xi32, #tpu.memory_space<vmem>>
      %dma_wait3A_84 = arith.constant 0 : i32
      %dma_wait3A_85 = arith.constant 0 : i32
      %dma_wait3A_86 = tpu.memref_slice %arg3[%dma_wait3A_84, %dma_wait3A_85] : memref<10000x128xf32, #tpu.memory_space<hbm>> -> memref<10000x128xf32, #tpu.memory_space<hbm>>
      tpu.wait_indirect_dma semaphore(%arg11 : memref<!tpu.dma_semaphore, #tpu.memory_space<semaphore_mem>>) src(%dma_wait3A_86 : memref<10000x128xf32, #tpu.memory_space<hbm>>) dst(%arg9 : memref<80x128xf32, #tpu.memory_space<vmem>>)
      %mul3A_87 = arith.constant 80 : i32
      %mul3A_88 = arith.muli %add3A_80, %mul3A_87 : i32
      %dma_start3A_89 = tpu.memref_slice %arg7[%mul3A_88] : memref<10000xi32, #tpu.memory_space<vmem>> -> memref<80xi32, #tpu.memory_space<vmem>>
      %dma_start3A_90 = arith.constant 0 : i32
      %dma_start3A_91 = arith.constant 0 : i32
      %dma_start3A_92 = tpu.memref_slice %arg5[%dma_start3A_90, %dma_start3A_91] : memref<10240x128xf32, #tpu.memory_space<vmem_shared>> -> memref<10240x128xf32, #tpu.memory_space<vmem_shared>>
      tpu.enqueue_indirect_dma source(%arg9 : memref<80x128xf32, #tpu.memory_space<vmem>>) target(%dma_start3A_92 : memref<10240x128xf32, #tpu.memory_space<vmem_shared>>) offsets(%dma_start3A_89 : memref<80xi32, #tpu.memory_space<vmem>>) semaphore(%arg13 : memref<!tpu.dma_semaphore, #tpu.memory_space<semaphore_mem>>) {add = true}
      %sub3A = arith.constant 1 : i32
      %sub3A_93 = arith.subi %add3A_80, %sub3A : i32
      %mul3A_94 = arith.constant 80 : i32
      %mul3A_95 = arith.muli %sub3A_93, %mul3A_94 : i32
      %dma_wait3A_96 = tpu.memref_slice %arg7[%mul3A_95] : memref<10000xi32, #tpu.memory_space<vmem>> -> memref<80xi32, #tpu.memory_space<vmem>>
      %dma_wait3A_97 = arith.constant 0 : i32
      %dma_wait3A_98 = arith.constant 0 : i32
      %dma_wait3A_99 = tpu.memref_slice %arg5[%dma_wait3A_97, %dma_wait3A_98] : memref<10240x128xf32, #tpu.memory_space<vmem_shared>> -> memref<10240x128xf32, #tpu.memory_space<vmem_shared>>
      tpu.wait_indirect_dma semaphore(%arg12 : memref<!tpu.dma_semaphore, #tpu.memory_space<semaphore_mem>>) src(%arg8 : memref<80x128xf32, #tpu.memory_space<vmem>>) dst(%dma_wait3A_99 : memref<10240x128xf32, #tpu.memory_space<vmem_shared>>)
      %add3A_100 = arith.constant 1 : i32
      %add3A_101 = arith.addi %add3A_80, %add3A_100 : i32
      %mul3A_102 = arith.constant 80 : i32
      %mul3A_103 = arith.muli %add3A_101, %mul3A_102 : i32
      %dma_start3A_104 = tpu.memref_slice %arg6[%mul3A_103] : memref<10000xi32, #tpu.memory_space<vmem>> -> memref<80xi32, #tpu.memory_space<vmem>>
      %dma_start3A_105 = arith.constant 0 : i32
      %dma_start3A_106 = arith.constant 0 : i32
      %dma_start3A_107 = tpu.memref_slice %arg3[%dma_start3A_105, %dma_start3A_106] : memref<10000x128xf32, #tpu.memory_space<hbm>> -> memref<10000x128xf32, #tpu.memory_space<hbm>>
      tpu.enqueue_indirect_dma source(%dma_start3A_107 : memref<10000x128xf32, #tpu.memory_space<hbm>>) target(%arg8 : memref<80x128xf32, #tpu.memory_space<vmem>>) offsets(%dma_start3A_104 : memref<80xi32, #tpu.memory_space<vmem>>) semaphore(%arg10 : memref<!tpu.dma_semaphore, #tpu.memory_space<semaphore_mem>>)
      %add3A_108 = arith.constant 1 : i32
      %add3A_109 = arith.addi %add3A_80, %add3A_108 : i32
      %mul3A_110 = arith.constant 80 : i32
      %mul3A_111 = arith.muli %add3A_109, %mul3A_110 : i32
      %dma_wait3A_112 = tpu.memref_slice %arg6[%mul3A_111] : memref<10000xi32, #tpu.memory_space<vmem>> -> memref<80xi32, #tpu.memory_space<vmem>>
      %dma_wait3A_113 = arith.constant 0 : i32
      %dma_wait3A_114 = arith.constant 0 : i32
      %dma_wait3A_115 = tpu.memref_slice %arg3[%dma_wait3A_113, %dma_wait3A_114] : memref<10000x128xf32, #tpu.memory_space<hbm>> -> memref<10000x128xf32, #tpu.memory_space<hbm>>
      tpu.wait_indirect_dma semaphore(%arg10 : memref<!tpu.dma_semaphore, #tpu.memory_space<semaphore_mem>>) src(%dma_wait3A_115 : memref<10000x128xf32, #tpu.memory_space<hbm>>) dst(%arg8 : memref<80x128xf32, #tpu.memory_space<vmem>>)
      %mul3A_116 = arith.constant 80 : i32
      %mul3A_117 = arith.muli %add3A_109, %mul3A_116 : i32
      %dma_start3A_118 = tpu.memref_slice %arg7[%mul3A_117] : memref<10000xi32, #tpu.memory_space<vmem>> -> memref<80xi32, #tpu.memory_space<vmem>>
      %dma_start3A_119 = arith.constant 0 : i32
      %dma_start3A_120 = arith.constant 0 : i32
      %dma_start3A_121 = tpu.memref_slice %arg5[%dma_start3A_119, %dma_start3A_120] : memref<10240x128xf32, #tpu.memory_space<vmem_shared>> -> memref<10240x128xf32, #tpu.memory_space<vmem_shared>>
      tpu.enqueue_indirect_dma source(%arg8 : memref<80x128xf32, #tpu.memory_space<vmem>>) target(%dma_start3A_121 : memref<10240x128xf32, #tpu.memory_space<vmem_shared>>) offsets(%dma_start3A_118 : memref<80xi32, #tpu.memory_space<vmem>>) semaphore(%arg12 : memref<!tpu.dma_semaphore, #tpu.memory_space<semaphore_mem>>) {add = true}
      %sub3A_122 = arith.constant 1 : i32
      %sub3A_123 = arith.subi %add3A_109, %sub3A_122 : i32
      %mul3A_124 = arith.constant 80 : i32
      %mul3A_125 = arith.muli %sub3A_123, %mul3A_124 : i32
      %dma_wait3A_126 = tpu.memref_slice %arg7[%mul3A_125] : memref<10000xi32, #tpu.memory_space<vmem>> -> memref<80xi32, #tpu.memory_space<vmem>>
      %dma_wait3A_127 = arith.constant 0 : i32
      %dma_wait3A_128 = arith.constant 0 : i32
      %dma_wait3A_129 = tpu.memref_slice %arg5[%dma_wait3A_127, %dma_wait3A_128] : memref<10240x128xf32, #tpu.memory_space<vmem_shared>> -> memref<10240x128xf32, #tpu.memory_space<vmem_shared>>
      tpu.wait_indirect_dma semaphore(%arg13 : memref<!tpu.dma_semaphore, #tpu.memory_space<semaphore_mem>>) src(%arg9 : memref<80x128xf32, #tpu.memory_space<vmem>>) dst(%dma_wait3A_129 : memref<10240x128xf32, #tpu.memory_space<vmem_shared>>)
      %add3A_130 = arith.constant 1 : i32
      %add3A_131 = arith.addi %add3A_109, %add3A_130 : i32
      %lt3A = arith.constant 125 : i32
      %lt3A_132 = arith.cmpi slt, %add3A_131, %lt3A : i32
      %convert_element_type3A = arith.extui %lt3A_132 : i1 to i32
      %cond3A = arith.constant 0 : i32
      %cond3A_133 = arith.cmpi ne, %convert_element_type3A, %cond3A : i32
      scf.if %cond3A_133 {
        %add3A_135 = arith.constant 1 : i32
        %add3A_136 = arith.addi %add3A_109, %add3A_135 : i32
        %mul3A_137 = arith.constant 80 : i32
        %mul3A_138 = arith.muli %add3A_136, %mul3A_137 : i32
        %dma_start3A_139 = tpu.memref_slice %arg6[%mul3A_138] : memref<10000xi32, #tpu.memory_space<vmem>> -> memref<80xi32, #tpu.memory_space<vmem>>
        %dma_start3A_140 = arith.constant 0 : i32
        %dma_start3A_141 = arith.constant 0 : i32
        %dma_start3A_142 = tpu.memref_slice %arg3[%dma_start3A_140, %dma_start3A_141] : memref<10000x128xf32, #tpu.memory_space<hbm>> -> memref<10000x128xf32, #tpu.memory_space<hbm>>
        tpu.enqueue_indirect_dma source(%dma_start3A_142 : memref<10000x128xf32, #tpu.memory_space<hbm>>) target(%arg9 : memref<80x128xf32, #tpu.memory_space<vmem>>) offsets(%dma_start3A_139 : memref<80xi32, #tpu.memory_space<vmem>>) semaphore(%arg11 : memref<!tpu.dma_semaphore, #tpu.memory_space<semaphore_mem>>)
      } else {
      }
      %scan3A_134 = arith.constant 0 : i32
      scf.yield %scan3A_134 : i32
    }
    %scan3A_64 = arith.constant 62 : i32
    %dma_wait3A_65 = arith.constant 9920 : i32
    %dma_wait3A_66 = tpu.memref_slice %arg7[%dma_wait3A_65] : memref<10000xi32, #tpu.memory_space<vmem>> -> memref<80xi32, #tpu.memory_space<vmem>>
    %dma_wait3A_67 = arith.constant 0 : i32
    %dma_wait3A_68 = arith.constant 0 : i32
    %dma_wait3A_69 = tpu.memref_slice %arg5[%dma_wait3A_67, %dma_wait3A_68] : memref<10240x128xf32, #tpu.memory_space<vmem_shared>> -> memref<10240x128xf32, #tpu.memory_space<vmem_shared>>
    tpu.wait_indirect_dma semaphore(%arg12 : memref<!tpu.dma_semaphore, #tpu.memory_space<semaphore_mem>>) src(%arg8 : memref<80x128xf32, #tpu.memory_space<vmem>>) dst(%dma_wait3A_69 : memref<10240x128xf32, #tpu.memory_space<vmem_shared>>)
    %barrier3A_70 = arith.constant 0 : index
    tpu.barrier barrier_id(%barrier3A_70)
    %mul3A_71 = arith.constant 640 : i32
    %mul3A_72 = arith.muli %arg1, %mul3A_71 : i32
    %mul3A_73 = arith.constant 640 : i32
    %mul3A_74 = arith.muli %arg1, %mul3A_73 : i32
    "tpu.region"() ({
      %run_scoped3A_75 = tpu.sem_alloc : memref<!tpu.dma_semaphore, #tpu.memory_space<semaphore_mem>>
      %dma_start3A_76 = arith.constant 0 : i32
      %dma_start3A_77 = tpu.memref_slice %arg4[%arg0, %mul3A_74, %dma_start3A_76] : memref<2x10240x128xf32, #tpu.memory_space<hbm>> -> memref<1x640x128xf32, #tpu.memory_space<hbm>>
      %dma_start3A_78 = tpu.memref_squeeze %dma_start3A_77 : memref<1x640x128xf32, #tpu.memory_space<hbm>> -> memref<640x128xf32, #tpu.memory_space<hbm>>
      %dma_start3A_79 = arith.constant 0 : i32
      %dma_start3A_80 = tpu.memref_slice %arg5[%mul3A_72, %dma_start3A_79] : memref<10240x128xf32, #tpu.memory_space<vmem_shared>> -> memref<640x128xf32, #tpu.memory_space<vmem_shared>>
      tpu.enqueue_dma source(%dma_start3A_80 : memref<640x128xf32, #tpu.memory_space<vmem_shared>>) target(%dma_start3A_78 : memref<640x128xf32, #tpu.memory_space<hbm>>) target_semaphore(%run_scoped3A_75 : memref<!tpu.dma_semaphore, #tpu.memory_space<semaphore_mem>>)
      %dma_wait3A_81 = arith.constant 0 : i32
      %dma_wait3A_82 = tpu.memref_slice %arg4[%arg0, %mul3A_74, %dma_wait3A_81] : memref<2x10240x128xf32, #tpu.memory_space<hbm>> -> memref<1x640x128xf32, #tpu.memory_space<hbm>>
      %dma_wait3A_83 = tpu.memref_squeeze %dma_wait3A_82 : memref<1x640x128xf32, #tpu.memory_space<hbm>> -> memref<640x128xf32, #tpu.memory_space<hbm>>
      %dma_wait3A_84 = arith.constant 0 : i32
      %dma_wait3A_85 = tpu.memref_slice %arg5[%mul3A_72, %dma_wait3A_84] : memref<10240x128xf32, #tpu.memory_space<vmem_shared>> -> memref<640x128xf32, #tpu.memory_space<vmem_shared>>
      tpu.wait_dma2 semaphore(%run_scoped3A_75 : memref<!tpu.dma_semaphore, #tpu.memory_space<semaphore_mem>>) src(%dma_wait3A_85 : memref<640x128xf32, #tpu.memory_space<vmem_shared>>) dst(%dma_wait3A_83 : memref<640x128xf32, #tpu.memory_space<hbm>>)
      tpu.yield
    }) : () -> ()
    return
  }
}

module attributes {stable_mosaic.version = 14 : i64} {
  func.func @_tca_body(%arg0: i32, %arg1: memref<2000x128xf32, #tpu.memory_space<vmem>>, %arg2: memref<128x128xf32, #tpu.memory_space<vmem>>, %arg3: memref<2x2000x1xf32, #tpu.memory_space<vmem>>, %arg4: memref<2x2000x1xf32, #tpu.memory_space<vmem>>, %arg5: memref<2000x128xf32, #tpu.memory_space<vmem>>, %arg6: memref<2000x1xf32, #tpu.memory_space<vmem>>, %arg7: memref<2000x1xf32, #tpu.memory_space<vmem>>) attributes {dimension_semantics = [#tpu.dimension_semantics<arbitrary>], iteration_bounds = array<i64: 5>, scalar_prefetch = 0 : i64, scratch_operands = 0 : i64, tpu.core_type = #tpu.core_type<tc>, window_params = [{transform_indices = @transform_0, window_bounds = array<i64: 2000, 128>}, {pipeline_mode = #tpu.pipeline_mode<synchronous>, transform_indices = @transform_1, window_bounds = array<i64: 128, 128>}, {transform_indices = @transform_2, window_bounds = array<i64: 2, 2000, 1>}, {transform_indices = @transform_3, window_bounds = array<i64: 2, 2000, 1>}, {transform_indices = @transform_4, window_bounds = array<i64: 2000, 128>}, {transform_indices = @transform_5, window_bounds = array<i64: 2000, 1>}, {transform_indices = @transform_6, window_bounds = array<i64: 2000, 1>}]} {
    %get3A = arith.constant 0 : index
    %get3A_0 = arith.constant 0 : index
    %get3A_1 = vector.load %arg1[%get3A, %get3A_0] : memref<2000x128xf32, #tpu.memory_space<vmem>>, vector<2000x128xf32>
    %get3A_2 = arith.constant 0 : index
    %get3A_3 = arith.constant 0 : index
    %get3A_4 = vector.load %arg2[%get3A_2, %get3A_3] : memref<128x128xf32, #tpu.memory_space<vmem>>, vector<128x128xf32>
    %dot_general3A = arith.constant dense<0.000000e+00> : vector<2000x128xf32>
    %dot_general3A_5 = tpu.matmul %get3A_1, %get3A_4, %dot_general3A {dimension_numbers = #tpu.dot_dimension_numbers<[1], [0], [0], [1], [0, 0, 1, 1], [], []>, transpose_lhs_hint = false} : vector<2000x128xf32>, vector<128x128xf32>, vector<2000x128xf32> -> vector<2000x128xf32>
    %get3A_6 = arith.constant 0 : index
    %get3A_7 = arith.constant 0 : index
    %get3A_8 = arith.constant 0 : index
    %get3A_9 = vector.load %arg3[%get3A_6, %get3A_7, %get3A_8] : memref<2x2000x1xf32, #tpu.memory_space<vmem>>, vector<1x2000x1xf32>
    %get3A_10 = vector.shape_cast %get3A_9 : vector<1x2000x1xf32> to vector<2000x1xf32>
    %get3A_11 = arith.constant 1 : index
    %get3A_12 = arith.constant 0 : index
    %get3A_13 = arith.constant 0 : index
    %get3A_14 = vector.load %arg3[%get3A_11, %get3A_12, %get3A_13] : memref<2x2000x1xf32, #tpu.memory_space<vmem>>, vector<1x2000x1xf32>
    %get3A_15 = vector.shape_cast %get3A_14 : vector<1x2000x1xf32> to vector<2000x1xf32>
    %add3A = arith.addf %get3A_10, %get3A_15 : vector<2000x1xf32>
    %get3A_16 = arith.constant 0 : index
    %get3A_17 = arith.constant 0 : index
    %get3A_18 = arith.constant 0 : index
    %get3A_19 = vector.load %arg4[%get3A_16, %get3A_17, %get3A_18] : memref<2x2000x1xf32, #tpu.memory_space<vmem>>, vector<1x2000x1xf32>
    %get3A_20 = vector.shape_cast %get3A_19 : vector<1x2000x1xf32> to vector<2000x1xf32>
    %get3A_21 = arith.constant 1 : index
    %get3A_22 = arith.constant 0 : index
    %get3A_23 = arith.constant 0 : index
    %get3A_24 = vector.load %arg4[%get3A_21, %get3A_22, %get3A_23] : memref<2x2000x1xf32, #tpu.memory_space<vmem>>, vector<1x2000x1xf32>
    %get3A_25 = vector.shape_cast %get3A_24 : vector<1x2000x1xf32> to vector<2000x1xf32>
    %add3A_26 = arith.addf %get3A_20, %get3A_25 : vector<2000x1xf32>
    %add3A_27 = arith.constant 1.000000e+00 : f32
    %add3A_28 = vector.broadcast %add3A_27 : f32 to vector<2000x1xf32>
    %add3A_29 = arith.addf %add3A, %add3A_28 : vector<2000x1xf32>
    %rsqrt3A = math.rsqrt %add3A_29 : vector<2000x1xf32>
    %gt3A = arith.constant 0.000000e+00 : f32
    %gt3A_30 = vector.broadcast %gt3A : f32 to vector<2000x1xf32>
    %gt3A_31 = arith.cmpf ogt, %add3A_26, %gt3A_30 : vector<2000x1xf32>
    %max3A = arith.constant 1.000000e+00 : f32
    %max3A_32 = vector.broadcast %max3A : f32 to vector<2000x1xf32>
    %max3A_33 = arith.maximumf %add3A_26, %max3A_32 : vector<2000x1xf32>
    %rsqrt3A_34 = math.rsqrt %max3A_33 : vector<2000x1xf32>
    %jit3A = arith.constant 0.000000e+00 : f32
    %broadcast_in_dim3A = vector.broadcast %jit3A : f32 to vector<2000x1xf32>
    %select_n3A = arith.select %gt3A_31, %rsqrt3A_34, %broadcast_in_dim3A : vector<2000x1xi1>, vector<2000x1xf32>
    %mul3A = vector.broadcast %rsqrt3A : vector<2000x1xf32> to vector<2000x128xf32>
    %mul3A_35 = arith.mulf %mul3A, %dot_general3A_5 : vector<2000x128xf32>
    %swap3A = arith.constant 0 : index
    %swap3A_36 = arith.constant 0 : index
    %swap3A_37 = vector.load %arg5[%swap3A, %swap3A_36] : memref<2000x128xf32, #tpu.memory_space<vmem>>, vector<2000x128xf32>
    tpu.vector_store %arg5[%swap3A, %swap3A_36], %mul3A_35 {strides = array<i32>} : memref<2000x128xf32, #tpu.memory_space<vmem>>, vector<2000x128xf32>,
    %swap3A_38 = arith.constant 0 : index
    %swap3A_39 = arith.constant 0 : index
    %swap3A_40 = vector.load %arg6[%swap3A_38, %swap3A_39] : memref<2000x1xf32, #tpu.memory_space<vmem>>, vector<2000x1xf32>
    tpu.vector_store %arg6[%swap3A_38, %swap3A_39], %rsqrt3A {strides = array<i32>} : memref<2000x1xf32, #tpu.memory_space<vmem>>, vector<2000x1xf32>,
    %swap3A_41 = arith.constant 0 : index
    %swap3A_42 = arith.constant 0 : index
    %swap3A_43 = vector.load %arg7[%swap3A_41, %swap3A_42] : memref<2000x1xf32, #tpu.memory_space<vmem>>, vector<2000x1xf32>
    tpu.vector_store %arg7[%swap3A_41, %swap3A_42], %select_n3A {strides = array<i32>} : memref<2000x1xf32, #tpu.memory_space<vmem>>, vector<2000x1xf32>,
    return
  }
  func.func @transform_0(%arg0: i32) -> (i32, i32) {
    %c0_i32 = arith.constant 0 : i32
    %c0_i32_0 = arith.constant 0 : i32
    return %arg0, %c0_i32 : i32, i32
  }
  func.func @transform_1(%arg0: i32) -> (i32, i32) {
    %c0_i32 = arith.constant 0 : i32
    %c0_i32_0 = arith.constant 0 : i32
    %c0_i32_1 = arith.constant 0 : i32
    return %c0_i32, %c0_i32_0 : i32, i32
  }
  func.func @transform_2(%arg0: i32) -> (i32, i32, i32) {
    %c0_i32 = arith.constant 0 : i32
    %c0_i32_0 = arith.constant 0 : i32
    %c0_i32_1 = arith.constant 0 : i32
    return %c0_i32, %arg0, %c0_i32_0 : i32, i32, i32
  }
  func.func @transform_3(%arg0: i32) -> (i32, i32, i32) {
    %c0_i32 = arith.constant 0 : i32
    %c0_i32_0 = arith.constant 0 : i32
    %c0_i32_1 = arith.constant 0 : i32
    return %c0_i32, %arg0, %c0_i32_0 : i32, i32, i32
  }
  func.func @transform_4(%arg0: i32) -> (i32, i32) {
    %c0_i32 = arith.constant 0 : i32
    %c0_i32_0 = arith.constant 0 : i32
    return %arg0, %c0_i32 : i32, i32
  }
  func.func @transform_5(%arg0: i32) -> (i32, i32) {
    %c0_i32 = arith.constant 0 : i32
    %c0_i32_0 = arith.constant 0 : i32
    return %arg0, %c0_i32 : i32, i32
  }
  func.func @transform_6(%arg0: i32) -> (i32, i32) {
    %c0_i32 = arith.constant 0 : i32
    %c0_i32_0 = arith.constant 0 : i32
    return %arg0, %c0_i32 : i32, i32
  }
}

module attributes {stable_mosaic.version = 14 : i64} {
  func.func @_tcb_body(%arg0: i32, %arg1: memref<2x2000x128xf32, #tpu.memory_space<vmem>>, %arg2: memref<2000x128xf32, #tpu.memory_space<vmem>>, %arg3: memref<2000x1xf32, #tpu.memory_space<vmem>>, %arg4: memref<2000x1xf32, #tpu.memory_space<vmem>>, %arg5: memref<1x128xf32, #tpu.memory_space<vmem>>, %arg6: memref<128x64xf32, #tpu.memory_space<vmem>>, %arg7: memref<1x64xf32, #tpu.memory_space<vmem>>, %arg8: memref<64x16xf32, #tpu.memory_space<vmem>>, %arg9: memref<1x16xf32, #tpu.memory_space<vmem>>, %arg10: memref<2000x16xf32, #tpu.memory_space<vmem>>, %arg11: memref<1x128xf32, #tpu.memory_space<vmem>>, %arg12: memref<16x16xf32, #tpu.memory_space<vmem>>) attributes {dimension_semantics = [#tpu.dimension_semantics<arbitrary>], iteration_bounds = array<i64: 5>, scalar_prefetch = 0 : i64, scratch_operands = 0 : i64, tpu.core_type = #tpu.core_type<tc>, window_params = [{transform_indices = @transform_0, window_bounds = array<i64: 2, 2000, 128>}, {transform_indices = @transform_1, window_bounds = array<i64: 2000, 128>}, {transform_indices = @transform_2, window_bounds = array<i64: 2000, 1>}, {transform_indices = @transform_3, window_bounds = array<i64: 2000, 1>}, {pipeline_mode = #tpu.pipeline_mode<synchronous>, transform_indices = @transform_4, window_bounds = array<i64: 1, 128>}, {pipeline_mode = #tpu.pipeline_mode<synchronous>, transform_indices = @transform_5, window_bounds = array<i64: 128, 64>}, {pipeline_mode = #tpu.pipeline_mode<synchronous>, transform_indices = @transform_6, window_bounds = array<i64: 1, 64>}, {pipeline_mode = #tpu.pipeline_mode<synchronous>, transform_indices = @transform_7, window_bounds = array<i64: 64, 16>}, {pipeline_mode = #tpu.pipeline_mode<synchronous>, transform_indices = @transform_8, window_bounds = array<i64: 1, 16>}, {transform_indices = @transform_9, window_bounds = array<i64: 2000, 16>}, {pipeline_mode = #tpu.pipeline_mode<synchronous>, transform_indices = @transform_10, window_bounds = array<i64: 1, 128>}, {pipeline_mode = #tpu.pipeline_mode<synchronous>, transform_indices = @transform_11, window_bounds = array<i64: 16, 16>}]} {
    %get3A = arith.constant 0 : index
    %get3A_0 = arith.constant 0 : index
    %get3A_1 = vector.load %arg3[%get3A, %get3A_0] : memref<2000x1xf32, #tpu.memory_space<vmem>>, vector<2000x1xf32>
    %get3A_2 = arith.constant 0 : index
    %get3A_3 = arith.constant 0 : index
    %get3A_4 = arith.constant 0 : index
    %get3A_5 = vector.load %arg1[%get3A_2, %get3A_3, %get3A_4] : memref<2x2000x128xf32, #tpu.memory_space<vmem>>, vector<1x2000x128xf32>
    %get3A_6 = vector.shape_cast %get3A_5 : vector<1x2000x128xf32> to vector<2000x128xf32>
    %get3A_7 = arith.constant 1 : index
    %get3A_8 = arith.constant 0 : index
    %get3A_9 = arith.constant 0 : index
    %get3A_10 = vector.load %arg1[%get3A_7, %get3A_8, %get3A_9] : memref<2x2000x128xf32, #tpu.memory_space<vmem>>, vector<1x2000x128xf32>
    %get3A_11 = vector.shape_cast %get3A_10 : vector<1x2000x128xf32> to vector<2000x128xf32>
    %add3A = arith.addf %get3A_6, %get3A_11 : vector<2000x128xf32>
    %get3A_12 = arith.constant 0 : index
    %get3A_13 = arith.constant 0 : index
    %get3A_14 = vector.load %arg2[%get3A_12, %get3A_13] : memref<2000x128xf32, #tpu.memory_space<vmem>>, vector<2000x128xf32>
    %add3A_15 = arith.addf %add3A, %get3A_14 : vector<2000x128xf32>
    %mul3A = vector.broadcast %get3A_1 : vector<2000x1xf32> to vector<2000x128xf32>
    %mul3A_16 = arith.mulf %mul3A, %add3A_15 : vector<2000x128xf32>
    %get3A_17 = arith.constant 0 : index
    %get3A_18 = arith.constant 0 : index
    %get3A_19 = vector.load %arg5[%get3A_17, %get3A_18] : memref<1x128xf32, #tpu.memory_space<vmem>>, vector<1x128xf32>
    %add3A_20 = vector.broadcast %get3A_19 : vector<1x128xf32> to vector<2000x128xf32>
    %add3A_21 = arith.addf %mul3A_16, %add3A_20 : vector<2000x128xf32>
    %get3A_22 = arith.constant 0 : index
    %get3A_23 = arith.constant 0 : index
    %get3A_24 = vector.load %arg6[%get3A_22, %get3A_23] : memref<128x64xf32, #tpu.memory_space<vmem>>, vector<128x64xf32>
    %dot_general3A = arith.constant dense<0.000000e+00> : vector<2000x64xf32>
    %dot_general3A_25 = tpu.matmul %add3A_21, %get3A_24, %dot_general3A {dimension_numbers = #tpu.dot_dimension_numbers<[1], [0], [0], [1], [0, 0, 1, 1], [], []>, transpose_lhs_hint = false} : vector<2000x128xf32>, vector<128x64xf32>, vector<2000x64xf32> -> vector<2000x64xf32>
    %get3A_26 = arith.constant 0 : index
    %get3A_27 = arith.constant 0 : index
    %get3A_28 = vector.load %arg7[%get3A_26, %get3A_27] : memref<1x64xf32, #tpu.memory_space<vmem>>, vector<1x64xf32>
    %add3A_29 = vector.broadcast %get3A_28 : vector<1x64xf32> to vector<2000x64xf32>
    %add3A_30 = arith.addf %dot_general3A_25, %add3A_29 : vector<2000x64xf32>
    %tanh3A = math.tanh %add3A_30 : vector<2000x64xf32>
    %get3A_31 = arith.constant 0 : index
    %get3A_32 = arith.constant 0 : index
    %get3A_33 = vector.load %arg8[%get3A_31, %get3A_32] : memref<64x16xf32, #tpu.memory_space<vmem>>, vector<64x16xf32>
    %dot_general3A_34 = arith.constant dense<0.000000e+00> : vector<2000x16xf32>
    %dot_general3A_35 = tpu.matmul %tanh3A, %get3A_33, %dot_general3A_34 {dimension_numbers = #tpu.dot_dimension_numbers<[1], [0], [0], [1], [0, 0, 1, 1], [], []>, transpose_lhs_hint = false} : vector<2000x64xf32>, vector<64x16xf32>, vector<2000x16xf32> -> vector<2000x16xf32>
    %get3A_36 = arith.constant 0 : index
    %get3A_37 = arith.constant 0 : index
    %get3A_38 = vector.load %arg9[%get3A_36, %get3A_37] : memref<1x16xf32, #tpu.memory_space<vmem>>, vector<1x16xf32>
    %add3A_39 = vector.broadcast %get3A_38 : vector<1x16xf32> to vector<2000x16xf32>
    %add3A_40 = arith.addf %dot_general3A_35, %add3A_39 : vector<2000x16xf32>
    %reduce_max3A = arith.constant dense<0xFF800000> : vector<2000xf32>
    %reduce_max3A_41 = vector.multi_reduction <maximumf>, %add3A_40, %reduce_max3A [1] : vector<2000x16xf32> to vector<2000xf32>
    %broadcast_in_dim3A = vector.shape_cast %reduce_max3A_41 : vector<2000xf32> to vector<2000x1xf32>
    %sub3A = vector.broadcast %broadcast_in_dim3A : vector<2000x1xf32> to vector<2000x16xf32>
    %sub3A_42 = arith.subf %add3A_40, %sub3A : vector<2000x16xf32>
    %exp3A = math.exp %sub3A_42 : vector<2000x16xf32>
    %reduce_sum3A = arith.constant dense<0.000000e+00> : vector<2000xf32>
    %reduce_sum3A_43 = vector.multi_reduction <add>, %exp3A, %reduce_sum3A [1] : vector<2000x16xf32> to vector<2000xf32>
    %broadcast_in_dim3A_44 = vector.shape_cast %reduce_sum3A_43 : vector<2000xf32> to vector<2000x1xf32>
    %div3A = vector.broadcast %broadcast_in_dim3A_44 : vector<2000x1xf32> to vector<2000x16xf32>
    %div3A_45 = arith.divf %exp3A, %div3A : vector<2000x16xf32>
    %get3A_46 = arith.constant 0 : index
    %get3A_47 = arith.constant 0 : index
    %get3A_48 = vector.load %arg4[%get3A_46, %get3A_47] : memref<2000x1xf32, #tpu.memory_space<vmem>>, vector<2000x1xf32>
    %mul3A_49 = vector.broadcast %get3A_48 : vector<2000x1xf32> to vector<2000x16xf32>
    %mul3A_50 = arith.mulf %mul3A_49, %div3A_45 : vector<2000x16xf32>
    %swap3A = arith.constant 0 : index
    %swap3A_51 = arith.constant 0 : index
    %swap3A_52 = vector.load %arg10[%swap3A, %swap3A_51] : memref<2000x16xf32, #tpu.memory_space<vmem>>, vector<2000x16xf32>
    tpu.vector_store %arg10[%swap3A, %swap3A_51], %mul3A_50 {strides = array<i32>} : memref<2000x16xf32, #tpu.memory_space<vmem>>, vector<2000x16xf32>,
    %eq3A = arith.constant 0 : i32
    %eq3A_53 = arith.cmpi eq, %arg0, %eq3A : i32
    %convert_element_type3A = arith.extui %eq3A_53 : i1 to i32
    %cond3A = arith.constant 0 : i32
    %cond3A_54 = arith.cmpi ne, %convert_element_type3A, %cond3A : i32
    scf.if %cond3A_54 {
      %broadcast_in_dim3A_74 = arith.constant 0.000000e+00 : f32
      %broadcast_in_dim3A_75 = vector.broadcast %broadcast_in_dim3A_74 : f32 to vector<1x128xf32>
      %swap3A_76 = arith.constant 0 : index
      %swap3A_77 = arith.constant 0 : index
      %swap3A_78 = vector.load %arg11[%swap3A_76, %swap3A_77] : memref<1x128xf32, #tpu.memory_space<vmem>>, vector<1x128xf32>
      tpu.vector_store %arg11[%swap3A_76, %swap3A_77], %broadcast_in_dim3A_75 {strides = array<i32>} : memref<1x128xf32, #tpu.memory_space<vmem>>, vector<1x128xf32>,
      %broadcast_in_dim3A_79 = arith.constant 0.000000e+00 : f32
      %broadcast_in_dim3A_80 = vector.broadcast %broadcast_in_dim3A_79 : f32 to vector<16x16xf32>
      %swap3A_81 = arith.constant 0 : index
      %swap3A_82 = arith.constant 0 : index
      %swap3A_83 = vector.load %arg12[%swap3A_81, %swap3A_82] : memref<16x16xf32, #tpu.memory_space<vmem>>, vector<16x16xf32>
      tpu.vector_store %arg12[%swap3A_81, %swap3A_82], %broadcast_in_dim3A_80 {strides = array<i32>} : memref<16x16xf32, #tpu.memory_space<vmem>>, vector<16x16xf32>,
    } else {
    }
    %get3A_55 = arith.constant 0 : index
    %get3A_56 = arith.constant 0 : index
    %get3A_57 = vector.load %arg11[%get3A_55, %get3A_56] : memref<1x128xf32, #tpu.memory_space<vmem>>, vector<1x128xf32>
    %reduce_sum3A_58 = arith.constant dense<0.000000e+00> : vector<128xf32>
    %reduce_sum3A_59 = vector.multi_reduction <add>, %add3A_21, %reduce_sum3A_58 [0] : vector<2000x128xf32> to vector<128xf32>
    %broadcast_in_dim3A_60 = vector.shape_cast %reduce_sum3A_59 : vector<128xf32> to vector<1x128xf32>
    %add3A_61 = arith.addf %get3A_57, %broadcast_in_dim3A_60 : vector<1x128xf32>
    %swap3A_62 = arith.constant 0 : index
    %swap3A_63 = arith.constant 0 : index
    %swap3A_64 = vector.load %arg11[%swap3A_62, %swap3A_63] : memref<1x128xf32, #tpu.memory_space<vmem>>, vector<1x128xf32>
    tpu.vector_store %arg11[%swap3A_62, %swap3A_63], %add3A_61 {strides = array<i32>} : memref<1x128xf32, #tpu.memory_space<vmem>>, vector<1x128xf32>,
    %get3A_65 = arith.constant 0 : index
    %get3A_66 = arith.constant 0 : index
    %get3A_67 = vector.load %arg12[%get3A_65, %get3A_66] : memref<16x16xf32, #tpu.memory_space<vmem>>, vector<16x16xf32>
    %dot_general3A_68 = arith.constant dense<0.000000e+00> : vector<16x16xf32>
    %dot_general3A_69 = tpu.matmul %div3A_45, %div3A_45, %dot_general3A_68 {dimension_numbers = #tpu.dot_dimension_numbers<[0], [0], [1], [1], [0, 1, 1, 1], [], []>, transpose_lhs_hint = false} : vector<2000x16xf32>, vector<2000x16xf32>, vector<16x16xf32> -> vector<16x16xf32>
    %add3A_70 = arith.addf %get3A_67, %dot_general3A_69 : vector<16x16xf32>
    %swap3A_71 = arith.constant 0 : index
    %swap3A_72 = arith.constant 0 : index
    %swap3A_73 = vector.load %arg12[%swap3A_71, %swap3A_72] : memref<16x16xf32, #tpu.memory_space<vmem>>, vector<16x16xf32>
    tpu.vector_store %arg12[%swap3A_71, %swap3A_72], %add3A_70 {strides = array<i32>} : memref<16x16xf32, #tpu.memory_space<vmem>>, vector<16x16xf32>,
    return
  }
  func.func @transform_0(%arg0: i32) -> (i32, i32, i32) {
    %c0_i32 = arith.constant 0 : i32
    %c0_i32_0 = arith.constant 0 : i32
    %c0_i32_1 = arith.constant 0 : i32
    return %c0_i32, %arg0, %c0_i32_0 : i32, i32, i32
  }
  func.func @transform_1(%arg0: i32) -> (i32, i32) {
    %c0_i32 = arith.constant 0 : i32
    %c0_i32_0 = arith.constant 0 : i32
    return %arg0, %c0_i32 : i32, i32
  }
  func.func @transform_2(%arg0: i32) -> (i32, i32) {
    %c0_i32 = arith.constant 0 : i32
    %c0_i32_0 = arith.constant 0 : i32
    return %arg0, %c0_i32 : i32, i32
  }
  func.func @transform_3(%arg0: i32) -> (i32, i32) {
    %c0_i32 = arith.constant 0 : i32
    %c0_i32_0 = arith.constant 0 : i32
    return %arg0, %c0_i32 : i32, i32
  }
  func.func @transform_4(%arg0: i32) -> (i32, i32) {
    %c0_i32 = arith.constant 0 : i32
    %c0_i32_0 = arith.constant 0 : i32
    %c0_i32_1 = arith.constant 0 : i32
    return %c0_i32, %c0_i32_0 : i32, i32
  }
  func.func @transform_5(%arg0: i32) -> (i32, i32) {
    %c0_i32 = arith.constant 0 : i32
    %c0_i32_0 = arith.constant 0 : i32
    %c0_i32_1 = arith.constant 0 : i32
    return %c0_i32, %c0_i32_0 : i32, i32
  }
  func.func @transform_6(%arg0: i32) -> (i32, i32) {
    %c0_i32 = arith.constant 0 : i32
    %c0_i32_0 = arith.constant 0 : i32
    %c0_i32_1 = arith.constant 0 : i32
    return %c0_i32, %c0_i32_0 : i32, i32
  }
  func.func @transform_7(%arg0: i32) -> (i32, i32) {
    %c0_i32 = arith.constant 0 : i32
    %c0_i32_0 = arith.constant 0 : i32
    %c0_i32_1 = arith.constant 0 : i32
    return %c0_i32, %c0_i32_0 : i32, i32
  }
  func.func @transform_8(%arg0: i32) -> (i32, i32) {
    %c0_i32 = arith.constant 0 : i32
    %c0_i32_0 = arith.constant 0 : i32
    %c0_i32_1 = arith.constant 0 : i32
    return %c0_i32, %c0_i32_0 : i32, i32
  }
  func.func @transform_9(%arg0: i32) -> (i32, i32) {
    %c0_i32 = arith.constant 0 : i32
    %c0_i32_0 = arith.constant 0 : i32
    return %arg0, %c0_i32 : i32, i32
  }
  func.func @transform_10(%arg0: i32) -> (i32, i32) {
    %c0_i32 = arith.constant 0 : i32
    %c0_i32_0 = arith.constant 0 : i32
    %c0_i32_1 = arith.constant 0 : i32
    return %c0_i32, %c0_i32_0 : i32, i32
  }
  func.func @transform_11(%arg0: i32) -> (i32, i32) {
    %c0_i32 = arith.constant 0 : i32
    %c0_i32_0 = arith.constant 0 : i32
    %c0_i32_1 = arith.constant 0 : i32
    return %c0_i32, %c0_i32_0 : i32, i32
  }
}

module attributes {stable_mosaic.version = 14 : i64} {
  func.func @_tcc_body(%arg0: i32, %arg1: memref<2000x16xf32, #tpu.memory_space<vmem>>, %arg2: memref<2x2000x16xf32, #tpu.memory_space<vmem>>, %arg3: memref<16x16xf32, #tpu.memory_space<vmem>>, %arg4: memref<1x128xf32, #tpu.memory_space<vmem>>, %arg5: memref<1x128xf32, #tpu.memory_space<vmem>>, %arg6: memref<1x1xf32, #tpu.memory_space<vmem>>, %arg7: memref<16x16xf32, #tpu.memory_space<vmem>>) attributes {dimension_semantics = [#tpu.dimension_semantics<arbitrary>], iteration_bounds = array<i64: 5>, scalar_prefetch = 0 : i64, scratch_operands = 0 : i64, tpu.core_type = #tpu.core_type<tc>, window_params = [{transform_indices = @transform_0, window_bounds = array<i64: 2000, 16>}, {transform_indices = @transform_1, window_bounds = array<i64: 2, 2000, 16>}, {pipeline_mode = #tpu.pipeline_mode<synchronous>, transform_indices = @transform_2, window_bounds = array<i64: 16, 16>}, {pipeline_mode = #tpu.pipeline_mode<synchronous>, transform_indices = @transform_3, window_bounds = array<i64: 1, 128>}, {pipeline_mode = #tpu.pipeline_mode<synchronous>, transform_indices = @transform_4, window_bounds = array<i64: 1, 128>}, {pipeline_mode = #tpu.pipeline_mode<synchronous>, transform_indices = @transform_5, window_bounds = array<i64: 1, 1>}, {pipeline_mode = #tpu.pipeline_mode<synchronous>, transform_indices = @transform_6, window_bounds = array<i64: 16, 16>}]} {
    %get3A = arith.constant 0 : index
    %get3A_0 = arith.constant 0 : index
    %get3A_1 = arith.constant 0 : index
    %get3A_2 = vector.load %arg2[%get3A, %get3A_0, %get3A_1] : memref<2x2000x16xf32, #tpu.memory_space<vmem>>, vector<1x2000x16xf32>
    %get3A_3 = vector.shape_cast %get3A_2 : vector<1x2000x16xf32> to vector<2000x16xf32>
    %get3A_4 = arith.constant 1 : index
    %get3A_5 = arith.constant 0 : index
    %get3A_6 = arith.constant 0 : index
    %get3A_7 = vector.load %arg2[%get3A_4, %get3A_5, %get3A_6] : memref<2x2000x16xf32, #tpu.memory_space<vmem>>, vector<1x2000x16xf32>
    %get3A_8 = vector.shape_cast %get3A_7 : vector<1x2000x16xf32> to vector<2000x16xf32>
    %add3A = arith.addf %get3A_3, %get3A_8 : vector<2000x16xf32>
    %eq3A = arith.constant 0 : i32
    %eq3A_9 = arith.cmpi eq, %arg0, %eq3A : i32
    %convert_element_type3A = arith.extui %eq3A_9 : i1 to i32
    %cond3A = arith.constant 0 : i32
    %cond3A_10 = arith.cmpi ne, %convert_element_type3A, %cond3A : i32
    scf.if %cond3A_10 {
      %broadcast_in_dim3A = arith.constant 0.000000e+00 : f32
      %broadcast_in_dim3A_26 = vector.broadcast %broadcast_in_dim3A : f32 to vector<16x16xf32>
      %swap3A_27 = arith.constant 0 : index
      %swap3A_28 = arith.constant 0 : index
      %swap3A_29 = vector.load %arg7[%swap3A_27, %swap3A_28] : memref<16x16xf32, #tpu.memory_space<vmem>>, vector<16x16xf32>
      tpu.vector_store %arg7[%swap3A_27, %swap3A_28], %broadcast_in_dim3A_26 {strides = array<i32>} : memref<16x16xf32, #tpu.memory_space<vmem>>, vector<16x16xf32>,
    } else {
    }
    %get3A_11 = arith.constant 0 : index
    %get3A_12 = arith.constant 0 : index
    %get3A_13 = vector.load %arg7[%get3A_11, %get3A_12] : memref<16x16xf32, #tpu.memory_space<vmem>>, vector<16x16xf32>
    %get3A_14 = arith.constant 0 : index
    %get3A_15 = arith.constant 0 : index
    %get3A_16 = vector.load %arg1[%get3A_14, %get3A_15] : memref<2000x16xf32, #tpu.memory_space<vmem>>, vector<2000x16xf32>
    %dot_general3A = arith.constant dense<0.000000e+00> : vector<16x16xf32>
    %dot_general3A_17 = tpu.matmul %get3A_16, %add3A, %dot_general3A {dimension_numbers = #tpu.dot_dimension_numbers<[0], [0], [1], [1], [0, 1, 1, 1], [], []>, transpose_lhs_hint = false} : vector<2000x16xf32>, vector<2000x16xf32>, vector<16x16xf32> -> vector<16x16xf32>
    %add3A_18 = arith.addf %get3A_13, %dot_general3A_17 : vector<16x16xf32>
    %swap3A = arith.constant 0 : index
    %swap3A_19 = arith.constant 0 : index
    %swap3A_20 = vector.load %arg7[%swap3A, %swap3A_19] : memref<16x16xf32, #tpu.memory_space<vmem>>, vector<16x16xf32>
    tpu.vector_store %arg7[%swap3A, %swap3A_19], %add3A_18 {strides = array<i32>} : memref<16x16xf32, #tpu.memory_space<vmem>>, vector<16x16xf32>,
    %eq3A_21 = arith.constant 4 : i32
    %eq3A_22 = arith.cmpi eq, %arg0, %eq3A_21 : i32
    %convert_element_type3A_23 = arith.extui %eq3A_22 : i1 to i32
    %cond3A_24 = arith.constant 0 : i32
    %cond3A_25 = arith.cmpi ne, %convert_element_type3A_23, %cond3A_24 : i32
    scf.if %cond3A_25 {
      %get3A_26 = arith.constant 0 : index
      %get3A_27 = arith.constant 0 : index
      %get3A_28 = vector.load %arg3[%get3A_26, %get3A_27] : memref<16x16xf32, #tpu.memory_space<vmem>>, vector<16x16xf32>
      %get3A_29 = arith.constant 0 : index
      %get3A_30 = arith.constant 0 : index
      %get3A_31 = vector.load %arg7[%get3A_29, %get3A_30] : memref<16x16xf32, #tpu.memory_space<vmem>>, vector<16x16xf32>
      %sub3A = arith.subf %get3A_28, %get3A_31 : vector<16x16xf32>
      %abs3A = math.absf %sub3A : vector<16x16xf32>
      %reduce_sum3A = arith.constant dense<0.000000e+00> : vector<16xf32>
      %reduce_sum3A_32 = vector.multi_reduction <add>, %abs3A, %reduce_sum3A [1] : vector<16x16xf32> to vector<16xf32>
      %broadcast_in_dim3A = vector.shape_cast %reduce_sum3A_32 : vector<16xf32> to vector<16x1xf32>
      %max3A = arith.constant 9.99999996E-13 : f32
      %max3A_33 = vector.broadcast %max3A : f32 to vector<16x1xf32>
      %max3A_34 = arith.maximumf %broadcast_in_dim3A, %max3A_33 : vector<16x1xf32>
      %div3A = vector.broadcast %max3A_34 : vector<16x1xf32> to vector<16x16xf32>
      %div3A_35 = arith.divf %sub3A, %div3A : vector<16x16xf32>
      %iota3A = tpu.iota {dimensions = array<i32: 0>} : vector<16x16xi32>
      %iota3A_36 = tpu.iota {dimensions = array<i32: 1>} : vector<16x16xi32>
      %eq3A_37 = arith.cmpi eq, %iota3A, %iota3A_36 : vector<16x16xi32>
      %jit3A = arith.constant 1.000000e+00 : f32
      %jit3A_38 = arith.constant 0.000000e+00 : f32
      %broadcast_in_dim3A_39 = vector.broadcast %jit3A : f32 to vector<16x16xf32>
      %broadcast_in_dim3A_40 = vector.broadcast %jit3A_38 : f32 to vector<16x16xf32>
      %select_n3A = arith.select %eq3A_37, %broadcast_in_dim3A_39, %broadcast_in_dim3A_40 : vector<16x16xi1>, vector<16x16xf32>
      %mul3A = arith.mulf %div3A_35, %select_n3A : vector<16x16xf32>
      %reduce_sum3A_41 = arith.constant dense<0.000000e+00> : vector<16xf32>
      %reduce_sum3A_42 = vector.multi_reduction <add>, %mul3A, %reduce_sum3A_41 [0] : vector<16x16xf32> to vector<16xf32>
      %broadcast_in_dim3A_43 = vector.shape_cast %reduce_sum3A_42 : vector<16xf32> to vector<1x16xf32>
      %sub3A_44 = vector.broadcast %broadcast_in_dim3A_43 : vector<1x16xf32> to vector<16x16xf32>
      %sub3A_45 = arith.subf %sub3A_44, %select_n3A : vector<16x16xf32>
      %integer_pow3A = arith.mulf %sub3A_45, %sub3A_45 : vector<16x16xf32>
      %reduce_sum3A_46 = vector.shape_cast %integer_pow3A : vector<16x16xf32> to vector<1x16x16xf32>
      %reduce_sum3A_47 = arith.constant dense<0.000000e+00> : vector<1xf32>
      %reduce_sum3A_48 = vector.multi_reduction <add>, %reduce_sum3A_46, %reduce_sum3A_47 [1, 2] : vector<1x16x16xf32> to vector<1xf32>
      %reduce_sum3A_49 = vector.shape_cast %reduce_sum3A_48 : vector<1xf32> to vector<1x1x1xf32>
      %reduce_sum3A_50 = vector.extract %reduce_sum3A_49[0, 0, 0] : f32 from vector<1x1x1xf32>
      %div3A_51 = arith.constant 2.560000e+02 : f32
      %div3A_52 = arith.divf %reduce_sum3A_50, %div3A_51 : f32
      %reshape3A = vector.broadcast %div3A_52 : f32 to vector<1x1xf32>
      %swap3A_53 = arith.constant 0 : index
      %swap3A_54 = arith.constant 0 : index
      %swap3A_55 = vector.load %arg6[%swap3A_53, %swap3A_54] : memref<1x1xf32, #tpu.memory_space<vmem>>, vector<1x1xf32>
      tpu.vector_store %arg6[%swap3A_53, %swap3A_54], %reshape3A {strides = array<i32>} : memref<1x1xf32, #tpu.memory_space<vmem>>, vector<1x1xf32>,
      %get3A_56 = arith.constant 0 : index
      %get3A_57 = arith.constant 0 : index
      %get3A_58 = vector.load %arg4[%get3A_56, %get3A_57] : memref<1x128xf32, #tpu.memory_space<vmem>>, vector<1x128xf32>
      %mul3A_59 = arith.constant 6.250000e-02 : f32
      %mul3A_60 = vector.broadcast %mul3A_59 : f32 to vector<1x128xf32>
      %mul3A_61 = arith.mulf %get3A_58, %mul3A_60 : vector<1x128xf32>
      %swap3A_62 = arith.constant 0 : index
      %swap3A_63 = arith.constant 0 : index
      %swap3A_64 = vector.load %arg5[%swap3A_62, %swap3A_63] : memref<1x128xf32, #tpu.memory_space<vmem>>, vector<1x128xf32>
      tpu.vector_store %arg5[%swap3A_62, %swap3A_63], %mul3A_61 {strides = array<i32>} : memref<1x128xf32, #tpu.memory_space<vmem>>, vector<1x128xf32>,
    } else {
    }
    return
  }
  func.func @transform_0(%arg0: i32) -> (i32, i32) {
    %c0_i32 = arith.constant 0 : i32
    %c0_i32_0 = arith.constant 0 : i32
    return %arg0, %c0_i32 : i32, i32
  }
  func.func @transform_1(%arg0: i32) -> (i32, i32, i32) {
    %c0_i32 = arith.constant 0 : i32
    %c0_i32_0 = arith.constant 0 : i32
    %c0_i32_1 = arith.constant 0 : i32
    return %c0_i32, %arg0, %c0_i32_0 : i32, i32, i32
  }
  func.func @transform_2(%arg0: i32) -> (i32, i32) {
    %c0_i32 = arith.constant 0 : i32
    %c0_i32_0 = arith.constant 0 : i32
    %c0_i32_1 = arith.constant 0 : i32
    return %c0_i32, %c0_i32_0 : i32, i32
  }
  func.func @transform_3(%arg0: i32) -> (i32, i32) {
    %c0_i32 = arith.constant 0 : i32
    %c0_i32_0 = arith.constant 0 : i32
    %c0_i32_1 = arith.constant 0 : i32
    return %c0_i32, %c0_i32_0 : i32, i32
  }
  func.func @transform_4(%arg0: i32) -> (i32, i32) {
    %c0_i32 = arith.constant 0 : i32
    %c0_i32_0 = arith.constant 0 : i32
    %c0_i32_1 = arith.constant 0 : i32
    return %c0_i32, %c0_i32_0 : i32, i32
  }
  func.func @transform_5(%arg0: i32) -> (i32, i32) {
    %c0_i32 = arith.constant 0 : i32
    %c0_i32_0 = arith.constant 0 : i32
    %c0_i32_1 = arith.constant 0 : i32
    return %c0_i32, %c0_i32_0 : i32, i32
  }
  func.func @transform_6(%arg0: i32) -> (i32, i32) {
    %c0_i32 = arith.constant 0 : i32
    %c0_i32_0 = arith.constant 0 : i32
    %c0_i32_1 = arith.constant 0 : i32
    return %c0_i32, %c0_i32_0 : i32, i32
  }
}

</mosaic_0001>

<sc_bundles>
// kernel: kernel.11.cloned.1.call-start
scs
__scs_entry_jumppad:
0x0: {  	(pc) =	sbr.rel $0x88, $3  }
0x1: {  	(tag) =	ssettag $0x0;
	lr =	simm.s32 $0x1  }
0x2: {  	[smem:$0x3F99] =	sst lr;
	_ =	strace $0xD0000000  }
0x3: {  	_ = 	snop  }
0x4: {  	_ = 	snop  }
0x5: {  	_ = 	snop  }
0x6: {  	_ = 	snop  }
0x7: {  	_ = 	snop  }
__scs_overlays_trampoline_lowered:
0x8: {  	[smem:$0x3FA8] =	sst s0  }
0x9: {  	[smem:$0x3FA9] =	sst s1  }
0xa: {  	[smem:$0x3FAA] =	sst s2  }
0xb: {  	[smem:$0x3FAB] =	sst s3  }
0xc: {  	[smem:$0x3FAC] =	sst s4  }
0xd: {  	[smem:$0x3FAD] =	sst s5  }
0xe: {  	[smem:$0x3FAE] =	sst s6  }
0xf: {  	[smem:$0x3FAF] =	sst s7  }
0x10: {  	[smem:$0x3FB0] =	sst s8  }
0x11: {  	[smem:$0x3FB1] =	sst s9;
	s0 =	simm.s32 @!p0 $0x0  }
0x12: {  	s1 =	sld [smem:$0x3F97];
	s0 =	simm.s32 @p0 $0x1  }
0x13: {  	[smem:$0x3FB2] =	sst s0;
	s0 =	simm.s32 @!p1 $0x0  }
0x14: {  	s2 =	sld [smem:$0x3F96];
	s0 =	simm.s32 @p1 $0x1  }
0x15: {  	[smem:$0x3FB3] =	sst s0;
	s0 =	simm.s32 @!p2 $0x0  }
0x16: {  	s3 =	sld [smem:$0x3FDB];
	s0 =	simm.s32 @p2 $0x1  }
0x17: {  	s4 =	simm.s32 $0x1BF5;
	[smem:$0x3FB5] =	sst s0  }
0x18: {  	s0 =	sld [smem:$0x3F98];
	_ =	swait.ge [sflag:s4], $0x0  }
0x19: {  	s7 =	sld [smem:$0x3F99]  }
0x1a: {  	s8 =	sadd.s32 $0xFFFFE003, lr  }
0x1b: {  	s9 =	sadd.s32 $0xFFFFFEF7, lr;
	s5 =	simm.s32 $0xFFFFFFFF;
	p2 =	slt.u32 s8, $0xFFFFF086  }
0x1c: {  	p1 =	slt.u32 s9, $0xF7A;
	s5 =	simm.s32 @!p2 $0x0  }
0x1d: {  	s5 =	simm.s32 @p1 $0x1;
	p0 =	seq.s32 s7, s2  }
0x1e: {  	s7 =	smul.u32 @!p0 $0xF7A, s2;
	p2 =	seq.s32 @!p0 s5, $0x0  }
0x1f: {  	s9 =	smul.u32 $0xF7A, s1;
	s8 =	simm.s32 @!p0 $0x1BF5;
	p2 =	por !p2, p0  }
0x20: {  	[sflag:s8] =	ssyncset.s32 @!p0 $0xFFFFF086;
	s6 =	sadd.s32 @!p0 s3, s7;
	s7 =	simm.s32 @!p0 $0x108  }
0x21: {  	s3 =	sadd.s32 s3, s9;
	s6 =	sadd.s32 @!p0 $0x88, s6;
	s7 =	simm.s32 @p2 $0x1082  }
0x22: {  	[simem:s7], [sflag:s8] =	dma.local @!p0 [hbm:s6], $0xF7A  }
0x23: {  	s9 =	sor.u32 $0xD0000000, s2;
	s6 =	simm.s32 $0x108;
	_ =	swait.ge @!p0 [sflag:s8], $0x0  }
0x24: {  	s3 =	sadd.s32 $0x88, s3;
	s6 =	simm.s32 @!p1 $0x1082;
	[sflag:s4] =	ssyncset.s32 $0xFFFFF086  }
0x25: {  	[simem:s6], [sflag:s4] =	dma.local [hbm:s3], $0xF7A  }
0x26: {  	[smem:$0x3F99] =	sst s1;
	(tag) =	ssettag s2;
	_ =	strace s9  }
0x27: {  	s1 =	sld [smem:$0x3FA9]  }
0x28: {  	s2 =	sld [smem:$0x3FAA]  }
0x29: {  	s4 =	sld [smem:$0x3FAC]  }
0x2a: {  	p0 =	seq.s32 s5, $0x0;
	s5 =	sld [smem:$0x3FAD]  }
0x2b: {  	s6 =	sld [smem:$0x3FAE]  }
0x2c: {  	s7 =	sld [smem:$0x3FAF]  }
0x2d: {  	s3 =	simm.s32 $0x108;
	s8 =	sld [smem:$0x3FB0]  }
0x2e: {  	s3 =	simm.s32 @!p0 $0x1082;
	s9 =	sld [smem:$0x3FB1]  }
0x2f: {  	lr =	sadd.s32 s0, s3;
	s0 =	sld [smem:$0x3FA8]  }
0x30: {  	s3 =	sld [smem:$0x3FAB]  }
0x31: {  	[smem:$0x3FB4] =	sst s10  }
0x32: {  	s10 =	sld [smem:$0x3FB2];
	_ =	sdelay $0x3  }
0x33: {  	p0 =	seq.s32 s10, $0x1;
	s10 =	sld [smem:$0x3FB4];
	_ =	sdelay $0x3  }
0x34: {  	[smem:$0x3FB4] =	sst s10  }
0x35: {  	s10 =	sld [smem:$0x3FB3];
	_ =	sdelay $0x3  }
0x36: {  	p1 =	seq.s32 s10, $0x1;
	s10 =	sld [smem:$0x3FB4];
	_ =	sdelay $0x3  }
0x37: {  	[smem:$0x3FB4] =	sst s10  }
0x38: {  	s10 =	sld [smem:$0x3FB5]  }
0x39: {  	_ = 	snop;
	(pc) =	sbr.ind lr, $3  }
0x3a: {  	_ = 	snop  }
0x3b: {  	_ = 	snop  }
0x3c: {  	p2 =	seq.s32 s10, $0x1;
	s10 =	sld [smem:$0x3FB4]  }
0x3d: {  	_ =	shalt  }
0x3e: {  	_ =	shalt  }
0x3f: {  	_ =	shalt  }
0x40: {  	_ =	shalt  }
0x41: {  	_ =	shalt  }
0x42: {  	_ =	shalt  }
0x43: {  	_ =	shalt  }
0x44: {  	_ =	shalt  }
0x45: {  	_ =	shalt  }
0x46: {  	_ =	shalt  }
0x47: {  	_ =	shalt  }
0x48: {  	_ =	shalt  }
0x49: {  	_ =	shalt  }
0x4a: {  	_ =	shalt  }
0x4b: {  	_ =	shalt  }
0x4c: {  	_ =	shalt  }
0x4d: {  	_ =	shalt  }
0x4e: {  	_ =	shalt  }
0x4f: {  	_ =	shalt  }
0x50: {  	_ =	shalt  }
0x51: {  	_ =	shalt  }
0x52: {  	_ =	shalt  }
0x53: {  	_ =	shalt  }
0x54: {  	_ =	shalt  }
0x55: {  	_ =	shalt  }
0x56: {  	_ =	shalt  }
0x57: {  	_ =	shalt  }
0x58: {  	_ =	shalt  }
0x59: {  	_ =	shalt  }
0x5a: {  	_ =	shalt  }
0x5b: {  	_ =	shalt  }
0x5c: {  	_ =	shalt  }
0x5d: {  	_ =	shalt  }
0x5e: {  	_ =	shalt  }
0x5f: {  	_ =	shalt  }
0x60: {  	_ =	shalt  }
0x61: {  	_ =	shalt  }
0x62: {  	_ =	shalt  }
0x63: {  	_ =	shalt  }
0x64: {  	_ =	shalt  }
0x65: {  	_ =	shalt  }
0x66: {  	_ =	shalt  }
0x67: {  	_ =	shalt  }
0x68: {  	_ =	shalt  }
0x69: {  	_ =	shalt  }
0x6a: {  	_ =	shalt  }
0x6b: {  	_ =	shalt  }
0x6c: {  	_ =	shalt  }
0x6d: {  	_ =	shalt  }
0x6e: {  	_ =	shalt  }
0x6f: {  	_ =	shalt  }
0x70: {  	_ =	shalt  }
0x71: {  	_ =	shalt  }
0x72: {  	_ =	shalt  }
0x73: {  	_ =	shalt  }
0x74: {  	_ =	shalt  }
0x75: {  	_ =	shalt  }
0x76: {  	_ =	shalt  }
0x77: {  	_ =	shalt  }
0x78: {  	_ =	shalt  }
0x79: {  	_ =	shalt  }
0x7a: {  	_ =	shalt  }
0x7b: {  	_ =	shalt  }
0x7c: {  	_ =	shalt  }
0x7d: {  	_ =	shalt  }
0x7e: {  	_ =	shalt  }
0x7f: {  	_ =	shalt  }
0x80: {  	_ =	shalt  }
0x81: {  	_ =	shalt  }
0x82: {  	_ =	shalt  }
0x83: {  	_ =	shalt  }
0x84: {  	_ =	shalt  }
0x85: {  	_ =	shalt  }
0x86: {  	_ =	shalt  }
0x87: {  	_ =	shalt  }
.Lfunc_end0:
.L_simem_size_0:
called_computation.1_lowered:
.L_overlay_start_0:
0x88: {  	s2 =	sld [smem:$0x3FD9]  }
0x89: {  	s3 =	sld [smem:$0x3FFE];
	_ =	sdelay $0x1  }
0x8a: {  	s1 =	srdreg.scid  }
0x8b: {  	s0 =	sand.u32 $0x1, s1  }
0x8c: {  	s16 =	sshll.u32 s0, $0xA;
	s2 =	sadd.s32 s3, s2  }
0x8d: {  	s2 =	sadd.s32 s2, s16  }
0x8e: {  	[smem:$0x3FC0] =	sst s2  }
0x8f: {  	_ = 	snop  }
0x90: {  	(tm) =	ssettm $0x1  }
0x91: {  	s17 =	sld [smem:$0x3FFB];
	_ =	sdelay $0x3  }
0x92: {  	_ =	strace s17  }
0x93: {  	s2 =	sld [smem:$0x3FFC];
	_ =	sdelay $0x3  }
0x94: {  	_ =	strace s2  }
0x95: {  	s2 =	sld [smem:$0x3FFD];
	_ =	sdelay $0x3  }
0x96: {  	_ =	strace s2  }
0x97: {  	_ =	strace $0x8FFFFFFF  }
0x98: {  	s18 =	sld [smem:$0x3FDB];
	_ =	sdelay $0x1  }
0x99: {  	s19 =	simm.s32 $_scs_section_size  }
0x9a: {  	s4 =	simm.s32 $_size__tile_overlayer_lowered;
	s5 =	simm.s32 $_tile_overlayer_lowered  }
0x9b: {  	s22 =	simm.s32 $0x1BFF;
	s21 =	sshll.u32 s5, $0x1;
	s2 =	sadd.s32 s19, s18  }
0x9c: {  	s6 =	simm.s32 $0x0;
	s20 =	sshll.u32 s4, $0x1;
	s4 =	sadd.s32 s21, s2  }
0x9d: {  	[timem:s6], [sflag:s22] =	dma.local [hbm:s4], s20  }
0x9e: {  	_ =	swait.ge [sflag:s22], s20  }
0x9f: {  	s3 =	ssub.s32 $0x0, s20;
	[sflag:s22] =	ssyncset.done $0x0  }
0xa0: {  	[sflag:s22] =	ssyncadd.s32 s3;
	_ =	sdelay $0x1  }
0xa1: {  	s23 =	simm.s32 $0x1B8B  }
0xa2: {  	_ =	swait.ge [sflag:s23], $0x1  }
0xa3: {  	[sflag:s23] =	ssyncset.done $0x0  }
0xa4: {  	s25 =	simm.s32 $0x1B8E;
	s24 =	sld [smem:$0x3FFE];
	[sflag:s23] =	ssyncadd.s32 $0xFFFFFFFF  }
0xa5: {  	s26 =	simm.s32 $execute0_lowered;
	[smem:$0x3FD2] =	sst s25  }
0xa6: {  	s4 =	sshll.u32 s26, $0x1;
	_ =	strace $0x80000049;
	[dreg:$0x1] =	wrdreg $0xFFFFFFFF  }
0xa7: {  	s28 =	simm.s32 $_size_execute0_lowered;
	s2 =	sadd.s32 s2, s4;
	[dreg:$0x0] =	wrdreg $0x0  }
0xa8: {  	s4 =	sshll.u32 s28, $0x1;
	[dreg:$0x2] =	wrdreg s2  }
0xa9: {  	[dreg:$0x3] =	wrdreg s4  }
0xaa: {  	[dreg:$0x4] =	wrdreg $0xC0  }
0xab: {  	_ =	task [dreg:s6], $0x5FFFF  }
0xac: {  	[dreg:$0x1] =	wrdreg $0xFFFFFFFF  }
0xad: {  	[dreg:$0x0] =	wrdreg $0x60  }
0xae: {  	[dreg:$0x2] =	wrdreg s24  }
0xaf: {  	[dreg:$0x3] =	wrdreg $0x0  }
0xb0: {  	[dreg:$0x4] =	wrdreg $0x9  }
0xb1: {  	_ =	task.clear_ibuf [dreg:s6], $0x5FFFF;
	_ =	strace $0x90000049  }
0xb2: {  	s29 =	simm.s32 $0x9;
	_ =	strace $0x8000004B  }
0xb3: {  	_ =	swait.ge [sflag:s29], $0x1  }
0xb4: {  	[sflag:s29] =	ssyncadd.s32 $0xFFFFFFFF  }
0xb5: {  	_ =	strace $0x9000004B  }
0xb6: {  	_ =	sfence  }
0xb7: {  	s30 =	sld [smem:$0x0];
	_ =	sdelay $0x2  }
0xb8: {  	s31 =	sshll.u32 s1, $0xD;
	s1 =	sshrl.u32 s1, $0x2  }
0xb9: {  	s3 =	sand.u32 $0x4000, s31;
	s1 =	sadd.s32 s1, s30  }
0xba: {  	s0 =	sor.u32 s3, s0;
	s1 =	sshll.u32 s1, $0x11  }
0xbb: {  	s0 =	sor.u32 s1, s0  }
0xbc: {  	s0 =	sadd.s32 $0x8F2B, s0  }
0xbd: {  	[sflag:s0] =	ssyncadd.remote.s32 $0x1  }
0xbe: {  	_ =	sfence.sel $0xFFFF  }
0xbf: {  	[dreg:$0x0] =	wrdreg $0xFFFFFFFF;
	(pc) =	sbr.abs _section_cstart, $3  }
0xc0: {  	[dreg:$0x1] =	wrdreg $0xFFFFFFFF  }
0xc1: {  	_ =	task.clear_ibuf [dreg:s6], $0x2FFFF;
	_ =	strace $0x9FFFFFFF  }
0xc2: {  	(tm) =	ssettm $0x7FFFFFFF  }
0xc3: {  	_ =	shalt  }
tec
execute0_lowered:
.L_overlay_start_1:
0x0: {  	(tag) =	ssettag $0x1  }
0x1: {  	s0 =	srdreg.scid;
	s5 =	rddreg [dreg:$0x0]  }
0x2: {  	s8 =	stileid.u32;
	s2 =	rddreg [dreg:$0x1];
	s3 =	simm.s32 $0x0  }
0x3: {  	s17 =	simm.s32 $0x14000;
	s18 =	simm.s32 $0x5;
	s19 =	simm.s32 $0x16710  }
0x4: {  	s20 =	simm.s32 $0x18E20;
	s21 =	simm.s32 $0x50;
	s22 =	simm.s32 $0x1  }
0x5: {  	s24 =	simm.s32 $0x1B620;
	s25 =	simm.s32 $0x2;
	s28 =	simm.s32 $0x4  }
0x6: {  	s30 =	simm.s32 $0x166C0;
	s31 =	simm.s32 $0x18DD0;
	s0 =	sand.u32 $0x1, s0  }
0x7: {  	s7 =	smul.u32 $0x14000, s8;
	[smem:$0x7FF] =	sst s3;
	s1 =	sshll.u32 s0, $0x4  }
0x8: {  	s4 =	smul.u32 $0x140000, s0;
	_ =	strace $0x8000004A;
	s0 =	ssub.s32 $0x2, s0  }
0x9: {  	s1 =	sor.u32 s8, s1;
	s8 =	smul.u32 $0x50000, s8;
	s26 =	sshrl.u32 s0, $0x1  }
0xa: {  	s1 =	smul.u32 $0x2710, s1;
	s4 =	sadd.s32 s7, s4;
	s0 =	ssub.s32 s0, s26  }
0xb: {  	s7 =	sadd.s32 s7, s2;
	s26 =	simm.s32 $0x3;
	s6 =	sshrl.u32 s4, $0x3  }
0xc: {  	s4 =	sadd.s32 $0x16A00, s5;
	s8 =	sshrl.u32 s8, $0x2;
	s16 =	smax.u32 s0, $0x1  }
0xd: {  	s1 =	sshrl.u32 s1, $0x3;
	s15 =	sadd.s32 s6, s5;
	s29 =	sadd.s32 s8, s2  }
0xe: {  	s1 =	sadd.s32 s1, s5;
	s8 =	sadd.s32 $0x2800, s29;
	s9 =	sadd.s32 $0x5000, s29  }
0xf: {  	s10 =	sadd.s32 $0x7800, s29;
	s11 =	sadd.s32 $0xA000, s29;
	s12 =	sadd.s32 $0xC800, s29  }
0x10: {  	s13 =	sadd.s32 $0xF000, s29;
	s14 =	sadd.s32 $0x11800, s29;
	s15 =	sadd.s32 $0x3DC00, s15  }
0x11: {  	v0 =	vimm.f32 $0.0e+00;
	s5 =	sadd.s32 $0x3000, s1;
	s6 =	sadd.s32 $0xCC40, s1;
	s1 =	simm.s32 $0x0  }
.LBB2_1:
0x12: {  	[tilespmem:s17], [sflag:$0x5] =	stream.linear.gather [hbm4b:s5+s3], $0x2710, $0x38;
	[tilespmem:$0x1DE20] =	vst v63  }
0x13: {  	_ =	swait.ge [sflag:s18], $0x2710  }
0x14: {  	[sflag:s18] =	ssyncset.done $0x0  }
0x15: {  	[sflag:s18] =	ssyncadd.s32 $0xFFFFD8F0  }
0x16: {  	[tilespmem:s19], [sflag:$0x5] =	stream.linear.gather [hbm4b:s6+s3], $0x2710, $0x38;
	[tilespmem:$0x1DE20] =	vst v63  }
0x17: {  	_ =	swait.ge [sflag:s18], $0x2710  }
0x18: {  	[sflag:s18] =	ssyncset.done $0x0  }
0x19: {  	s0 =	simm.s32 $0x18F20;
	[sflag:s18] =	ssyncadd.s32 $0xFFFFD8F0  }
0x1a: {  	[tilespmem:s0+$0xFFFFFF00] =	vst v0  }
0x1b: {  	[tilespmem:s0+$0xF0] =	vst v0  }
0x1c: {  	[tilespmem:s0+$0xE0] =	vst v0  }
0x1d: {  	[tilespmem:s0+$0xD0] =	vst v0  }
0x1e: {  	[tilespmem:s0+$0xC0] =	vst v0  }
0x1f: {  	[tilespmem:s0+$0xB0] =	vst v0  }
0x20: {  	[tilespmem:s0+$0xA0] =	vst v0  }
0x21: {  	[tilespmem:s0+$0x90] =	vst v0  }
0x22: {  	[tilespmem:s0+$0x80] =	vst v0  }
0x23: {  	[tilespmem:s0+$0x70] =	vst v0  }
0x24: {  	[tilespmem:s0+$0x60] =	vst v0  }
0x25: {  	[tilespmem:s0+$0x50] =	vst v0  }
0x26: {  	[tilespmem:s0+$0x40] =	vst v0  }
0x27: {  	[tilespmem:s0+$0x30] =	vst v0  }
0x28: {  	[tilespmem:s0+$0x20] =	vst v0  }
0x29: {  	[tilespmem:s0+$0x10] =	vst v0  }
0x2a: {  	[tilespmem:s0+$0x0] =	vst v0  }
0x2b: {  	[tilespmem:s0+$0xFFFFFFF0] =	vst v0  }
0x2c: {  	[tilespmem:s0+$0xFFFFFFE0] =	vst v0  }
0x2d: {  	[tilespmem:s0+$0xFFFFFFD0] =	vst v0  }
0x2e: {  	[tilespmem:s0+$0xFFFFFFC0] =	vst v0  }
0x2f: {  	[tilespmem:s0+$0xFFFFFFB0] =	vst v0  }
0x30: {  	[tilespmem:s0+$0xFFFFFFA0] =	vst v0  }
0x31: {  	[tilespmem:s0+$0xFFFFFF90] =	vst v0  }
0x32: {  	[tilespmem:s0+$0xFFFFFF80] =	vst v0  }
0x33: {  	[tilespmem:s0+$0xFFFFFF70] =	vst v0  }
0x34: {  	[tilespmem:s0+$0xFFFFFF60] =	vst v0  }
0x35: {  	[tilespmem:s0+$0xFFFFFF50] =	vst v0  }
0x36: {  	[tilespmem:s0+$0xFFFFFF40] =	vst v0  }
0x37: {  	[tilespmem:s0+$0xFFFFFF30] =	vst v0  }
0x38: {  	s23 =	simm.s32 $0x0;
	[tilespmem:s0+$0xFFFFFF20] =	vst v0  }
.LBB2_2:
0x39: {  	s23 =	sadd.s32 $0x4, s23;
	[tilespmem:s0+$0xFFFFFF10] =	vst v0;
	s0 =	sadd.s32 $0x200, s0  }
0x3a: {  	[tilespmem:s0+$0xFFFFFF00] =	vst v0;
	p0 =	slt.u32 s23, $0x4C  }
0x3b: {  	[tilespmem:s0+$0xF0] =	vst v0  }
0x3c: {  	[tilespmem:s0+$0xE0] =	vst v0  }
0x3d: {  	[tilespmem:s0+$0xD0] =	vst v0  }
0x3e: {  	[tilespmem:s0+$0xC0] =	vst v0  }
0x3f: {  	[tilespmem:s0+$0xB0] =	vst v0  }
0x40: {  	[tilespmem:s0+$0xA0] =	vst v0  }
0x41: {  	[tilespmem:s0+$0x90] =	vst v0  }
0x42: {  	[tilespmem:s0+$0x80] =	vst v0  }
0x43: {  	[tilespmem:s0+$0x70] =	vst v0  }
0x44: {  	[tilespmem:s0+$0x60] =	vst v0  }
0x45: {  	[tilespmem:s0+$0x50] =	vst v0  }
0x46: {  	[tilespmem:s0+$0x40] =	vst v0  }
0x47: {  	[tilespmem:s0+$0x30] =	vst v0  }
0x48: {  	[tilespmem:s0+$0x20] =	vst v0  }
0x49: {  	[tilespmem:s0+$0x10] =	vst v0  }
0x4a: {  	[tilespmem:s0+$0x0] =	vst v0  }
0x4b: {  	[tilespmem:s0+$0xFFFFFFF0] =	vst v0  }
0x4c: {  	[tilespmem:s0+$0xFFFFFFE0] =	vst v0  }
0x4d: {  	[tilespmem:s0+$0xFFFFFFD0] =	vst v0  }
0x4e: {  	[tilespmem:s0+$0xFFFFFFC0] =	vst v0  }
0x4f: {  	[tilespmem:s0+$0xFFFFFFB0] =	vst v0  }
0x50: {  	[tilespmem:s0+$0xFFFFFFA0] =	vst v0  }
0x51: {  	[tilespmem:s0+$0xFFFFFF90] =	vst v0  }
0x52: {  	[tilespmem:s0+$0xFFFFFF80] =	vst v0  }
0x53: {  	[tilespmem:s0+$0xFFFFFF70] =	vst v0  }
.Ltmp0:
0x54: {  	[tilespmem:s0+$0xFFFFFF60] =	vst v0;
	(pc) =	sbr.rel @p0 .LBB2_2-.Ltmp0, $4  }
0x55: {  	[tilespmem:s0+$0xFFFFFF50] =	vst v0  }
0x56: {  	[tilespmem:s0+$0xFFFFFF40] =	vst v0  }
0x57: {  	[tilespmem:s0+$0xFFFFFF30] =	vst v0  }
0x58: {  	[tilespmem:s0+$0xFFFFFF20] =	vst v0  }
0x59: {  	[tilespmem:s0+$0xFFFFFF10] =	vst v0  }
0x5a: {  	[spmem:s7] =	stream.linear.scatter [tilespmem:s20], [sflag:$0x5], $0x2800, $0x38;
	[tilespmem:$0x1DE20] =	vst v63  }
0x5b: {  	_ =	swait.ge [sflag:s18], $0x2800  }
0x5c: {  	[sflag:s18] =	ssyncset.done $0x0  }
0x5d: {  	[sflag:s18] =	ssyncadd.s32 $0xFFFFD800  }
0x5e: {  	[spmem:s8] =	stream.linear.scatter [tilespmem:s20], [sflag:$0x5], $0x2800, $0x38;
	[tilespmem:$0x1DE20] =	vst v63  }
0x5f: {  	_ =	swait.ge [sflag:s18], $0x2800  }
0x60: {  	[sflag:s18] =	ssyncset.done $0x0  }
0x61: {  	[sflag:s18] =	ssyncadd.s32 $0xFFFFD800  }
0x62: {  	[spmem:s9] =	stream.linear.scatter [tilespmem:s20], [sflag:$0x5], $0x2800, $0x38;
	[tilespmem:$0x1DE20] =	vst v63  }
0x63: {  	_ =	swait.ge [sflag:s18], $0x2800  }
0x64: {  	[sflag:s18] =	ssyncset.done $0x0  }
0x65: {  	[sflag:s18] =	ssyncadd.s32 $0xFFFFD800  }
0x66: {  	[spmem:s10] =	stream.linear.scatter [tilespmem:s20], [sflag:$0x5], $0x2800, $0x38;
	[tilespmem:$0x1DE20] =	vst v63  }
0x67: {  	_ =	swait.ge [sflag:s18], $0x2800  }
0x68: {  	[sflag:s18] =	ssyncset.done $0x0  }
0x69: {  	[sflag:s18] =	ssyncadd.s32 $0xFFFFD800  }
0x6a: {  	[spmem:s11] =	stream.linear.scatter [tilespmem:s20], [sflag:$0x5], $0x2800, $0x38;
	[tilespmem:$0x1DE20] =	vst v63  }
0x6b: {  	_ =	swait.ge [sflag:s18], $0x2800  }
0x6c: {  	[sflag:s18] =	ssyncset.done $0x0  }
0x6d: {  	[sflag:s18] =	ssyncadd.s32 $0xFFFFD800  }
0x6e: {  	[spmem:s12] =	stream.linear.scatter [tilespmem:s20], [sflag:$0x5], $0x2800, $0x38;
	[tilespmem:$0x1DE20] =	vst v63  }
0x6f: {  	_ =	swait.ge [sflag:s18], $0x2800  }
0x70: {  	[sflag:s18] =	ssyncset.done $0x0  }
0x71: {  	[sflag:s18] =	ssyncadd.s32 $0xFFFFD800  }
0x72: {  	[spmem:s13] =	stream.linear.scatter [tilespmem:s20], [sflag:$0x5], $0x2800, $0x38;
	[tilespmem:$0x1DE20] =	vst v63  }
0x73: {  	_ =	swait.ge [sflag:s18], $0x2800  }
0x74: {  	[sflag:s18] =	ssyncset.done $0x0  }
0x75: {  	[sflag:s18] =	ssyncadd.s32 $0xFFFFD800  }
0x76: {  	[spmem:s14] =	stream.linear.scatter [tilespmem:s20], [sflag:$0x5], $0x2800, $0x38;
	[tilespmem:$0x1DE20] =	vst v63  }
0x77: {  	_ =	swait.ge [sflag:s18], $0x2800  }
0x78: {  	[sflag:s18] =	ssyncset.done $0x0  }
0x79: {  	[sflag:s18] =	ssyncadd.s32 $0xFFFFD800  }
0x7a: {  	[bflag:$0x0] =	sbarrier.arrive $0xFFFF  }
0x7b: {  	[tilespmem:s20], [sflag:$0x1] =	stream.indirect.gather [hbm4b:s4+s21], $0x80, s17, s21, $0xb8;
	[tilespmem:$0x1DE20] =	vst v63  }
0x7c: {  	_ =	swait.ge [sflag:s22], $0x2800  }
0x7d: {  	[sflag:s22] =	ssyncset.done $0x0  }
0x7e: {  	[sflag:s22] =	ssyncadd.s32 $0xFFFFD800  }
0x7f: {  	[spmem:s2] =	stream.indirect.scatter.add.f32 [tilespmem:s20], [sflag:$0x3], $0x80, s19, s21, $0xb8;
	[tilespmem:$0x1DE20] =	vst v63  }
0x80: {  	s23 =	simm.s32 $0x14050  }
0x81: {  	[tilespmem:s24], [sflag:$0x2] =	stream.indirect.gather [hbm4b:s4+s21], $0x80, s23, s21, $0xb8;
	[tilespmem:$0x1DE20] =	vst v63  }
0x82: {  	_ =	swait.ge [sflag:s25], $0x2800  }
0x83: {  	[sflag:s25] =	ssyncset.done $0x0  }
0x84: {  	s29 =	simm.s32 $0x16760;
	[sflag:s25] =	ssyncadd.s32 $0xFFFFD800  }
0x85: {  	[spmem:s2] =	stream.indirect.scatter.add.f32 [tilespmem:s24], [sflag:$0x4], $0x80, s29, s21, $0xb8;
	[tilespmem:$0x1DE20] =	vst v63  }
0x86: {  	_ =	swait.ge [sflag:s26], $0x2800  }
0x87: {  	[sflag:s26] =	ssyncset.done $0x0  }
0x88: {  	s23 =	simm.s32 $0x140A0;
	[sflag:s26] =	ssyncadd.s32 $0xFFFFD800  }
0x89: {  	[tilespmem:s20], [sflag:$0x1] =	stream.indirect.gather [hbm4b:s4+s21], $0x80, s23, s21, $0xb8;
	[tilespmem:$0x1DE20] =	vst v63  }
0x8a: {  	_ =	swait.ge [sflag:s22], $0x2800  }
0x8b: {  	[sflag:s22] =	ssyncset.done $0x0  }
0x8c: {  	s29 =	simm.s32 $0x167B0;
	[sflag:s22] =	ssyncadd.s32 $0xFFFFD800  }
0x8d: {  	[spmem:s2] =	stream.indirect.scatter.add.f32 [tilespmem:s20], [sflag:$0x3], $0x80, s29, s21, $0xb8;
	[tilespmem:$0x1DE20] =	vst v63  }
0x8e: {  	_ =	swait.ge [sflag:s28], $0x2800  }
0x8f: {  	[sflag:s28] =	ssyncset.done $0x0  }
0x90: {  	s0 =	simm.s32 $0xFFFF6A00;
	s23 =	simm.s32 $0x140F0;
	[sflag:s28] =	ssyncadd.s32 $0xFFFFD800  }
.LBB2_4:
0x91: {  	[tilespmem:s24], [sflag:$0x2] =	stream.indirect.gather [hbm4b:s4+s21], $0x80, s23, s21, $0xb8;
	[tilespmem:$0x1DE20] =	vst v63  }
0x92: {  	s23 =	smov.u32 s0  }
0x93: {  	p0 =	sne.s32 s0, $0xFFFFFD80;
	s0 =	sadd.s32 $0x280, s0;
	_ =	swait.ge [sflag:s25], $0x2800  }
0x94: {  	s23 =	sshra.s32 s23, $0x2;
	[sflag:s25] =	ssyncset.done $0x0  }
0x95: {  	s29 =	sadd.s32 $0x18D80, s23;
	[sflag:s25] =	ssyncadd.s32 $0xFFFFD800  }
0x96: {  	[spmem:s2] =	stream.indirect.scatter.add.f32 [tilespmem:s24], [sflag:$0x4], $0x80, s29, s21, $0xb8;
	[tilespmem:$0x1DE20] =	vst v63  }
0x97: {  	_ =	swait.ge [sflag:s26], $0x2800  }
0x98: {  	[sflag:s26] =	ssyncset.done $0x0  }
0x99: {  	s29 =	sadd.s32 $0x166C0, s23;
	[sflag:s26] =	ssyncadd.s32 $0xFFFFD800  }
0x9a: {  	[tilespmem:s20], [sflag:$0x1] =	stream.indirect.gather [hbm4b:s4+s21], $0x80, s29, s21, $0xb8;
	[tilespmem:$0x1DE20] =	vst v63  }
0x9b: {  	_ =	swait.ge [sflag:s22], $0x2800  }
0x9c: {  	[sflag:s22] =	ssyncset.done $0x0  }
.Ltmp1:
0x9d: {  	s29 =	sadd.s32 $0x18DD0, s23;
	[sflag:s22] =	ssyncadd.s32 $0xFFFFD800;
	(pc) =	sbr.rel @p0 .LBB2_4-.Ltmp1, $4  }
0x9e: {  	[spmem:s2] =	stream.indirect.scatter.add.f32 [tilespmem:s20], [sflag:$0x3], $0x80, s29, s21, $0xb8;
	[tilespmem:$0x1DE20] =	vst v63  }
0x9f: {  	_ =	swait.ge [sflag:s28], $0x2800  }
0xa0: {  	[sflag:s28] =	ssyncset.done $0x0  }
0xa1: {  	s23 =	sadd.s32 $0x16710, s23;
	[sflag:s28] =	ssyncadd.s32 $0xFFFFD800  }
0xa2: {  	[tilespmem:s24], [sflag:$0x2] =	stream.indirect.gather [hbm4b:s4+s21], $0x80, s23, s21, $0xb8;
	[tilespmem:$0x1DE20] =	vst v63  }
0xa3: {  	_ =	swait.ge [sflag:s25], $0x2800  }
0xa4: {  	[sflag:s25] =	ssyncset.done $0x0  }
0xa5: {  	s0 =	simm.s32 $0x18D80;
	[sflag:s25] =	ssyncadd.s32 $0xFFFFD800  }
0xa6: {  	[spmem:s2] =	stream.indirect.scatter.add.f32 [tilespmem:s24], [sflag:$0x4], $0x80, s0, s21, $0xb8;
	[tilespmem:$0x1DE20] =	vst v63  }
0xa7: {  	_ =	swait.ge [sflag:s26], $0x2800  }
0xa8: {  	[sflag:s26] =	ssyncset.done $0x0  }
0xa9: {  	[sflag:s26] =	ssyncadd.s32 $0xFFFFD800  }
0xaa: {  	[tilespmem:s20], [sflag:$0x1] =	stream.indirect.gather [hbm4b:s4+s21], $0x80, s30, s21, $0xb8;
	[tilespmem:$0x1DE20] =	vst v63  }
0xab: {  	_ =	swait.ge [sflag:s22], $0x2800  }
0xac: {  	[sflag:s22] =	ssyncset.done $0x0  }
0xad: {  	[sflag:s22] =	ssyncadd.s32 $0xFFFFD800  }
0xae: {  	[spmem:s2] =	stream.indirect.scatter.add.f32 [tilespmem:s20], [sflag:$0x3], $0x80, s31, s21, $0xb8;
	[tilespmem:$0x1DE20] =	vst v63  }
0xaf: {  	_ =	swait.ge [sflag:s28], $0x2800  }
0xb0: {  	[sflag:s28] =	ssyncset.done $0x0  }
0xb1: {  	[sflag:s28] =	ssyncadd.s32 $0xFFFFD800  }
0xb2: {  	s23 =	stileid.u32;
	_ =	swait.ge [sflag:s26], $0x2800  }
0xb3: {  	s29 =	sshrl.u32 s7, $0x3;
	s1 =	sadd.s32 $0x1, s1;
	[sflag:s26] =	ssyncset.done $0x0  }
0xb4: {  	p0 =	sne.s32 s1, s16;
	s0 =	sshll.u32 s23, $0x6;
	[sflag:s26] =	ssyncadd.s32 $0xFFFFD800  }
.Ltmp2:
0xb5: {  	s0 =	sor.u32 $0x1C05, s0;
	[bflag:$0x0] =	sbarrier.arrive $0xFFFF;
	(pc) =	sbr.rel @p0 .LBB2_1-.Ltmp2, $4  }
0xb6: {  	[hbm:s15], [sflag:s0] =	dma.local [spmem:s29], $0x2800  }
0xb7: {  	_ =	swait.ge [sflag:s18], $0x2800  }
0xb8: {  	[sflag:s18] =	ssyncset.done $0x0  }
0xb9: {  	[sflag:s18] =	ssyncadd.s32 $0xFFFFD800  }
0xba: {  	_ =	sfence.sel $0x180000  }
0xbb: {  	[bflag:$0x0] =	sbarrier.arrive $0xFFFF  }
0xbc: {  	_ =	strace $0x9000004A  }
0xbd: {  	s0 =	stileid.u32;
	[bflag:$0x2] =	sbarrier.arrive $0xFFFF  }
0xbe: {  	p0 =	sne.s32 s0, $0x0;
	s0 =	rddreg [dreg:$0x2]  }
0xbf: {  	s0 =	sadd.s32 @!p0 $0x100000, s0  }
0xc0: {  	[sflag:s0] =	ssyncadd.tile.s32 @!p0 $0x1;
	_ =	shalt  }
.Lfunc_end2:
_tile_overlayer_lowered:
.L_overlay_start_2:
0xc1: {  	(tag) =	ssettag $0x2  }
0xc2: {  	s0 =	rddreg [dreg:$0x0];
	s2 =	stileid.u32  }
0xc3: {  	s1 =	rddreg [dreg:$0x1];
	p0 =	sne.s32 s2, $0x0  }
0xc4: {  	s3 =	rddreg [dreg:$0x2];
	[bflag:$0x3] =	sbarrier.arrive $0xFFFF;
	s2 =	simm.s32 @!p0 $0x1C05  }
0xc5: {  	[timem:s3], [sflag:s2] =	dma.local @!p0 [hbm:s0], s1  }
0xc6: {  	s0 =	simm.s32 @!p0 $0x5  }
0xc7: {  	_ =	swait.ge @!p0 [sflag:s0], s1  }
0xc8: {  	s1 =	ssub.s32 @!p0 $0x0, s1;
	[sflag:s0] =	ssyncset.done @!p0 $0x0  }
0xc9: {  	[sflag:s0] =	ssyncadd.s32 @!p0 s1  }
0xca: {  	[bflag:$0x3] =	sbarrier.arrive $0xFFFF  }
0xcb: {  	_ =	shalt  }

// kernel: kernel.14.cloned.1.call-start
scs
__scs_entry_jumppad:
0x0: {  	(pc) =	sbr.rel $0x88, $3  }
0x1: {  	(tag) =	ssettag $0x0;
	lr =	simm.s32 $0x1  }
0x2: {  	[smem:$0x3F99] =	sst lr;
	_ =	strace $0xD0000000  }
0x3: {  	_ = 	snop  }
0x4: {  	_ = 	snop  }
0x5: {  	_ = 	snop  }
0x6: {  	_ = 	snop  }
0x7: {  	_ = 	snop  }
__scs_overlays_trampoline_lowered:
0x8: {  	[smem:$0x3FA8] =	sst s0  }
0x9: {  	[smem:$0x3FA9] =	sst s1  }
0xa: {  	[smem:$0x3FAA] =	sst s2  }
0xb: {  	[smem:$0x3FAB] =	sst s3  }
0xc: {  	[smem:$0x3FAC] =	sst s4  }
0xd: {  	[smem:$0x3FAD] =	sst s5  }
0xe: {  	[smem:$0x3FAE] =	sst s6  }
0xf: {  	[smem:$0x3FAF] =	sst s7  }
0x10: {  	[smem:$0x3FB0] =	sst s8  }
0x11: {  	[smem:$0x3FB1] =	sst s9;
	s0 =	simm.s32 @!p0 $0x0  }
0x12: {  	s1 =	sld [smem:$0x3F97];
	s0 =	simm.s32 @p0 $0x1  }
0x13: {  	[smem:$0x3FB2] =	sst s0;
	s0 =	simm.s32 @!p1 $0x0  }
0x14: {  	s2 =	sld [smem:$0x3F96];
	s0 =	simm.s32 @p1 $0x1  }
0x15: {  	[smem:$0x3FB3] =	sst s0;
	s0 =	simm.s32 @!p2 $0x0  }
0x16: {  	s3 =	sld [smem:$0x3FDB];
	s0 =	simm.s32 @p2 $0x1  }
0x17: {  	s4 =	simm.s32 $0x1BF5;
	[smem:$0x3FB5] =	sst s0  }
0x18: {  	s0 =	sld [smem:$0x3F98];
	_ =	swait.ge [sflag:s4], $0x0  }
0x19: {  	s7 =	sld [smem:$0x3F99]  }
0x1a: {  	s8 =	sadd.s32 $0xFFFFE003, lr  }
0x1b: {  	s9 =	sadd.s32 $0xFFFFFEF7, lr;
	s5 =	simm.s32 $0xFFFFFFFF;
	p2 =	slt.u32 s8, $0xFFFFF086  }
0x1c: {  	p1 =	slt.u32 s9, $0xF7A;
	s5 =	simm.s32 @!p2 $0x0  }
0x1d: {  	s5 =	simm.s32 @p1 $0x1;
	p0 =	seq.s32 s7, s2  }
0x1e: {  	s7 =	smul.u32 @!p0 $0xF7A, s2;
	p2 =	seq.s32 @!p0 s5, $0x0  }
0x1f: {  	s9 =	smul.u32 $0xF7A, s1;
	s8 =	simm.s32 @!p0 $0x1BF5;
	p2 =	por !p2, p0  }
0x20: {  	[sflag:s8] =	ssyncset.s32 @!p0 $0xFFFFF086;
	s6 =	sadd.s32 @!p0 s3, s7;
	s7 =	simm.s32 @!p0 $0x108  }
0x21: {  	s3 =	sadd.s32 s3, s9;
	s6 =	sadd.s32 @!p0 $0x88, s6;
	s7 =	simm.s32 @p2 $0x1082  }
0x22: {  	[simem:s7], [sflag:s8] =	dma.local @!p0 [hbm:s6], $0xF7A  }
0x23: {  	s9 =	sor.u32 $0xD0000000, s2;
	s6 =	simm.s32 $0x108;
	_ =	swait.ge @!p0 [sflag:s8], $0x0  }
0x24: {  	s3 =	sadd.s32 $0x88, s3;
	s6 =	simm.s32 @!p1 $0x1082;
	[sflag:s4] =	ssyncset.s32 $0xFFFFF086  }
0x25: {  	[simem:s6], [sflag:s4] =	dma.local [hbm:s3], $0xF7A  }
0x26: {  	[smem:$0x3F99] =	sst s1;
	(tag) =	ssettag s2;
	_ =	strace s9  }
0x27: {  	s1 =	sld [smem:$0x3FA9]  }
0x28: {  	s2 =	sld [smem:$0x3FAA]  }
0x29: {  	s4 =	sld [smem:$0x3FAC]  }
0x2a: {  	p0 =	seq.s32 s5, $0x0;
	s5 =	sld [smem:$0x3FAD]  }
0x2b: {  	s6 =	sld [smem:$0x3FAE]  }
0x2c: {  	s7 =	sld [smem:$0x3FAF]  }
0x2d: {  	s3 =	simm.s32 $0x108;
	s8 =	sld [smem:$0x3FB0]  }
0x2e: {  	s3 =	simm.s32 @!p0 $0x1082;
	s9 =	sld [smem:$0x3FB1]  }
0x2f: {  	lr =	sadd.s32 s0, s3;
	s0 =	sld [smem:$0x3FA8]  }
0x30: {  	s3 =	sld [smem:$0x3FAB]  }
0x31: {  	[smem:$0x3FB4] =	sst s10  }
0x32: {  	s10 =	sld [smem:$0x3FB2];
	_ =	sdelay $0x3  }
0x33: {  	p0 =	seq.s32 s10, $0x1;
	s10 =	sld [smem:$0x3FB4];
	_ =	sdelay $0x3  }
0x34: {  	[smem:$0x3FB4] =	sst s10  }
0x35: {  	s10 =	sld [smem:$0x3FB3];
	_ =	sdelay $0x3  }
0x36: {  	p1 =	seq.s32 s10, $0x1;
	s10 =	sld [smem:$0x3FB4];
	_ =	sdelay $0x3  }
0x37: {  	[smem:$0x3FB4] =	sst s10  }
0x38: {  	s10 =	sld [smem:$0x3FB5]  }
0x39: {  	_ = 	snop;
	(pc) =	sbr.ind lr, $3  }
0x3a: {  	_ = 	snop  }
0x3b: {  	_ = 	snop  }
0x3c: {  	p2 =	seq.s32 s10, $0x1;
	s10 =	sld [smem:$0x3FB4]  }
0x3d: {  	_ =	shalt  }
0x3e: {  	_ =	shalt  }
0x3f: {  	_ =	shalt  }
0x40: {  	_ =	shalt  }
0x41: {  	_ =	shalt  }
0x42: {  	_ =	shalt  }
0x43: {  	_ =	shalt  }
0x44: {  	_ =	shalt  }
0x45: {  	_ =	shalt  }
0x46: {  	_ =	shalt  }
0x47: {  	_ =	shalt  }
0x48: {  	_ =	shalt  }
0x49: {  	_ =	shalt  }
0x4a: {  	_ =	shalt  }
0x4b: {  	_ =	shalt  }
0x4c: {  	_ =	shalt  }
0x4d: {  	_ =	shalt  }
0x4e: {  	_ =	shalt  }
0x4f: {  	_ =	shalt  }
0x50: {  	_ =	shalt  }
0x51: {  	_ =	shalt  }
0x52: {  	_ =	shalt  }
0x53: {  	_ =	shalt  }
0x54: {  	_ =	shalt  }
0x55: {  	_ =	shalt  }
0x56: {  	_ =	shalt  }
0x57: {  	_ =	shalt  }
0x58: {  	_ =	shalt  }
0x59: {  	_ =	shalt  }
0x5a: {  	_ =	shalt  }
0x5b: {  	_ =	shalt  }
0x5c: {  	_ =	shalt  }
0x5d: {  	_ =	shalt  }
0x5e: {  	_ =	shalt  }
0x5f: {  	_ =	shalt  }
0x60: {  	_ =	shalt  }
0x61: {  	_ =	shalt  }
0x62: {  	_ =	shalt  }
0x63: {  	_ =	shalt  }
0x64: {  	_ =	shalt  }
0x65: {  	_ =	shalt  }
0x66: {  	_ =	shalt  }
0x67: {  	_ =	shalt  }
0x68: {  	_ =	shalt  }
0x69: {  	_ =	shalt  }
0x6a: {  	_ =	shalt  }
0x6b: {  	_ =	shalt  }
0x6c: {  	_ =	shalt  }
0x6d: {  	_ =	shalt  }
0x6e: {  	_ =	shalt  }
0x6f: {  	_ =	shalt  }
0x70: {  	_ =	shalt  }
0x71: {  	_ =	shalt  }
0x72: {  	_ =	shalt  }
0x73: {  	_ =	shalt  }
0x74: {  	_ =	shalt  }
0x75: {  	_ =	shalt  }
0x76: {  	_ =	shalt  }
0x77: {  	_ =	shalt  }
0x78: {  	_ =	shalt  }
0x79: {  	_ =	shalt  }
0x7a: {  	_ =	shalt  }
0x7b: {  	_ =	shalt  }
0x7c: {  	_ =	shalt  }
0x7d: {  	_ =	shalt  }
0x7e: {  	_ =	shalt  }
0x7f: {  	_ =	shalt  }
0x80: {  	_ =	shalt  }
0x81: {  	_ =	shalt  }
0x82: {  	_ =	shalt  }
0x83: {  	_ =	shalt  }
0x84: {  	_ =	shalt  }
0x85: {  	_ =	shalt  }
0x86: {  	_ =	shalt  }
0x87: {  	_ =	shalt  }
.Lfunc_end0:
.L_simem_size_0:
called_computation.2_lowered:
.L_overlay_start_0:
0x88: {  	s2 =	sld [smem:$0x3FD9]  }
0x89: {  	s3 =	sld [smem:$0x3FFE];
	_ =	sdelay $0x1  }
0x8a: {  	s1 =	srdreg.scid  }
0x8b: {  	s0 =	sand.u32 $0x1, s1  }
0x8c: {  	s16 =	sshll.u32 s0, $0xA;
	s2 =	sadd.s32 s3, s2  }
0x8d: {  	s2 =	sadd.s32 s2, s16  }
0x8e: {  	[smem:$0x3FC0] =	sst s2  }
0x8f: {  	_ = 	snop  }
0x90: {  	(tm) =	ssettm $0x1  }
0x91: {  	s17 =	sld [smem:$0x3FFB];
	_ =	sdelay $0x3  }
0x92: {  	_ =	strace s17  }
0x93: {  	s2 =	sld [smem:$0x3FFC];
	_ =	sdelay $0x3  }
0x94: {  	_ =	strace s2  }
0x95: {  	s2 =	sld [smem:$0x3FFD];
	_ =	sdelay $0x3  }
0x96: {  	_ =	strace s2  }
0x97: {  	_ =	strace $0x8FFFFFFF  }
0x98: {  	s18 =	sld [smem:$0x3FDB];
	_ =	sdelay $0x1  }
0x99: {  	s19 =	simm.s32 $_scs_section_size  }
0x9a: {  	s4 =	simm.s32 $_size__tile_overlayer_lowered;
	s5 =	simm.s32 $_tile_overlayer_lowered  }
0x9b: {  	s22 =	simm.s32 $0x1BFF;
	s21 =	sshll.u32 s5, $0x1;
	s2 =	sadd.s32 s19, s18  }
0x9c: {  	s6 =	simm.s32 $0x0;
	s20 =	sshll.u32 s4, $0x1;
	s4 =	sadd.s32 s21, s2  }
0x9d: {  	[timem:s6], [sflag:s22] =	dma.local [hbm:s4], s20  }
0x9e: {  	_ =	swait.ge [sflag:s22], s20  }
0x9f: {  	s3 =	ssub.s32 $0x0, s20;
	[sflag:s22] =	ssyncset.done $0x0  }
0xa0: {  	[sflag:s22] =	ssyncadd.s32 s3;
	_ =	sdelay $0x1  }
0xa1: {  	s23 =	simm.s32 $0x1B8B  }
0xa2: {  	_ =	swait.ge [sflag:s23], $0x1  }
0xa3: {  	[sflag:s23] =	ssyncset.done $0x0  }
0xa4: {  	s25 =	simm.s32 $0x1B8E;
	s24 =	sld [smem:$0x3FFE];
	[sflag:s23] =	ssyncadd.s32 $0xFFFFFFFF  }
0xa5: {  	s26 =	simm.s32 $execute0_lowered;
	[smem:$0x3FD2] =	sst s25  }
0xa6: {  	s4 =	sshll.u32 s26, $0x1;
	_ =	strace $0x8000004C;
	[dreg:$0x1] =	wrdreg $0xFFFFFFFF  }
0xa7: {  	s28 =	simm.s32 $_size_execute0_lowered;
	s2 =	sadd.s32 s2, s4;
	[dreg:$0x0] =	wrdreg $0x0  }
0xa8: {  	s4 =	sshll.u32 s28, $0x1;
	[dreg:$0x2] =	wrdreg s2  }
0xa9: {  	[dreg:$0x3] =	wrdreg s4  }
0xaa: {  	[dreg:$0x4] =	wrdreg $0xC0  }
0xab: {  	_ =	task [dreg:s6], $0x5FFFF  }
0xac: {  	[dreg:$0x1] =	wrdreg $0xFFFFFFFF  }
0xad: {  	[dreg:$0x0] =	wrdreg $0x60  }
0xae: {  	[dreg:$0x2] =	wrdreg s24  }
0xaf: {  	[dreg:$0x3] =	wrdreg $0x0  }
0xb0: {  	[dreg:$0x4] =	wrdreg $0x9  }
0xb1: {  	_ =	task.clear_ibuf [dreg:s6], $0x5FFFF;
	_ =	strace $0x9000004C  }
0xb2: {  	s29 =	simm.s32 $0x9;
	_ =	strace $0x8000004E  }
0xb3: {  	_ =	swait.ge [sflag:s29], $0x1  }
0xb4: {  	[sflag:s29] =	ssyncadd.s32 $0xFFFFFFFF  }
0xb5: {  	_ =	strace $0x9000004E  }
0xb6: {  	_ =	sfence  }
0xb7: {  	s30 =	sld [smem:$0x0];
	_ =	sdelay $0x2  }
0xb8: {  	s31 =	sshll.u32 s1, $0xD;
	s1 =	sshrl.u32 s1, $0x2  }
0xb9: {  	s3 =	sand.u32 $0x4000, s31;
	s1 =	sadd.s32 s1, s30  }
0xba: {  	s0 =	sor.u32 s3, s0;
	s1 =	sshll.u32 s1, $0x11  }
0xbb: {  	s0 =	sor.u32 s1, s0  }
0xbc: {  	s0 =	sadd.s32 $0x8F2B, s0  }
0xbd: {  	[sflag:s0] =	ssyncadd.remote.s32 $0x1  }
0xbe: {  	_ =	sfence.sel $0xFFFF  }
0xbf: {  	[dreg:$0x0] =	wrdreg $0xFFFFFFFF;
	(pc) =	sbr.abs _section_cstart, $3  }
0xc0: {  	[dreg:$0x1] =	wrdreg $0xFFFFFFFF  }
0xc1: {  	_ =	task.clear_ibuf [dreg:s6], $0x2FFFF;
	_ =	strace $0x9FFFFFFF  }
0xc2: {  	(tm) =	ssettm $0x7FFFFFFF  }
0xc3: {  	_ =	shalt  }
tec
execute0_lowered:
.L_overlay_start_1:
0x0: {  	(tag) =	ssettag $0x1  }
0x1: {  	s0 =	srdreg.scid;
	s5 =	rddreg [dreg:$0x0]  }
0x2: {  	s2 =	rddreg [dreg:$0x1];
	s3 =	simm.s32 $0x0;
	s11 =	simm.s32 $0x5  }
0x3: {  	s12 =	simm.s32 $0x4F10;
	s13 =	simm.s32 $0x7620;
	s14 =	simm.s32 $0x7D0  }
0x4: {  	s15 =	simm.s32 $0x1;
	s16 =	simm.s32 $0x2FD0;
	s17 =	simm.s32 $0xF320  }
0x5: {  	s18 =	simm.s32 $0x2;
	s19 =	simm.s32 $0x56E0;
	s20 =	simm.s32 $0x3  }
0x6: {  	s21 =	simm.s32 $0x37A0;
	s22 =	simm.s32 $0x5EB0;
	s23 =	simm.s32 $0x4  }
0x7: {  	s24 =	simm.s32 $0x3F70;
	s25 =	simm.s32 $0x6680;
	s26 =	simm.s32 $0x4740  }
0x8: {  	s28 =	simm.s32 $0x6E50;
	s4 =	sand.u32 $0x1, s0;
	s0 =	stileid.u32  }
0x9: {  	s29 =	simm.s32 $0x0;
	[smem:$0x7FF] =	sst s3;
	s7 =	smul.u32 $0x2800, s0  }
0xa: {  	s1 =	sshll.u32 s4, $0x4;
	s8 =	smul.u32 $0x28000, s4;
	s9 =	ssub.s32 $0x2, s4  }
0xb: {  	s4 =	sadd.s32 $0x16A00, s5;
	s1 =	sor.u32 s0, s1;
	s10 =	sshrl.u32 s9, $0x1  }
0xc: {  	s6 =	smul.u32 $0x2710, s1;
	s1 =	rddreg [dreg:$0x2];
	_ =	strace $0x8000004D  }
0xd: {  	s8 =	sadd.s32 s7, s8;
	s9 =	ssub.s32 s9, s10;
	s7 =	sadd.s32 s7, s2  }
0xe: {  	s10 =	simm.s32 $0x2800;
	s8 =	sshrl.u32 s8, $0x3;
	s6 =	sshrl.u32 s6, $0x3  }
0xf: {  	s9 =	smax.u32 s9, $0x1;
	s8 =	sadd.s32 s8, s5;
	s6 =	sadd.s32 s6, s5  }
0x10: {  	v0 =	vimm.f32 $0.0e+00;
	s8 =	sadd.s32 $0x1BA00, s8;
	s5 =	sadd.s32 $0xCC40, s6;
	s6 =	sadd.s32 $0x3000, s6  }
.LBB2_1:
0x11: {  	[tilespmem:s10], [sflag:$0x5] =	stream.linear.gather [hbm4b:s5+s3], $0x2710, $0x38;
	[tilespmem:$0x17020] =	vst v63  }
0x12: {  	_ =	swait.ge [sflag:s11], $0x2710  }
0x13: {  	[sflag:s11] =	ssyncset.done $0x0  }
0x14: {  	[sflag:s11] =	ssyncadd.s32 $0xFFFFD8F0  }
0x15: {  	[tilespmem:s12], [sflag:$0x5] =	stream.linear.gather [hbm4b:s6+s3], $0x2710, $0x38;
	[tilespmem:$0x17020] =	vst v63  }
0x16: {  	_ =	swait.ge [sflag:s11], $0x2710  }
0x17: {  	[sflag:s11] =	ssyncset.done $0x0  }
0x18: {  	s30 =	simm.s32 $0x7640;
	[sflag:s11] =	ssyncadd.s32 $0xFFFFD8F0  }
0x19: {  	[tilespmem:s30+$0xFFFFFFE0] =	vst v0  }
0x1a: {  	[tilespmem:s30+$0x10] =	vst v0  }
0x1b: {  	s31 =	simm.s32 $0x0;
	[tilespmem:s30+$0x0] =	vst v0  }
.LBB2_2:
0x1c: {  	s31 =	sadd.s32 $0x4, s31  }
0x1d: {  	[tilespmem:s30+$0xFFFFFFF0] =	vst v0;
	s30 =	sadd.s32 $0x40, s30;
	p0 =	slt.u32 s31, $0x27C  }
.Ltmp0:
0x1e: {  	[tilespmem:s30+$0xFFFFFFE0] =	vst v0;
	(pc) =	sbr.rel @p0 .LBB2_2-.Ltmp0, $3  }
0x1f: {  	_ =	sdelay $0x1  }
0x20: {  	[tilespmem:s30+$0x10] =	vst v0  }
0x21: {  	[tilespmem:s30+$0x0] =	vst v0  }
0x22: {  	[tilespmem:s30+$0xFFFFFFF0] =	vst v0  }
0x23: {  	[spmem:s7] =	stream.linear.scatter [tilespmem:s13], [sflag:$0x5], $0x2800, $0x38;
	[tilespmem:$0x17020] =	vst v63  }
0x24: {  	_ =	swait.ge [sflag:s11], $0x2800  }
0x25: {  	[sflag:s11] =	ssyncset.done $0x0  }
0x26: {  	[sflag:s11] =	ssyncadd.s32 $0xFFFFD800  }
0x27: {  	[bflag:$0x0] =	sbarrier.arrive $0xFFFF  }
0x28: {  	[tilespmem:s13], [sflag:$0x1] =	stream.indirect.gather [hbm4b:s4+s14], $0x10, s10, s14, $0xb8;
	[tilespmem:$0x17020] =	vst v63  }
0x29: {  	_ =	swait.ge [sflag:s15], $0x7D00  }
0x2a: {  	[sflag:s15] =	ssyncset.done $0x0  }
0x2b: {  	[sflag:s15] =	ssyncadd.s32 $0xFFFF8300  }
0x2c: {  	[spmem:s2] =	stream.indirect.scatter.add.f32 [tilespmem:s13], [sflag:$0x3], $0x10, s12, s14, $0xb8;
	[tilespmem:$0x17020] =	vst v63  }
0x2d: {  	_ = 	snop  }
0x2e: {  	[tilespmem:s17], [sflag:$0x2] =	stream.indirect.gather [hbm4b:s4+s14], $0x10, s16, s14, $0xb8;
	[tilespmem:$0x17020] =	vst v63  }
0x2f: {  	_ =	swait.ge [sflag:s18], $0x7D00  }
0x30: {  	[sflag:s18] =	ssyncset.done $0x0  }
0x31: {  	[sflag:s18] =	ssyncadd.s32 $0xFFFF8300  }
0x32: {  	[spmem:s2] =	stream.indirect.scatter.add.f32 [tilespmem:s17], [sflag:$0x4], $0x10, s19, s14, $0xb8;
	[tilespmem:$0x17020] =	vst v63  }
0x33: {  	_ =	swait.ge [sflag:s20], $0x7D00  }
0x34: {  	[sflag:s20] =	ssyncset.done $0x0  }
0x35: {  	[sflag:s20] =	ssyncadd.s32 $0xFFFF8300  }
0x36: {  	[tilespmem:s13], [sflag:$0x1] =	stream.indirect.gather [hbm4b:s4+s14], $0x10, s21, s14, $0xb8;
	[tilespmem:$0x17020] =	vst v63  }
0x37: {  	_ =	swait.ge [sflag:s15], $0x7D00  }
0x38: {  	[sflag:s15] =	ssyncset.done $0x0  }
0x39: {  	[sflag:s15] =	ssyncadd.s32 $0xFFFF8300  }
0x3a: {  	[spmem:s2] =	stream.indirect.scatter.add.f32 [tilespmem:s13], [sflag:$0x3], $0x10, s22, s14, $0xb8;
	[tilespmem:$0x17020] =	vst v63  }
0x3b: {  	_ =	swait.ge [sflag:s23], $0x7D00  }
0x3c: {  	[sflag:s23] =	ssyncset.done $0x0  }
0x3d: {  	[sflag:s23] =	ssyncadd.s32 $0xFFFF8300  }
0x3e: {  	[tilespmem:s17], [sflag:$0x2] =	stream.indirect.gather [hbm4b:s4+s14], $0x10, s24, s14, $0xb8;
	[tilespmem:$0x17020] =	vst v63  }
0x3f: {  	_ =	swait.ge [sflag:s18], $0x7D00  }
0x40: {  	[sflag:s18] =	ssyncset.done $0x0  }
0x41: {  	[sflag:s18] =	ssyncadd.s32 $0xFFFF8300  }
0x42: {  	[spmem:s2] =	stream.indirect.scatter.add.f32 [tilespmem:s17], [sflag:$0x4], $0x10, s25, s14, $0xb8;
	[tilespmem:$0x17020] =	vst v63  }
0x43: {  	_ =	swait.ge [sflag:s20], $0x7D00  }
0x44: {  	[sflag:s20] =	ssyncset.done $0x0  }
0x45: {  	[sflag:s20] =	ssyncadd.s32 $0xFFFF8300  }
0x46: {  	[tilespmem:s13], [sflag:$0x1] =	stream.indirect.gather [hbm4b:s4+s14], $0x10, s26, s14, $0xb8;
	[tilespmem:$0x17020] =	vst v63  }
0x47: {  	_ =	swait.ge [sflag:s15], $0x7D00  }
0x48: {  	[sflag:s15] =	ssyncset.done $0x0  }
0x49: {  	[sflag:s15] =	ssyncadd.s32 $0xFFFF8300  }
0x4a: {  	[spmem:s2] =	stream.indirect.scatter.add.f32 [tilespmem:s13], [sflag:$0x3], $0x10, s28, s14, $0xb8;
	[tilespmem:$0x17020] =	vst v63  }
0x4b: {  	_ =	swait.ge [sflag:s23], $0x7D00  }
0x4c: {  	[sflag:s23] =	ssyncset.done $0x0  }
0x4d: {  	[sflag:s23] =	ssyncadd.s32 $0xFFFF8300  }
0x4e: {  	_ =	swait.ge [sflag:s20], $0x7D00  }
0x4f: {  	s31 =	sshll.u32 s0, $0x6;
	s29 =	sadd.s32 $0x1, s29;
	[sflag:s20] =	ssyncset.done $0x0  }
0x50: {  	s30 =	sor.u32 $0x1C05, s31;
	p0 =	sne.s32 s29, s9;
	[sflag:s20] =	ssyncadd.s32 $0xFFFF8300  }
.Ltmp1:
0x51: {  	s31 =	sshrl.u32 s7, $0x3;
	[bflag:$0x0] =	sbarrier.arrive $0xFFFF;
	(pc) =	sbr.rel @p0 .LBB2_1-.Ltmp1, $4  }
0x52: {  	[hbm:s8], [sflag:s30] =	dma.local [spmem:s31], $0x500  }
0x53: {  	_ =	swait.ge [sflag:s11], $0x500  }
0x54: {  	[sflag:s11] =	ssyncset.done $0x0  }
0x55: {  	[sflag:s11] =	ssyncadd.s32 $0xFFFFFB00  }
0x56: {  	_ =	sfence.sel $0x180000  }
0x57: {  	[bflag:$0x0] =	sbarrier.arrive $0xFFFF  }
0x58: {  	p0 =	sne.s32 s0, $0x0;
	_ =	strace $0x9000004D  }
0x59: {  	s0 =	sadd.s32 @!p0 $0x100000, s1;
	[bflag:$0x2] =	sbarrier.arrive $0xFFFF  }
0x5a: {  	[sflag:s0] =	ssyncadd.tile.s32 @!p0 $0x1;
	_ =	shalt  }
.Lfunc_end2:
_tile_overlayer_lowered:
.L_overlay_start_2:
0x5b: {  	(tag) =	ssettag $0x2  }
0x5c: {  	s0 =	rddreg [dreg:$0x0];
	s2 =	stileid.u32  }
0x5d: {  	s1 =	rddreg [dreg:$0x1];
	p0 =	sne.s32 s2, $0x0  }
0x5e: {  	s3 =	rddreg [dreg:$0x2];
	[bflag:$0x3] =	sbarrier.arrive $0xFFFF;
	s2 =	simm.s32 @!p0 $0x1C05  }
0x5f: {  	[timem:s3], [sflag:s2] =	dma.local @!p0 [hbm:s0], s1  }
0x60: {  	s0 =	simm.s32 @!p0 $0x5  }
0x61: {  	_ =	swait.ge @!p0 [sflag:s0], s1  }
0x62: {  	s1 =	ssub.s32 @!p0 $0x0, s1;
	[sflag:s0] =	ssyncset.done @!p0 $0x0  }
0x63: {  	[sflag:s0] =	ssyncadd.s32 @!p0 s1  }
0x64: {  	[bflag:$0x3] =	sbarrier.arrive $0xFFFF  }
0x65: {  	_ =	shalt  }

// kernel: kernel.8.cloned.1.call-start
scs
__scs_entry_jumppad:
0x0: {  	(pc) =	sbr.rel $0x88, $3  }
0x1: {  	(tag) =	ssettag $0x0;
	lr =	simm.s32 $0x1  }
0x2: {  	[smem:$0x3F99] =	sst lr;
	_ =	strace $0xD0000000  }
0x3: {  	_ = 	snop  }
0x4: {  	_ = 	snop  }
0x5: {  	_ = 	snop  }
0x6: {  	_ = 	snop  }
0x7: {  	_ = 	snop  }
__scs_overlays_trampoline_lowered:
0x8: {  	[smem:$0x3FA8] =	sst s0  }
0x9: {  	[smem:$0x3FA9] =	sst s1  }
0xa: {  	[smem:$0x3FAA] =	sst s2  }
0xb: {  	[smem:$0x3FAB] =	sst s3  }
0xc: {  	[smem:$0x3FAC] =	sst s4  }
0xd: {  	[smem:$0x3FAD] =	sst s5  }
0xe: {  	[smem:$0x3FAE] =	sst s6  }
0xf: {  	[smem:$0x3FAF] =	sst s7  }
0x10: {  	[smem:$0x3FB0] =	sst s8  }
0x11: {  	[smem:$0x3FB1] =	sst s9;
	s0 =	simm.s32 @!p0 $0x0  }
0x12: {  	s1 =	sld [smem:$0x3F97];
	s0 =	simm.s32 @p0 $0x1  }
0x13: {  	[smem:$0x3FB2] =	sst s0;
	s0 =	simm.s32 @!p1 $0x0  }
0x14: {  	s2 =	sld [smem:$0x3F96];
	s0 =	simm.s32 @p1 $0x1  }
0x15: {  	[smem:$0x3FB3] =	sst s0;
	s0 =	simm.s32 @!p2 $0x0  }
0x16: {  	s3 =	sld [smem:$0x3FDB];
	s0 =	simm.s32 @p2 $0x1  }
0x17: {  	s4 =	simm.s32 $0x1BF5;
	[smem:$0x3FB5] =	sst s0  }
0x18: {  	s0 =	sld [smem:$0x3F98];
	_ =	swait.ge [sflag:s4], $0x0  }
0x19: {  	s7 =	sld [smem:$0x3F99]  }
0x1a: {  	s8 =	sadd.s32 $0xFFFFE003, lr  }
0x1b: {  	s9 =	sadd.s32 $0xFFFFFEF7, lr;
	s5 =	simm.s32 $0xFFFFFFFF;
	p2 =	slt.u32 s8, $0xFFFFF086  }
0x1c: {  	p1 =	slt.u32 s9, $0xF7A;
	s5 =	simm.s32 @!p2 $0x0  }
0x1d: {  	s5 =	simm.s32 @p1 $0x1;
	p0 =	seq.s32 s7, s2  }
0x1e: {  	s7 =	smul.u32 @!p0 $0xF7A, s2;
	p2 =	seq.s32 @!p0 s5, $0x0  }
0x1f: {  	s9 =	smul.u32 $0xF7A, s1;
	s8 =	simm.s32 @!p0 $0x1BF5;
	p2 =	por !p2, p0  }
0x20: {  	[sflag:s8] =	ssyncset.s32 @!p0 $0xFFFFF086;
	s6 =	sadd.s32 @!p0 s3, s7;
	s7 =	simm.s32 @!p0 $0x108  }
0x21: {  	s3 =	sadd.s32 s3, s9;
	s6 =	sadd.s32 @!p0 $0x88, s6;
	s7 =	simm.s32 @p2 $0x1082  }
0x22: {  	[simem:s7], [sflag:s8] =	dma.local @!p0 [hbm:s6], $0xF7A  }
0x23: {  	s9 =	sor.u32 $0xD0000000, s2;
	s6 =	simm.s32 $0x108;
	_ =	swait.ge @!p0 [sflag:s8], $0x0  }
0x24: {  	s3 =	sadd.s32 $0x88, s3;
	s6 =	simm.s32 @!p1 $0x1082;
	[sflag:s4] =	ssyncset.s32 $0xFFFFF086  }
0x25: {  	[simem:s6], [sflag:s4] =	dma.local [hbm:s3], $0xF7A  }
0x26: {  	[smem:$0x3F99] =	sst s1;
	(tag) =	ssettag s2;
	_ =	strace s9  }
0x27: {  	s1 =	sld [smem:$0x3FA9]  }
0x28: {  	s2 =	sld [smem:$0x3FAA]  }
0x29: {  	s4 =	sld [smem:$0x3FAC]  }
0x2a: {  	p0 =	seq.s32 s5, $0x0;
	s5 =	sld [smem:$0x3FAD]  }
0x2b: {  	s6 =	sld [smem:$0x3FAE]  }
0x2c: {  	s7 =	sld [smem:$0x3FAF]  }
0x2d: {  	s3 =	simm.s32 $0x108;
	s8 =	sld [smem:$0x3FB0]  }
0x2e: {  	s3 =	simm.s32 @!p0 $0x1082;
	s9 =	sld [smem:$0x3FB1]  }
0x2f: {  	lr =	sadd.s32 s0, s3;
	s0 =	sld [smem:$0x3FA8]  }
0x30: {  	s3 =	sld [smem:$0x3FAB]  }
0x31: {  	[smem:$0x3FB4] =	sst s10  }
0x32: {  	s10 =	sld [smem:$0x3FB2];
	_ =	sdelay $0x3  }
0x33: {  	p0 =	seq.s32 s10, $0x1;
	s10 =	sld [smem:$0x3FB4];
	_ =	sdelay $0x3  }
0x34: {  	[smem:$0x3FB4] =	sst s10  }
0x35: {  	s10 =	sld [smem:$0x3FB3];
	_ =	sdelay $0x3  }
0x36: {  	p1 =	seq.s32 s10, $0x1;
	s10 =	sld [smem:$0x3FB4];
	_ =	sdelay $0x3  }
0x37: {  	[smem:$0x3FB4] =	sst s10  }
0x38: {  	s10 =	sld [smem:$0x3FB5]  }
0x39: {  	_ = 	snop;
	(pc) =	sbr.ind lr, $3  }
0x3a: {  	_ = 	snop  }
0x3b: {  	_ = 	snop  }
0x3c: {  	p2 =	seq.s32 s10, $0x1;
	s10 =	sld [smem:$0x3FB4]  }
0x3d: {  	_ =	shalt  }
0x3e: {  	_ =	shalt  }
0x3f: {  	_ =	shalt  }
0x40: {  	_ =	shalt  }
0x41: {  	_ =	shalt  }
0x42: {  	_ =	shalt  }
0x43: {  	_ =	shalt  }
0x44: {  	_ =	shalt  }
0x45: {  	_ =	shalt  }
0x46: {  	_ =	shalt  }
0x47: {  	_ =	shalt  }
0x48: {  	_ =	shalt  }
0x49: {  	_ =	shalt  }
0x4a: {  	_ =	shalt  }
0x4b: {  	_ =	shalt  }
0x4c: {  	_ =	shalt  }
0x4d: {  	_ =	shalt  }
0x4e: {  	_ =	shalt  }
0x4f: {  	_ =	shalt  }
0x50: {  	_ =	shalt  }
0x51: {  	_ =	shalt  }
0x52: {  	_ =	shalt  }
0x53: {  	_ =	shalt  }
0x54: {  	_ =	shalt  }
0x55: {  	_ =	shalt  }
0x56: {  	_ =	shalt  }
0x57: {  	_ =	shalt  }
0x58: {  	_ =	shalt  }
0x59: {  	_ =	shalt  }
0x5a: {  	_ =	shalt  }
0x5b: {  	_ =	shalt  }
0x5c: {  	_ =	shalt  }
0x5d: {  	_ =	shalt  }
0x5e: {  	_ =	shalt  }
0x5f: {  	_ =	shalt  }
0x60: {  	_ =	shalt  }
0x61: {  	_ =	shalt  }
0x62: {  	_ =	shalt  }
0x63: {  	_ =	shalt  }
0x64: {  	_ =	shalt  }
0x65: {  	_ =	shalt  }
0x66: {  	_ =	shalt  }
0x67: {  	_ =	shalt  }
0x68: {  	_ =	shalt  }
0x69: {  	_ =	shalt  }
0x6a: {  	_ =	shalt  }
0x6b: {  	_ =	shalt  }
0x6c: {  	_ =	shalt  }
0x6d: {  	_ =	shalt  }
0x6e: {  	_ =	shalt  }
0x6f: {  	_ =	shalt  }
0x70: {  	_ =	shalt  }
0x71: {  	_ =	shalt  }
0x72: {  	_ =	shalt  }
0x73: {  	_ =	shalt  }
0x74: {  	_ =	shalt  }
0x75: {  	_ =	shalt  }
0x76: {  	_ =	shalt  }
0x77: {  	_ =	shalt  }
0x78: {  	_ =	shalt  }
0x79: {  	_ =	shalt  }
0x7a: {  	_ =	shalt  }
0x7b: {  	_ =	shalt  }
0x7c: {  	_ =	shalt  }
0x7d: {  	_ =	shalt  }
0x7e: {  	_ =	shalt  }
0x7f: {  	_ =	shalt  }
0x80: {  	_ =	shalt  }
0x81: {  	_ =	shalt  }
0x82: {  	_ =	shalt  }
0x83: {  	_ =	shalt  }
0x84: {  	_ =	shalt  }
0x85: {  	_ =	shalt  }
0x86: {  	_ =	shalt  }
0x87: {  	_ =	shalt  }
.Lfunc_end0:
.L_simem_size_0:
called_computation_lowered:
.L_overlay_start_0:
0x88: {  	s2 =	sld [smem:$0x3FD9]  }
0x89: {  	s3 =	sld [smem:$0x3FFE];
	_ =	sdelay $0x1  }
0x8a: {  	s1 =	srdreg.scid  }
0x8b: {  	s0 =	sand.u32 $0x1, s1  }
0x8c: {  	s16 =	sshll.u32 s0, $0xA;
	s2 =	sadd.s32 s3, s2  }
0x8d: {  	s2 =	sadd.s32 s2, s16  }
0x8e: {  	[smem:$0x3FC0] =	sst s2  }
0x8f: {  	_ = 	snop  }
0x90: {  	(tm) =	ssettm $0x1  }
0x91: {  	s17 =	sld [smem:$0x3FFB];
	_ =	sdelay $0x3  }
0x92: {  	_ =	strace s17  }
0x93: {  	s2 =	sld [smem:$0x3FFC];
	_ =	sdelay $0x3  }
0x94: {  	_ =	strace s2  }
0x95: {  	s2 =	sld [smem:$0x3FFD];
	_ =	sdelay $0x3  }
0x96: {  	_ =	strace s2  }
0x97: {  	_ =	strace $0x8FFFFFFF  }
0x98: {  	s18 =	sld [smem:$0x3FDB];
	_ =	sdelay $0x1  }
0x99: {  	s19 =	simm.s32 $_scs_section_size  }
0x9a: {  	s4 =	simm.s32 $_size__tile_overlayer_lowered;
	s5 =	simm.s32 $_tile_overlayer_lowered  }
0x9b: {  	s22 =	simm.s32 $0x1BFF;
	s21 =	sshll.u32 s5, $0x1;
	s2 =	sadd.s32 s19, s18  }
0x9c: {  	s6 =	simm.s32 $0x0;
	s20 =	sshll.u32 s4, $0x1;
	s4 =	sadd.s32 s21, s2  }
0x9d: {  	[timem:s6], [sflag:s22] =	dma.local [hbm:s4], s20  }
0x9e: {  	_ =	swait.ge [sflag:s22], s20  }
0x9f: {  	s3 =	ssub.s32 $0x0, s20;
	[sflag:s22] =	ssyncset.done $0x0  }
0xa0: {  	[sflag:s22] =	ssyncadd.s32 s3;
	_ =	sdelay $0x1  }
0xa1: {  	s23 =	simm.s32 $0x1B8B  }
0xa2: {  	_ =	swait.ge [sflag:s23], $0x1  }
0xa3: {  	[sflag:s23] =	ssyncset.done $0x0  }
0xa4: {  	s25 =	simm.s32 $0x1B8E;
	s24 =	sld [smem:$0x3FFE];
	[sflag:s23] =	ssyncadd.s32 $0xFFFFFFFF  }
0xa5: {  	s26 =	simm.s32 $execute0_lowered;
	[smem:$0x3FD2] =	sst s25  }
0xa6: {  	s4 =	sshll.u32 s26, $0x1;
	_ =	strace $0x80000046;
	[dreg:$0x1] =	wrdreg $0xFFFFFFFF  }
0xa7: {  	s28 =	simm.s32 $_size_execute0_lowered;
	s2 =	sadd.s32 s2, s4;
	[dreg:$0x0] =	wrdreg $0x0  }
0xa8: {  	s4 =	sshll.u32 s28, $0x1;
	[dreg:$0x2] =	wrdreg s2  }
0xa9: {  	[dreg:$0x3] =	wrdreg s4  }
0xaa: {  	[dreg:$0x4] =	wrdreg $0xC0  }
0xab: {  	_ =	task [dreg:s6], $0x5FFFF  }
0xac: {  	[dreg:$0x1] =	wrdreg $0xFFFFFFFF  }
0xad: {  	[dreg:$0x0] =	wrdreg $0x60  }
0xae: {  	[dreg:$0x2] =	wrdreg s24  }
0xaf: {  	[dreg:$0x3] =	wrdreg $0x0  }
0xb0: {  	[dreg:$0x4] =	wrdreg $0x2800  }
0xb1: {  	[dreg:$0x5] =	wrdreg $0x9  }
0xb2: {  	_ =	task.clear_ibuf [dreg:s6], $0x6FFFF;
	_ =	strace $0x90000046  }
0xb3: {  	s29 =	simm.s32 $0x9;
	_ =	strace $0x80000048  }
0xb4: {  	_ =	swait.ge [sflag:s29], $0x1  }
0xb5: {  	[sflag:s29] =	ssyncadd.s32 $0xFFFFFFFF  }
0xb6: {  	_ =	strace $0x90000048  }
0xb7: {  	_ =	sfence  }
0xb8: {  	s30 =	sld [smem:$0x0];
	_ =	sdelay $0x2  }
0xb9: {  	s31 =	sshll.u32 s1, $0xD;
	s1 =	sshrl.u32 s1, $0x2  }
0xba: {  	s3 =	sand.u32 $0x4000, s31;
	s1 =	sadd.s32 s1, s30  }
0xbb: {  	s0 =	sor.u32 s3, s0;
	s1 =	sshll.u32 s1, $0x11  }
0xbc: {  	s0 =	sor.u32 s1, s0  }
0xbd: {  	s0 =	sadd.s32 $0x8F2B, s0  }
0xbe: {  	[sflag:s0] =	ssyncadd.remote.s32 $0x1  }
0xbf: {  	_ =	sfence.sel $0xFFFF  }
0xc0: {  	[dreg:$0x0] =	wrdreg $0xFFFFFFFF;
	(pc) =	sbr.abs _section_cstart, $3  }
0xc1: {  	[dreg:$0x1] =	wrdreg $0xFFFFFFFF  }
0xc2: {  	_ =	task.clear_ibuf [dreg:s6], $0x2FFFF;
	_ =	strace $0x9FFFFFFF  }
0xc3: {  	(tm) =	ssettm $0x7FFFFFFF  }
tec
execute0_lowered:
.L_overlay_start_1:
0x0: {  	(tag) =	ssettag $0x1  }
0x1: {  	s5 =	rddreg [dreg:$0x0]  }
0x2: {  	s2 =	rddreg [dreg:$0x1];
	s0 =	srdreg.scid  }
0x3: {  	s3 =	rddreg [dreg:$0x2];
	s1 =	stileid.u32  }
0x4: {  	s4 =	simm.s32 $0x0;
	s13 =	simm.s32 $0x1;
	s14 =	simm.s32 $0x2C10  }
0x5: {  	s15 =	simm.s32 $0x7A30;
	s16 =	simm.s32 $0x2710;
	s17 =	simm.s32 $0x5320  }
0x6: {  	s21 =	simm.s32 $0x0;
	s6 =	sand.u32 $0x1, s0;
	s8 =	smul.u32 $0x280, s1  }
0x7: {  	s0 =	rddreg [dreg:$0x3];
	s7 =	sshll.u32 s6, $0x4;
	s9 =	smul.u32 $0x2800, s6  }
0x8: {  	[smem:$0x7FF] =	sst s4;
	s18 =	sshll.u32 s1, $0x6;
	s7 =	sor.u32 s1, s7  }
0x9: {  	_ =	strace $0x80000047;
	s7 =	smul.u32 $0x2710, s7;
	s9 =	sadd.s32 s8, s9  }
0xa: {  	s6 =	ssub.s32 $0x2, s6;
	s18 =	sor.u32 $0x1C01, s18;
	s9 =	sshrl.u32 s9, $0x3  }
0xb: {  	s10 =	sshrl.u32 s6, $0x1;
	s7 =	sshrl.u32 s7, $0x3;
	s11 =	sadd.s32 s9, s5  }
0xc: {  	s12 =	ssub.s32 s6, s10;
	s7 =	sadd.s32 s7, s5;
	s9 =	sadd.s32 $0x16A00, s11  }
0xd: {  	s10 =	sadd.s32 $0x17400, s11;
	s11 =	smax.u32 s12, $0x1;
	s5 =	sadd.s32 $0x3000, s7  }
0xe: {  	s6 =	sadd.s32 $0xCC40, s7;
	s7 =	sadd.s32 s8, s2;
	s8 =	sadd.s32 s8, s3  }
0xf: {  	v0 =	vimm.f32 $1.000000000e+00;
	v1 =	vimm.f32 $0.0e+00;
	s12 =	simm.s32 $0x500;
	s19 =	sshrl.u32 s7, $0x3;
	s20 =	sshrl.u32 s8, $0x3  }
.LBB2_1:
0x10: {  	[tilespmem:s12], [sflag:$0x1] =	stream.linear.gather [hbm4b:s5+s4], $0x2710, $0x38;
	[tilespmem:$0x7CB0] =	vst v63  }
0x11: {  	_ =	swait.ge [sflag:s13], $0x2710  }
0x12: {  	[sflag:s13] =	ssyncset.done $0x0  }
0x13: {  	[sflag:s13] =	ssyncadd.s32 $0xFFFFD8F0  }
0x14: {  	[tilespmem:s14], [sflag:$0x1] =	stream.linear.gather [hbm4b:s6+s4], $0x2710, $0x38;
	[tilespmem:$0x7CB0] =	vst v63  }
0x15: {  	_ =	swait.ge [sflag:s13], $0x2710  }
0x16: {  	[sflag:s13] =	ssyncset.done $0x0  }
0x17: {  	s22 =	simm.s32 $0x5340;
	[sflag:s13] =	ssyncadd.s32 $0xFFFFD8F0  }
0x18: {  	[tilespmem:s22+$0xFFFFFFE0] =	vst v0  }
0x19: {  	[tilespmem:s22+$0x10] =	vst v0  }
0x1a: {  	s23 =	simm.s32 $0x0;
	[tilespmem:s22+$0x0] =	vst v0  }
.LBB2_2:
0x1b: {  	s23 =	sadd.s32 $0x4, s23  }
0x1c: {  	[tilespmem:s22+$0xFFFFFFF0] =	vst v0;
	s22 =	sadd.s32 $0x40, s22;
	p0 =	slt.u32 s23, $0x26C  }
.Ltmp0:
0x1d: {  	[tilespmem:s22+$0xFFFFFFE0] =	vst v0;
	(pc) =	sbr.rel @p0 .LBB2_2-.Ltmp0, $3  }
0x1e: {  	_ =	sdelay $0x1  }
0x1f: {  	[tilespmem:s22+$0x10] =	vst v0  }
0x20: {  	[tilespmem:s22+$0x0] =	vst v0  }
0x21: {  	[tilespmem:s22+$0xFFFFFFF0] =	vst v0  }
0x22: {  	[tilespmem:$0x7A20] =	vst v0  }
0x23: {  	[tilespmem:$0x7A30] =	vst v1  }
0x24: {  	[tilespmem:$0x7A40] =	vst v1  }
0x25: {  	[tilespmem:$0x7A50] =	vst v1  }
0x26: {  	[tilespmem:$0x7A60] =	vst v1  }
0x27: {  	[tilespmem:$0x7A70] =	vst v1  }
0x28: {  	[tilespmem:$0x7A80] =	vst v1  }
0x29: {  	[tilespmem:$0x7A90] =	vst v1  }
0x2a: {  	[tilespmem:$0x7AA0] =	vst v1  }
0x2b: {  	[tilespmem:$0x7AB0] =	vst v1  }
0x2c: {  	[tilespmem:$0x7AC0] =	vst v1  }
0x2d: {  	[tilespmem:$0x7AD0] =	vst v1  }
0x2e: {  	[tilespmem:$0x7AE0] =	vst v1  }
0x2f: {  	[tilespmem:$0x7AF0] =	vst v1  }
0x30: {  	[tilespmem:$0x7B00] =	vst v1  }
0x31: {  	[tilespmem:$0x7B10] =	vst v1  }
0x32: {  	[tilespmem:$0x7B20] =	vst v1  }
0x33: {  	[tilespmem:$0x7B30] =	vst v1  }
0x34: {  	[tilespmem:$0x7B40] =	vst v1  }
0x35: {  	[tilespmem:$0x7B50] =	vst v1  }
0x36: {  	[tilespmem:$0x7B60] =	vst v1  }
0x37: {  	[tilespmem:$0x7B70] =	vst v1  }
0x38: {  	[tilespmem:$0x7B80] =	vst v1  }
0x39: {  	[tilespmem:$0x7B90] =	vst v1  }
0x3a: {  	[tilespmem:$0x7BA0] =	vst v1  }
0x3b: {  	[tilespmem:$0x7BB0] =	vst v1  }
0x3c: {  	[tilespmem:$0x7BC0] =	vst v1  }
0x3d: {  	[tilespmem:$0x7BD0] =	vst v1  }
0x3e: {  	[tilespmem:$0x7BE0] =	vst v1  }
0x3f: {  	[tilespmem:$0x7BF0] =	vst v1  }
0x40: {  	[tilespmem:$0x7C00] =	vst v1  }
0x41: {  	[tilespmem:$0x7C10] =	vst v1  }
0x42: {  	[tilespmem:$0x7C20] =	vst v1  }
0x43: {  	[tilespmem:$0x7C30] =	vst v1  }
0x44: {  	[tilespmem:$0x7C40] =	vst v1  }
0x45: {  	[tilespmem:$0x7C50] =	vst v1  }
0x46: {  	[tilespmem:$0x7C60] =	vst v1  }
0x47: {  	[tilespmem:$0x7C70] =	vst v1  }
0x48: {  	[tilespmem:$0x7C80] =	vst v1  }
0x49: {  	[tilespmem:$0x7C90] =	vst v1  }
0x4a: {  	[tilespmem:$0x7CA0] =	vst v1  }
0x4b: {  	[spmem:s7] =	stream.linear.scatter [tilespmem:s15], [sflag:$0x1], $0x280, $0x38;
	[tilespmem:$0x7CB0] =	vst v63  }
0x4c: {  	_ =	swait.ge [sflag:s13], $0x280  }
0x4d: {  	[sflag:s13] =	ssyncset.done $0x0  }
0x4e: {  	[sflag:s13] =	ssyncadd.s32 $0xFFFFFD80  }
0x4f: {  	[spmem:s8] =	stream.linear.scatter [tilespmem:s15], [sflag:$0x1], $0x280, $0x38;
	[tilespmem:$0x7CB0] =	vst v63  }
0x50: {  	_ =	swait.ge [sflag:s13], $0x280  }
0x51: {  	[sflag:s13] =	ssyncset.done $0x0  }
0x52: {  	[sflag:s13] =	ssyncadd.s32 $0xFFFFFD80  }
0x53: {  	[bflag:$0x0] =	sbarrier.arrive $0xFFFF  }
0x54: {  	[spmem:s3] =	stream.indirect.scatter.add.f32 [tilespmem:s17], [sflag:$0x1], $0x1, s12, s16, $0xb8;
	[tilespmem:$0x7CB0] =	vst v63  }
0x55: {  	_ =	swait.ge [sflag:s13], $0x2710  }
0x56: {  	[sflag:s13] =	ssyncset.done $0x0  }
0x57: {  	[sflag:s13] =	ssyncadd.s32 $0xFFFFD8F0  }
0x58: {  	[spmem:s2] =	stream.indirect.scatter.add.f32 [tilespmem:s17], [sflag:$0x1], $0x1, s14, s16, $0xb8;
	[tilespmem:$0x7CB0] =	vst v63  }
0x59: {  	_ =	swait.ge [sflag:s13], $0x2710  }
0x5a: {  	[sflag:s13] =	ssyncset.done $0x0  }
0x5b: {  	[sflag:s13] =	ssyncadd.s32 $0xFFFFD8F0  }
0x5c: {  	[bflag:$0x0] =	sbarrier.arrive $0xFFFF  }
0x5d: {  	[hbm:s9], [sflag:s18] =	dma.local [spmem:s19], $0x50  }
0x5e: {  	s21 =	sadd.s32 $0x1, s21;
	_ =	swait.ge [sflag:s13], $0x50  }
0x5f: {  	p0 =	sne.s32 s21, s11;
	[sflag:s13] =	ssyncset.done $0x0  }
.Ltmp1:
0x60: {  	[sflag:s13] =	ssyncadd.s32 $0xFFFFFFB0;
	(pc) =	sbr.rel @p0 .LBB2_1-.Ltmp1, $4  }
0x61: {  	[hbm:s10], [sflag:s18] =	dma.local [spmem:s20], $0x50  }
0x62: {  	_ =	swait.ge [sflag:s13], $0x50  }
0x63: {  	[sflag:s13] =	ssyncset.done $0x0  }
0x64: {  	[sflag:s13] =	ssyncadd.s32 $0xFFFFFFB0  }
0x65: {  	_ =	sfence.sel $0x180000  }
0x66: {  	[bflag:$0x0] =	sbarrier.arrive $0xFFFF  }
0x67: {  	p0 =	sne.s32 s1, $0x0;
	_ =	strace $0x90000047  }
0x68: {  	s0 =	sadd.s32 @!p0 $0x100000, s0;
	[bflag:$0x2] =	sbarrier.arrive $0xFFFF  }
0x69: {  	[sflag:s0] =	ssyncadd.tile.s32 @!p0 $0x1;
	_ =	shalt  }
.Lfunc_end2:
_tile_overlayer_lowered:
.L_overlay_start_2:
0x6a: {  	(tag) =	ssettag $0x2  }
0x6b: {  	s0 =	rddreg [dreg:$0x0];
	s2 =	stileid.u32  }
0x6c: {  	s1 =	rddreg [dreg:$0x1];
	p0 =	sne.s32 s2, $0x0  }
0x6d: {  	s3 =	rddreg [dreg:$0x2];
	[bflag:$0x3] =	sbarrier.arrive $0xFFFF;
	s2 =	simm.s32 @!p0 $0x1C01  }
0x6e: {  	[timem:s3], [sflag:s2] =	dma.local @!p0 [hbm:s0], s1  }
0x6f: {  	s0 =	simm.s32 @!p0 $0x1  }
0x70: {  	_ =	swait.ge @!p0 [sflag:s0], s1  }
0x71: {  	s1 =	ssub.s32 @!p0 $0x0, s1;
	[sflag:s0] =	ssyncset.done @!p0 $0x0  }
0x72: {  	[sflag:s0] =	ssyncadd.s32 @!p0 s1  }
0x73: {  	[bflag:$0x3] =	sbarrier.arrive $0xFFFF  }
0x74: {  	_ =	shalt  }

</sc_bundles>
